<compile_context>
chip_gen: v7x
topology: tpu7x:2x2x1
jax: 0.10.2.dev20260603
libtpu: 0.0.44.dev20260713+nightly
codegen_flags: <defaults>
</compile_context>

<pallas_src>
import functools

import jax
import jax.numpy as jnp
import numpy as np
from jax import lax
from jax.experimental import pallas as pl
from jax.experimental.pallas import tpu as pltpu
from jax.experimental.pallas import tpu_sc as plsc

_IMG = 416.0
_ANCH = [(14.0, 18.0), (34.0, 41.0), (53.0, 88.0), (92.0, 56.0),
         (104.0, 125.0), (126.0, 226.0), (234.0, 151.0), (216.0, 298.0),
         (375.0, 362.0)]
_MASKS = [(6, 7, 8), (3, 4, 5), (0, 1, 2)]
_WS = (13, 26, 52)
_B, _N = 8, 20
_LC, _LN = 5.0, 0.5

_NW = 32
_BN = _B * _N
_ROWS = 1024
_PT = _ROWS // _NW


def _sp(x):
    return jnp.maximum(x, 0.0) + jnp.log1p(jnp.exp(-jnp.abs(x)))


def _bce(x, z):
    return jnp.maximum(x, 0.0) - x * z + jnp.log1p(jnp.exp(-jnp.abs(x)))


def _assign_body(p0, p1, p2, gxr, gyr, gwr, ghr, gclsr, iour,
                 conf_o, t0_o, t1_o, t2_o, iw0_o, iig_o, islf_o,
                 win_o, cwin_o, iwin_o, bsel_o, cslf_o,
                 tx_o, ty_o, tw_o, th_o, sem0, sem1, sem2, sem3):
    h = pl.program_id(0)
    cp0 = pltpu.async_copy(p0.at[0, :, :, 0:128], t0_o.at[:, 0, :, :], sem0)
    cp1 = pltpu.async_copy(p1.at[0, :, :, 0:128], t1_o.at[:, 0, :, :], sem1)
    cp2a = pltpu.async_copy(p2.at[0, :, :, 0:128],
                            t2_o.at[pl.ds(0, 52), 0, :, :], sem2)
    cp2b = pltpu.async_copy(p2.at[1, :, :, 0:128],
                            t2_o.at[pl.ds(52, 52), 0, :, :], sem3)
    t0_o[:, 1, :, 0:127] = p0[0, :, :, 128:255]
    t0_o[:, 1, :, 127:128] = jnp.zeros((13, _B, 1), jnp.float32)
    t1_o[:, 1, :, 0:127] = p1[0, :, :, 128:255]
    t1_o[:, 1, :, 127:128] = jnp.zeros((26, _B, 1), jnp.float32)
    for r in range(2):
        t2_o[pl.ds(r * 52, 52), 1, :, 0:127] = p2[r, :, :, 128:255]
        t2_o[pl.ds(r * 52, 52), 1, :, 127:128] = (
            jnp.zeros((52, _B, 1), jnp.float32))

    c12 = jnp.float32(0.0)
    c0 = jnp.float32(0.0)
    for aa in range(3):
        ch = 85 * aa + 4
        c12 = (c12 + jnp.sum(_sp(p1[0, :, :, ch]))
               + jnp.sum(_sp(p2[:, :, :, ch])))
        c0 = c0 + jnp.sum(_sp(p0[0, :, :, ch]))
    cp0.wait()
    cp1.wait()
    cp2a.wait()
    cp2b.wait()

    @pl.when(h == 0)
    def _():
        conf_o[...] = jnp.zeros((1, 1), jnp.float32)

    conf_o[...] = conf_o[...] + jnp.full((1, 1), _LN * c12, jnp.float32)

    @pl.when(h < 13)
    def _():
        conf_o[...] = conf_o[...] + jnp.full((1, 1), _LN * c0, jnp.float32)

    @pl.when(h == 0)
    def _():
        gx = gxr[...]
        gy = gyr[...]
        gw = gwr[...]
        gh = ghr[...]
        gcls = gclsr[...]
        bidx = lax.broadcasted_iota(jnp.int32, (_B, _N), 0)
        ltr = (lax.broadcasted_iota(jnp.int32, (_B, _N, _N), 1)
               < lax.broadcasted_iota(jnp.int32, (_B, _N, _N), 2))
        clseq = gcls[:, :, None] == gcls[:, None, :]
        for s in range(3):
            W = _WS[s]
            awl = [np.float32(_ANCH[m][0]) / np.float32(_IMG)
                   for m in _MASKS[s]]
            ahl = [np.float32(_ANCH[m][1]) / np.float32(_IMG)
                   for m in _MASKS[s]]
            ious = [iour[s, aa] for aa in range(3)]
            best = jnp.zeros((_B, _N), jnp.int32)
            bv = ious[0]
            for aa in (1, 2):
                better = ious[aa] > bv
                best = jnp.where(better, aa, best)
                bv = jnp.maximum(bv, ious[aa])
            gi = jnp.minimum((gx * W).astype(jnp.int32), W - 1)
            gj = jnp.minimum((gy * W).astype(jnp.int32), W - 1)
            cell = gj * W + gi
            key = best * (W * W) + cell
            same_key = key[:, :, None] == key[:, None, :]
            win = ~jnp.any(same_key & ltr, axis=-1)
            cwin = ~jnp.any(same_key & clseq & ltr, axis=-1)
            same_cell = cell[:, :, None] == cell[:, None, :]
            aw_b = jnp.where(best == 1, awl[1], awl[0])
            aw_b = jnp.where(best == 2, awl[2], aw_b)
            ah_b = jnp.where(best == 1, ahl[1], ahl[0])
            ah_b = jnp.where(best == 2, ahl[2], ah_b)
            tx_o[s] = gx * W - gi.astype(jnp.float32)
            ty_o[s] = gy * W - gj.astype(jnp.float32)
            tw_o[s] = jnp.log(gw / aw_b)
            th_o[s] = jnp.log(gh / ah_b)
            win_o[s] = win.astype(jnp.float32)
            cwin_o[s] = cwin.astype(jnp.float32)
            bsel_o[s] = best
            rbase = cell * 16 + bidx
            iw0_o[s] = rbase
            cself = 85 * best + 5 + gcls
            islf_o[s] = rbase + 8 * (cself // 128)
            cslf_o[s] = cself % 128
            for aa in range(3):
                ig = ious[aa] > 0.5
                lat = jnp.any(same_cell & ltr & ig[:, None, :], axis=-1)
                inobj = jnp.any(same_cell & (best[:, None, :] == aa), axis=-1)
                iwin_o[s, aa] = (ig & ~lat & ~inobj).astype(jnp.float32)
                iig_o[s, aa] = rbase + (8 if aa == 2 else 0)


def _assign(pt0, pt1, pt2, gx, gy, gw, gh, gcls, ious):
    f32 = jnp.float32
    i32 = jnp.int32
    out_shape = [
        jax.ShapeDtypeStruct((1, 1), f32),
        jax.ShapeDtypeStruct((169, 2, _B, 128), f32),
        jax.ShapeDtypeStruct((676, 2, _B, 128), f32),
        jax.ShapeDtypeStruct((2704, 2, _B, 128), f32),
        jax.ShapeDtypeStruct((3, _B, _N), i32),
        jax.ShapeDtypeStruct((3, 3, _B, _N), i32),
        jax.ShapeDtypeStruct((3, _B, _N), i32),
        jax.ShapeDtypeStruct((3, _B, _N), f32),
        jax.ShapeDtypeStruct((3, _B, _N), f32),
        jax.ShapeDtypeStruct((3, 3, _B, _N), f32),
        jax.ShapeDtypeStruct((3, _B, _N), i32),
        jax.ShapeDtypeStruct((3, _B, _N), i32),
        jax.ShapeDtypeStruct((3, _B, _N), f32),
        jax.ShapeDtypeStruct((3, _B, _N), f32),
        jax.ShapeDtypeStruct((3, _B, _N), f32),
        jax.ShapeDtypeStruct((3, _B, _N), f32),
    ]
    s0_map = lambda h: (jnp.minimum(h, 12), 0, 0, 0)
    row_map = lambda h: (h, 0, 0, 0)
    gt_map = lambda h: (0, 0)
    in_specs = [
        pl.BlockSpec((1, 13, _B, 255), s0_map),
        pl.BlockSpec((1, 26, _B, 255), row_map),
        pl.BlockSpec((2, 52, _B, 255), row_map),
        pl.BlockSpec((_B, _N), gt_map),
        pl.BlockSpec((_B, _N), gt_map),
        pl.BlockSpec((_B, _N), gt_map),
        pl.BlockSpec((_B, _N), gt_map),
        pl.BlockSpec((_B, _N), gt_map),
        pl.BlockSpec((3, 3, _B, _N), lambda h: (0, 0, 0, 0)),
    ]
    out_specs = [
        pl.BlockSpec((1, 1), lambda h: (0, 0)),
        pl.BlockSpec((13, 2, _B, 128), s0_map),
        pl.BlockSpec((26, 2, _B, 128), row_map),
        pl.BlockSpec((104, 2, _B, 128), row_map),
    ] + [
        pl.BlockSpec(o.shape, lambda h, nd=len(o.shape): (0,) * nd)
        for o in out_shape[4:]
    ]
    return pl.pallas_call(
        _assign_body,
        grid=(26,),
        in_specs=in_specs,
        out_specs=out_specs,
        out_shape=out_shape,
        scratch_shapes=[pltpu.SemaphoreType.DMA] * 4,
    )(pt0, pt1, pt2, gx, gy, gw, gh, gcls, ious)


def _gather_sc(t0v, t1v, t2v, idx):
    mesh = plsc.VectorSubcoreMesh(core_axis_name="c", subcore_axis_name="s")

    @functools.partial(
        pl.kernel,
        out_type=jax.ShapeDtypeStruct((3 * _ROWS, 128), jnp.float32),
        mesh=mesh,
        scratch_types=[
            pltpu.VMEM((_PT,), jnp.int32),
            pltpu.VMEM((_PT, 128), jnp.float32),
            pltpu.SemaphoreType.DMA,
        ],
    )
    def k2(t0_h, t1_h, t2_h, idx_h, out_h, idx_v, rows_v, sem):
        wid = lax.axis_index("s") * 2 + lax.axis_index("c")
        for s, p in enumerate((t0_h, t1_h, t2_h)):
            off = s * _ROWS + wid * _PT
            pltpu.sync_copy(idx_h.at[pl.ds(off, _PT)], idx_v)
            pltpu.async_copy(p.at[idx_v], rows_v, sem).wait()
            pltpu.sync_copy(rows_v, out_h.at[pl.ds(off, _PT)])

    return k2(t0v, t1v, t2v, idx)


def _combine_body(gw0r, gw1r, gigr, gslfr, winr, cwinr, iwinr, bselr, cslfr,
                  txr, tyr, twr, thr, cbr, out):
    w0 = gw0r[...]
    w1 = gw1r[...]
    best = bselr[...]
    win = winr[...]
    ga0 = w0[..., 0:85]
    ga1 = jnp.concatenate([w0[..., 85:128], w1[..., 0:42]], axis=-1)
    ga2 = w1[..., 42:127]
    b1 = best == 1
    b2 = best == 2
    g85 = jnp.where(b2, ga2, jnp.where(b1, ga1, ga0))
    px = g85[..., 0]
    py = g85[..., 1]
    pw = g85[..., 2]
    ph = g85[..., 3]
    pc = g85[..., 4]
    clssum = jnp.sum(_sp(g85[..., 5:]), axis=-1)
    posval = (_LC * (_bce(px, txr[...]) + _bce(py, tyr[...])
                     + (pw - twr[...]) ** 2 + (ph - thr[...]) ** 2)
              + _sp(-pc) - _LN * _sp(pc) + clssum)
    gig = gigr[...]
    iwin = iwinr[...]
    isub = (jnp.sum(iwin[:, 0] * _sp(gig[:, 0, ..., 4]))
            + jnp.sum(iwin[:, 1] * _sp(gig[:, 1, ..., 89]))
            + jnp.sum(iwin[:, 2] * _sp(gig[:, 2, ..., 46])))
    lanes = lax.broadcasted_iota(jnp.int32, (3, _B, _N, 128), 3)
    onehot = (lanes == cslfr[...]).astype(jnp.float32)
    pcslf = jnp.sum(gslfr[...] * onehot, axis=-1)
    total = (jnp.sum(cbr[...])
             + jnp.sum(win * posval)
             - jnp.sum(cwinr[...] * pcslf)
             - _LN * isub)
    out[...] = jnp.full((1, 1), total / jnp.sum(win), jnp.float32)


def _combine(gw0, gw1, gig, gslf, win, cwin, iwin, bsel, cslf,
             tx, ty, tw, th, conf_b):
    return pl.pallas_call(
        _combine_body,
        out_shape=jax.ShapeDtypeStruct((1, 1), jnp.float32),
    )(gw0, gw1, gig, gslf, win, cwin, iwin, bsel, cslf, tx, ty, tw, th, conf_b)


def _tile_view(t, hh, ww):
    return t.reshape(hh * ww * 16, 128)


def kernel(pred0, pred1, pred2, gt_boxes, gt_cls):
    gx = gt_boxes[..., 0]
    gy = gt_boxes[..., 1]
    gw = gt_boxes[..., 2]
    gh = gt_boxes[..., 3]
    gcls = gt_cls.astype(jnp.int32)
    pt0 = pred0.transpose(2, 3, 0, 1)
    pt1 = pred1.transpose(2, 3, 0, 1)
    pt2 = pred2.transpose(2, 3, 0, 1)
    anchors = jnp.array(_ANCH, dtype=jnp.float32)
    order = [m for mask in _MASKS for m in mask]
    aw9 = anchors[jnp.array(order), 0] / _IMG
    ah9 = anchors[jnp.array(order), 1] / _IMG
    ix1 = jnp.maximum((gx - gw / 2)[..., None], gx[..., None] - aw9 / 2)
    iy1 = jnp.maximum((gy - gh / 2)[..., None], gy[..., None] - ah9 / 2)
    ix2 = jnp.minimum((gx + gw / 2)[..., None], gx[..., None] + aw9 / 2)
    iy2 = jnp.minimum((gy + gh / 2)[..., None], gy[..., None] + ah9 / 2)
    inter = jnp.clip(ix2 - ix1, 0.0) * jnp.clip(iy2 - iy1, 0.0)
    union = (gw * gh)[..., None] + aw9 * ah9 - inter + 1e-16
    ious = jnp.transpose(inter / union, (2, 0, 1)).reshape(3, 3, _B, _N)
    (conf_b, t0, t1, t2, iw0, iig, islf, win, cwin, iwin, bsel, cslf,
     tx, ty, tw, th) = _assign(pt0, pt1, pt2, gx, gy, gw, gh, gcls, ious)
    idx = jnp.concatenate(
        [iw0.reshape(3, _BN), iw0.reshape(3, _BN) + 8, iig.reshape(3, 3 * _BN),
         islf.reshape(3, _BN), jnp.zeros((3, _ROWS - 6 * _BN), jnp.int32)],
        axis=1).reshape(-1)
    g = _gather_sc(_tile_view(t0, 13, 13), _tile_view(t1, 26, 26),
                   _tile_view(t2, 52, 52), idx).reshape(3, _ROWS, 128)
    gw0 = g[:, 0:_BN].reshape(3, _B, _N, 128)
    gw1 = g[:, _BN:2 * _BN].reshape(3, _B, _N, 128)
    gig = g[:, 2 * _BN:5 * _BN].reshape(3, 3, _B, _N, 128)
    gslf = g[:, 5 * _BN:6 * _BN].reshape(3, _B, _N, 128)
    out = _combine(gw0, gw1, gig, gslf, win, cwin, iwin,
                   bsel.reshape(3, _B, _N, 1), cslf.reshape(3, _B, _N, 1),
                   tx, ty, tw, th, conf_b)
    return out[0, 0]

# --- scband reference (transcript-rebuilt; emitter-appended) ---
"""Pipeline reference for scband-yolov3-loss-54924041781950 (READ-ONLY COPY).

The authoritative reference and input builder live on the scoring server;
editing this copy changes nothing except your own understanding.
"""

import jax, jax.numpy as jnp
import numpy as np

ANCHORS = jnp.array([[14.,18.],[34.,41.],[53.,88.],[92.,56.],[104.,125.],[126.,226.],[234.,151.],[216.,298.],[375.,362.]], dtype=jnp.float32)
NUM_CLASSES = 80
IMG_SIZE = 416.0
IGNORE_THRESH = 0.5
LAMBDA_COORD = 5.0
LAMBDA_NOOBJ = 0.5
ANCHOR_MASKS = [[6, 7, 8], [3, 4, 5], [0, 1, 2]]


def setup_inputs(seed: int = 0):
    key = jax.random.key(seed)
    k1, k2, k3, k4, k5 = jax.random.split(key, 5)
    B, N = 8, 20
    pred0 = jax.random.normal(k1, (B, 255, 13, 13), dtype=jnp.float32)
    pred1 = jax.random.normal(k2, (B, 255, 26, 26), dtype=jnp.float32)
    pred2 = jax.random.normal(k3, (B, 255, 52, 52), dtype=jnp.float32)
    gt_boxes = jax.random.uniform(k4, (B, N, 4), dtype=jnp.float32, minval=0.05, maxval=0.95)
    gt_cls = jax.random.randint(k5, (B, N), 0, NUM_CLASSES)
    return {"pred0": pred0, "pred1": pred1, "pred2": pred2, "gt_boxes": gt_boxes, "gt_cls": gt_cls}


def _bce_logits(x, z):
    return jnp.maximum(x, 0.0) - x * z + jnp.log1p(jnp.exp(-jnp.abs(x)))


def _scale_loss(pred_raw, gt_boxes, gt_cls, anchor_wh):
    B, C, H, W = pred_raw.shape
    A = anchor_wh.shape[0]
    N = gt_boxes.shape[1]
    pred = pred_raw.reshape(B, A, 5 + NUM_CLASSES, H, W).transpose(0, 1, 3, 4, 2)
    gx, gy, gw, gh = gt_boxes[..., 0], gt_boxes[..., 1], gt_boxes[..., 2], gt_boxes[..., 3]
    aw, ah = anchor_wh[:, 0], anchor_wh[:, 1]
    inter_x1 = jnp.maximum((gx - gw / 2)[..., None], gx[..., None] - aw / 2)
    inter_y1 = jnp.maximum((gy - gh / 2)[..., None], gy[..., None] - ah / 2)
    inter_x2 = jnp.minimum((gx + gw / 2)[..., None], gx[..., None] + aw / 2)
    inter_y2 = jnp.minimum((gy + gh / 2)[..., None], gy[..., None] + ah / 2)
    inter = jnp.clip(inter_x2 - inter_x1, 0.0) * jnp.clip(inter_y2 - inter_y1, 0.0)
    union = (gw * gh)[..., None] + aw * ah - inter + 1e-16
    iou = inter / union
    best = jnp.argmax(iou, axis=-1)
    gi = jnp.minimum((gx * W).astype(jnp.int32), W - 1)
    gj = jnp.minimum((gy * H).astype(jnp.int32), H - 1)
    bb = jnp.broadcast_to(jnp.arange(B)[:, None, None], (B, N, A))
    aa = jnp.broadcast_to(jnp.arange(A)[None, None, :], (B, N, A))
    gjb = jnp.broadcast_to(gj[:, :, None], (B, N, A))
    gib = jnp.broadcast_to(gi[:, :, None], (B, N, A))
    ign = jnp.zeros((B, A, H, W), jnp.float32).at[bb, aa, gjb, gib].add((iou > IGNORE_THRESH).astype(jnp.float32))
    ignore = ign > 0
    bi = jnp.broadcast_to(jnp.arange(B)[:, None], (B, N))
    z = jnp.zeros((B, A, H, W), jnp.float32)
    tx = z.at[bi, best, gj, gi].set(gx * W - gi.astype(jnp.float32))
    ty = z.at[bi, best, gj, gi].set(gy * H - gj.astype(jnp.float32))
    tw = z.at[bi, best, gj, gi].set(jnp.log(gw / aw[best]))
    th = z.at[bi, best, gj, gi].set(jnp.log(gh / ah[best]))
    tconf = z.at[bi, best, gj, gi].set(1.0)
    tcls = jnp.zeros((B, A, H, W, NUM_CLASSES), jnp.float32).at[bi, best, gj, gi, gt_cls].set(1.0)
    obj = (tconf == 1.0).astype(jnp.float32)
    noobj = ((tconf == 0.0) & (~ignore)).astype(jnp.float32)
    loss_x = jnp.sum(_bce_logits(pred[..., 0], tx) * obj)
    loss_y = jnp.sum(_bce_logits(pred[..., 1], ty) * obj)
    loss_w = jnp.sum(((pred[..., 2] - tw) ** 2) * obj)
    loss_h = jnp.sum(((pred[..., 3] - th) ** 2) * obj)
    loss_conf_obj = jnp.sum(_bce_logits(pred[..., 4], tconf) * obj)
    loss_conf_noobj = jnp.sum(_bce_logits(pred[..., 4], tconf) * noobj)
    loss_cls = jnp.sum(_bce_logits(pred[..., 5:], tcls) * obj[..., None])
    num_pos = jnp.sum(tconf)
    total = LAMBDA_COORD * (loss_x + loss_y + loss_w + loss_h) + loss_conf_obj + LAMBDA_NOOBJ * loss_conf_noobj + loss_cls
    return total, num_pos


def reference(pred0, pred1, pred2, gt_boxes, gt_cls):
    total = 0.0
    num_pos = 0.0
    for pred, mask in zip([pred0, pred1, pred2], ANCHOR_MASKS):
        anchor_wh = ANCHORS[jnp.array(mask)] / IMG_SIZE
        l, p = _scale_loss(pred, gt_boxes, gt_cls, anchor_wh)
        total = total + l
        num_pos = num_pos + p
    return total / num_pos

if __name__ == "__main__":
    import jax
    _d = setup_inputs()
    print(jax.jit(kernel)(*tuple(_d.values())))

</pallas_src>

<mosaic_0001>
#map = affine_map<(d0, d1) -> (0, 0)>
#map1 = affine_map<(d0, d1) -> (0)>
module attributes {stable_mosaic.version = 14 : i64} {
  func.func @k2(%arg0: i32, %arg1: i32, %arg2: memref<2704x128xf32, #tpu.memory_space<hbm>>, %arg3: memref<10816x128xf32, #tpu.memory_space<hbm>>, %arg4: memref<43264x128xf32, #tpu.memory_space<hbm>>, %arg5: memref<3072xi32, #tpu.memory_space<hbm>>, %arg6: memref<3072x128xf32, #tpu.memory_space<hbm>>, %arg7: memref<32xi32, #tpu.memory_space<vmem>>, %arg8: memref<32x128xf32, #tpu.memory_space<vmem>>, %arg9: memref<!tpu.dma_semaphore, #tpu.memory_space<semaphore_mem>>) attributes {dimension_semantics = [#tpu.dimension_semantics<core_parallel>, #tpu.dimension_semantics<subcore_parallel>], iteration_bounds = array<i64: 2, 16>, scalar_prefetch = 0 : i64, scratch_operands = 3 : i64, tpu.core_type = #tpu.core_type<sc_vector_subcore>, window_params = [{transform_indices = #map}, {transform_indices = #map}, {transform_indices = #map}, {transform_indices = #map1}, {transform_indices = #map}]} {
    %mul3A = arith.constant 2 : i32
    %mul3A_0 = arith.muli %arg1, %mul3A : i32
    %add3A = arith.addi %mul3A_0, %arg0 : i32
    %mul3A_1 = arith.constant 32 : i32
    %mul3A_2 = arith.muli %add3A, %mul3A_1 : i32
    %add3A_3 = arith.constant 0 : i32
    %add3A_4 = arith.addi %add3A_3, %mul3A_2 : i32
    "tpu.region"() ({
      %run_scoped3A = tpu.sem_alloc : memref<!tpu.dma_semaphore, #tpu.memory_space<semaphore_mem>>
      %dma_start3A_29 = tpu.memref_slice %arg5[%add3A_4] : memref<3072xi32, #tpu.memory_space<hbm>> -> memref<32xi32, #tpu.memory_space<hbm>>
      %dma_start3A_30 = tpu.memref_slice %arg5[%add3A_4] : memref<3072xi32, #tpu.memory_space<hbm>> -> memref<32xi32, #tpu.memory_space<hbm>>
      tpu.enqueue_dma source(%dma_start3A_30 : memref<32xi32, #tpu.memory_space<hbm>>) target(%arg7 : memref<32xi32, #tpu.memory_space<vmem>>) target_semaphore(%run_scoped3A : memref<!tpu.dma_semaphore, #tpu.memory_space<semaphore_mem>>)
      %dma_wait3A_31 = tpu.memref_slice %arg5[%add3A_4] : memref<3072xi32, #tpu.memory_space<hbm>> -> memref<32xi32, #tpu.memory_space<hbm>>
      %dma_wait3A_32 = tpu.memref_slice %arg5[%add3A_4] : memref<3072xi32, #tpu.memory_space<hbm>> -> memref<32xi32, #tpu.memory_space<hbm>>
      tpu.wait_dma2 semaphore(%run_scoped3A : memref<!tpu.dma_semaphore, #tpu.memory_space<semaphore_mem>>) src(%dma_wait3A_32 : memref<32xi32, #tpu.memory_space<hbm>>) dst(%arg7 : memref<32xi32, #tpu.memory_space<vmem>>)
      tpu.yield
    }) : () -> ()
    %dma_start3A = arith.constant 0 : i32
    %dma_start3A_5 = arith.constant 0 : i32
    %dma_start3A_6 = tpu.memref_slice %arg2[%dma_start3A, %dma_start3A_5] : memref<2704x128xf32, #tpu.memory_space<hbm>> -> memref<2704x128xf32, #tpu.memory_space<hbm>>
    tpu.enqueue_indirect_dma source(%dma_start3A_6 : memref<2704x128xf32, #tpu.memory_space<hbm>>) target(%arg8 : memref<32x128xf32, #tpu.memory_space<vmem>>) offsets(%arg7 : memref<32xi32, #tpu.memory_space<vmem>>) semaphore(%arg9 : memref<!tpu.dma_semaphore, #tpu.memory_space<semaphore_mem>>)
    %dma_wait3A = arith.constant 0 : i32
    %dma_wait3A_7 = arith.constant 0 : i32
    %dma_wait3A_8 = tpu.memref_slice %arg2[%dma_wait3A, %dma_wait3A_7] : memref<2704x128xf32, #tpu.memory_space<hbm>> -> memref<2704x128xf32, #tpu.memory_space<hbm>>
    tpu.wait_indirect_dma semaphore(%arg9 : memref<!tpu.dma_semaphore, #tpu.memory_space<semaphore_mem>>) src(%dma_wait3A_8 : memref<2704x128xf32, #tpu.memory_space<hbm>>) dst(%arg8 : memref<32x128xf32, #tpu.memory_space<vmem>>)
    "tpu.region"() ({
      %run_scoped3A = tpu.sem_alloc : memref<!tpu.dma_semaphore, #tpu.memory_space<semaphore_mem>>
      %dma_start3A_29 = arith.constant 0 : i32
      %dma_start3A_30 = tpu.memref_slice %arg6[%add3A_4, %dma_start3A_29] : memref<3072x128xf32, #tpu.memory_space<hbm>> -> memref<32x128xf32, #tpu.memory_space<hbm>>
      %dma_start3A_31 = arith.constant 0 : i32
      %dma_start3A_32 = tpu.memref_slice %arg6[%add3A_4, %dma_start3A_31] : memref<3072x128xf32, #tpu.memory_space<hbm>> -> memref<32x128xf32, #tpu.memory_space<hbm>>
      tpu.enqueue_dma source(%arg8 : memref<32x128xf32, #tpu.memory_space<vmem>>) target(%dma_start3A_32 : memref<32x128xf32, #tpu.memory_space<hbm>>) target_semaphore(%run_scoped3A : memref<!tpu.dma_semaphore, #tpu.memory_space<semaphore_mem>>)
      %dma_wait3A_33 = arith.constant 0 : i32
      %dma_wait3A_34 = tpu.memref_slice %arg6[%add3A_4, %dma_wait3A_33] : memref<3072x128xf32, #tpu.memory_space<hbm>> -> memref<32x128xf32, #tpu.memory_space<hbm>>
      %dma_wait3A_35 = arith.constant 0 : i32
      %dma_wait3A_36 = tpu.memref_slice %arg6[%add3A_4, %dma_wait3A_35] : memref<3072x128xf32, #tpu.memory_space<hbm>> -> memref<32x128xf32, #tpu.memory_space<hbm>>
      tpu.wait_dma2 semaphore(%run_scoped3A : memref<!tpu.dma_semaphore, #tpu.memory_space<semaphore_mem>>) src(%arg8 : memref<32x128xf32, #tpu.memory_space<vmem>>) dst(%dma_wait3A_36 : memref<32x128xf32, #tpu.memory_space<hbm>>)
      tpu.yield
    }) : () -> ()
    %mul3A_9 = arith.constant 32 : i32
    %mul3A_10 = arith.muli %add3A, %mul3A_9 : i32
    %add3A_11 = arith.constant 1024 : i32
    %add3A_12 = arith.addi %add3A_11, %mul3A_10 : i32
    "tpu.region"() ({
      %run_scoped3A = tpu.sem_alloc : memref<!tpu.dma_semaphore, #tpu.memory_space<semaphore_mem>>
      %dma_start3A_29 = tpu.memref_slice %arg5[%add3A_12] : memref<3072xi32, #tpu.memory_space<hbm>> -> memref<32xi32, #tpu.memory_space<hbm>>
      %dma_start3A_30 = tpu.memref_slice %arg5[%add3A_12] : memref<3072xi32, #tpu.memory_space<hbm>> -> memref<32xi32, #tpu.memory_space<hbm>>
      tpu.enqueue_dma source(%dma_start3A_30 : memref<32xi32, #tpu.memory_space<hbm>>) target(%arg7 : memref<32xi32, #tpu.memory_space<vmem>>) target_semaphore(%run_scoped3A : memref<!tpu.dma_semaphore, #tpu.memory_space<semaphore_mem>>)
      %dma_wait3A_31 = tpu.memref_slice %arg5[%add3A_12] : memref<3072xi32, #tpu.memory_space<hbm>> -> memref<32xi32, #tpu.memory_space<hbm>>
      %dma_wait3A_32 = tpu.memref_slice %arg5[%add3A_12] : memref<3072xi32, #tpu.memory_space<hbm>> -> memref<32xi32, #tpu.memory_space<hbm>>
      tpu.wait_dma2 semaphore(%run_scoped3A : memref<!tpu.dma_semaphore, #tpu.memory_space<semaphore_mem>>) src(%dma_wait3A_32 : memref<32xi32, #tpu.memory_space<hbm>>) dst(%arg7 : memref<32xi32, #tpu.memory_space<vmem>>)
      tpu.yield
    }) : () -> ()
    %dma_start3A_13 = arith.constant 0 : i32
    %dma_start3A_14 = arith.constant 0 : i32
    %dma_start3A_15 = tpu.memref_slice %arg3[%dma_start3A_13, %dma_start3A_14] : memref<10816x128xf32, #tpu.memory_space<hbm>> -> memref<10816x128xf32, #tpu.memory_space<hbm>>
    tpu.enqueue_indirect_dma source(%dma_start3A_15 : memref<10816x128xf32, #tpu.memory_space<hbm>>) target(%arg8 : memref<32x128xf32, #tpu.memory_space<vmem>>) offsets(%arg7 : memref<32xi32, #tpu.memory_space<vmem>>) semaphore(%arg9 : memref<!tpu.dma_semaphore, #tpu.memory_space<semaphore_mem>>)
    %dma_wait3A_16 = arith.constant 0 : i32
    %dma_wait3A_17 = arith.constant 0 : i32
    %dma_wait3A_18 = tpu.memref_slice %arg3[%dma_wait3A_16, %dma_wait3A_17] : memref<10816x128xf32, #tpu.memory_space<hbm>> -> memref<10816x128xf32, #tpu.memory_space<hbm>>
    tpu.wait_indirect_dma semaphore(%arg9 : memref<!tpu.dma_semaphore, #tpu.memory_space<semaphore_mem>>) src(%dma_wait3A_18 : memref<10816x128xf32, #tpu.memory_space<hbm>>) dst(%arg8 : memref<32x128xf32, #tpu.memory_space<vmem>>)
    "tpu.region"() ({
      %run_scoped3A = tpu.sem_alloc : memref<!tpu.dma_semaphore, #tpu.memory_space<semaphore_mem>>
      %dma_start3A_29 = arith.constant 0 : i32
      %dma_start3A_30 = tpu.memref_slice %arg6[%add3A_12, %dma_start3A_29] : memref<3072x128xf32, #tpu.memory_space<hbm>> -> memref<32x128xf32, #tpu.memory_space<hbm>>
      %dma_start3A_31 = arith.constant 0 : i32
      %dma_start3A_32 = tpu.memref_slice %arg6[%add3A_12, %dma_start3A_31] : memref<3072x128xf32, #tpu.memory_space<hbm>> -> memref<32x128xf32, #tpu.memory_space<hbm>>
      tpu.enqueue_dma source(%arg8 : memref<32x128xf32, #tpu.memory_space<vmem>>) target(%dma_start3A_32 : memref<32x128xf32, #tpu.memory_space<hbm>>) target_semaphore(%run_scoped3A : memref<!tpu.dma_semaphore, #tpu.memory_space<semaphore_mem>>)
      %dma_wait3A_33 = arith.constant 0 : i32
      %dma_wait3A_34 = tpu.memref_slice %arg6[%add3A_12, %dma_wait3A_33] : memref<3072x128xf32, #tpu.memory_space<hbm>> -> memref<32x128xf32, #tpu.memory_space<hbm>>
      %dma_wait3A_35 = arith.constant 0 : i32
      %dma_wait3A_36 = tpu.memref_slice %arg6[%add3A_12, %dma_wait3A_35] : memref<3072x128xf32, #tpu.memory_space<hbm>> -> memref<32x128xf32, #tpu.memory_space<hbm>>
      tpu.wait_dma2 semaphore(%run_scoped3A : memref<!tpu.dma_semaphore, #tpu.memory_space<semaphore_mem>>) src(%arg8 : memref<32x128xf32, #tpu.memory_space<vmem>>) dst(%dma_wait3A_36 : memref<32x128xf32, #tpu.memory_space<hbm>>)
      tpu.yield
    }) : () -> ()
    %mul3A_19 = arith.constant 32 : i32
    %mul3A_20 = arith.muli %add3A, %mul3A_19 : i32
    %add3A_21 = arith.constant 2048 : i32
    %add3A_22 = arith.addi %add3A_21, %mul3A_20 : i32
    "tpu.region"() ({
      %run_scoped3A = tpu.sem_alloc : memref<!tpu.dma_semaphore, #tpu.memory_space<semaphore_mem>>
      %dma_start3A_29 = tpu.memref_slice %arg5[%add3A_22] : memref<3072xi32, #tpu.memory_space<hbm>> -> memref<32xi32, #tpu.memory_space<hbm>>
      %dma_start3A_30 = tpu.memref_slice %arg5[%add3A_22] : memref<3072xi32, #tpu.memory_space<hbm>> -> memref<32xi32, #tpu.memory_space<hbm>>
      tpu.enqueue_dma source(%dma_start3A_30 : memref<32xi32, #tpu.memory_space<hbm>>) target(%arg7 : memref<32xi32, #tpu.memory_space<vmem>>) target_semaphore(%run_scoped3A : memref<!tpu.dma_semaphore, #tpu.memory_space<semaphore_mem>>)
      %dma_wait3A_31 = tpu.memref_slice %arg5[%add3A_22] : memref<3072xi32, #tpu.memory_space<hbm>> -> memref<32xi32, #tpu.memory_space<hbm>>
      %dma_wait3A_32 = tpu.memref_slice %arg5[%add3A_22] : memref<3072xi32, #tpu.memory_space<hbm>> -> memref<32xi32, #tpu.memory_space<hbm>>
      tpu.wait_dma2 semaphore(%run_scoped3A : memref<!tpu.dma_semaphore, #tpu.memory_space<semaphore_mem>>) src(%dma_wait3A_32 : memref<32xi32, #tpu.memory_space<hbm>>) dst(%arg7 : memref<32xi32, #tpu.memory_space<vmem>>)
      tpu.yield
    }) : () -> ()
    %dma_start3A_23 = arith.constant 0 : i32
    %dma_start3A_24 = arith.constant 0 : i32
    %dma_start3A_25 = tpu.memref_slice %arg4[%dma_start3A_23, %dma_start3A_24] : memref<43264x128xf32, #tpu.memory_space<hbm>> -> memref<43264x128xf32, #tpu.memory_space<hbm>>
    tpu.enqueue_indirect_dma source(%dma_start3A_25 : memref<43264x128xf32, #tpu.memory_space<hbm>>) target(%arg8 : memref<32x128xf32, #tpu.memory_space<vmem>>) offsets(%arg7 : memref<32xi32, #tpu.memory_space<vmem>>) semaphore(%arg9 : memref<!tpu.dma_semaphore, #tpu.memory_space<semaphore_mem>>)
    %dma_wait3A_26 = arith.constant 0 : i32
    %dma_wait3A_27 = arith.constant 0 : i32
    %dma_wait3A_28 = tpu.memref_slice %arg4[%dma_wait3A_26, %dma_wait3A_27] : memref<43264x128xf32, #tpu.memory_space<hbm>> -> memref<43264x128xf32, #tpu.memory_space<hbm>>
    tpu.wait_indirect_dma semaphore(%arg9 : memref<!tpu.dma_semaphore, #tpu.memory_space<semaphore_mem>>) src(%dma_wait3A_28 : memref<43264x128xf32, #tpu.memory_space<hbm>>) dst(%arg8 : memref<32x128xf32, #tpu.memory_space<vmem>>)
    "tpu.region"() ({
      %run_scoped3A = tpu.sem_alloc : memref<!tpu.dma_semaphore, #tpu.memory_space<semaphore_mem>>
      %dma_start3A_29 = arith.constant 0 : i32
      %dma_start3A_30 = tpu.memref_slice %arg6[%add3A_22, %dma_start3A_29] : memref<3072x128xf32, #tpu.memory_space<hbm>> -> memref<32x128xf32, #tpu.memory_space<hbm>>
      %dma_start3A_31 = arith.constant 0 : i32
      %dma_start3A_32 = tpu.memref_slice %arg6[%add3A_22, %dma_start3A_31] : memref<3072x128xf32, #tpu.memory_space<hbm>> -> memref<32x128xf32, #tpu.memory_space<hbm>>
      tpu.enqueue_dma source(%arg8 : memref<32x128xf32, #tpu.memory_space<vmem>>) target(%dma_start3A_32 : memref<32x128xf32, #tpu.memory_space<hbm>>) target_semaphore(%run_scoped3A : memref<!tpu.dma_semaphore, #tpu.memory_space<semaphore_mem>>)
      %dma_wait3A_33 = arith.constant 0 : i32
      %dma_wait3A_34 = tpu.memref_slice %arg6[%add3A_22, %dma_wait3A_33] : memref<3072x128xf32, #tpu.memory_space<hbm>> -> memref<32x128xf32, #tpu.memory_space<hbm>>
      %dma_wait3A_35 = arith.constant 0 : i32
      %dma_wait3A_36 = tpu.memref_slice %arg6[%add3A_22, %dma_wait3A_35] : memref<3072x128xf32, #tpu.memory_space<hbm>> -> memref<32x128xf32, #tpu.memory_space<hbm>>
      tpu.wait_dma2 semaphore(%run_scoped3A : memref<!tpu.dma_semaphore, #tpu.memory_space<semaphore_mem>>) src(%arg8 : memref<32x128xf32, #tpu.memory_space<vmem>>) dst(%dma_wait3A_36 : memref<32x128xf32, #tpu.memory_space<hbm>>)
      tpu.yield
    }) : () -> ()
    return
  }
}

module attributes {stable_mosaic.version = 14 : i64} {
  func.func @_assign_body(%arg0: i32, %arg1: memref<1x13x8x255xf32, #tpu.memory_space<vmem>>, %arg2: memref<1x26x8x255xf32, #tpu.memory_space<vmem>>, %arg3: memref<2x52x8x255xf32, #tpu.memory_space<vmem>>, %arg4: memref<8x20xf32, #tpu.memory_space<vmem>>, %arg5: memref<8x20xf32, #tpu.memory_space<vmem>>, %arg6: memref<8x20xf32, #tpu.memory_space<vmem>>, %arg7: memref<8x20xf32, #tpu.memory_space<vmem>>, %arg8: memref<8x20xi32, #tpu.memory_space<vmem>>, %arg9: memref<3x3x8x20xf32, #tpu.memory_space<vmem>>, %arg10: memref<1x1xf32, #tpu.memory_space<vmem>>, %arg11: memref<13x2x8x128xf32, #tpu.memory_space<vmem>>, %arg12: memref<26x2x8x128xf32, #tpu.memory_space<vmem>>, %arg13: memref<104x2x8x128xf32, #tpu.memory_space<vmem>>, %arg14: memref<3x8x20xi32, #tpu.memory_space<vmem>>, %arg15: memref<3x3x8x20xi32, #tpu.memory_space<vmem>>, %arg16: memref<3x8x20xi32, #tpu.memory_space<vmem>>, %arg17: memref<3x8x20xf32, #tpu.memory_space<vmem>>, %arg18: memref<3x8x20xf32, #tpu.memory_space<vmem>>, %arg19: memref<3x3x8x20xf32, #tpu.memory_space<vmem>>, %arg20: memref<3x8x20xi32, #tpu.memory_space<vmem>>, %arg21: memref<3x8x20xi32, #tpu.memory_space<vmem>>, %arg22: memref<3x8x20xf32, #tpu.memory_space<vmem>>, %arg23: memref<3x8x20xf32, #tpu.memory_space<vmem>>, %arg24: memref<3x8x20xf32, #tpu.memory_space<vmem>>, %arg25: memref<3x8x20xf32, #tpu.memory_space<vmem>>, %arg26: memref<!tpu.dma_semaphore, #tpu.memory_space<semaphore_mem>>, %arg27: memref<!tpu.dma_semaphore, #tpu.memory_space<semaphore_mem>>, %arg28: memref<!tpu.dma_semaphore, #tpu.memory_space<semaphore_mem>>, %arg29: memref<!tpu.dma_semaphore, #tpu.memory_space<semaphore_mem>>) attributes {dimension_semantics = [#tpu.dimension_semantics<arbitrary>], iteration_bounds = array<i64: 26>, scalar_prefetch = 0 : i64, scratch_operands = 4 : i64, tpu.core_type = #tpu.core_type<tc>, window_params = [{transform_indices = @transform_0, window_bounds = array<i64: 1, 13, 8, 255>}, {transform_indices = @transform_1, window_bounds = array<i64: 1, 26, 8, 255>}, {transform_indices = @transform_2, window_bounds = array<i64: 2, 52, 8, 255>}, {pipeline_mode = #tpu.pipeline_mode<synchronous>, transform_indices = @transform_3, window_bounds = array<i64: 8, 20>}, {pipeline_mode = #tpu.pipeline_mode<synchronous>, transform_indices = @transform_4, window_bounds = array<i64: 8, 20>}, {pipeline_mode = #tpu.pipeline_mode<synchronous>, transform_indices = @transform_5, window_bounds = array<i64: 8, 20>}, {pipeline_mode = #tpu.pipeline_mode<synchronous>, transform_indices = @transform_6, window_bounds = array<i64: 8, 20>}, {pipeline_mode = #tpu.pipeline_mode<synchronous>, transform_indices = @transform_7, window_bounds = array<i64: 8, 20>}, {pipeline_mode = #tpu.pipeline_mode<synchronous>, transform_indices = @transform_8, window_bounds = array<i64: 3, 3, 8, 20>}, {pipeline_mode = #tpu.pipeline_mode<synchronous>, transform_indices = @transform_9, window_bounds = array<i64: 1, 1>}, {transform_indices = @transform_10, window_bounds = array<i64: 13, 2, 8, 128>}, {transform_indices = @transform_11, window_bounds = array<i64: 26, 2, 8, 128>}, {transform_indices = @transform_12, window_bounds = array<i64: 104, 2, 8, 128>}, {pipeline_mode = #tpu.pipeline_mode<synchronous>, transform_indices = @transform_13, window_bounds = array<i64: 3, 8, 20>}, {pipeline_mode = #tpu.pipeline_mode<synchronous>, transform_indices = @transform_14, window_bounds = array<i64: 3, 3, 8, 20>}, {pipeline_mode = #tpu.pipeline_mode<synchronous>, transform_indices = @transform_15, window_bounds = array<i64: 3, 8, 20>}, {pipeline_mode = #tpu.pipeline_mode<synchronous>, transform_indices = @transform_16, window_bounds = array<i64: 3, 8, 20>}, {pipeline_mode = #tpu.pipeline_mode<synchronous>, transform_indices = @transform_17, window_bounds = array<i64: 3, 8, 20>}, {pipeline_mode = #tpu.pipeline_mode<synchronous>, transform_indices = @transform_18, window_bounds = array<i64: 3, 3, 8, 20>}, {pipeline_mode = #tpu.pipeline_mode<synchronous>, transform_indices = @transform_19, window_bounds = array<i64: 3, 8, 20>}, {pipeline_mode = #tpu.pipeline_mode<synchronous>, transform_indices = @transform_20, window_bounds = array<i64: 3, 8, 20>}, {pipeline_mode = #tpu.pipeline_mode<synchronous>, transform_indices = @transform_21, window_bounds = array<i64: 3, 8, 20>}, {pipeline_mode = #tpu.pipeline_mode<synchronous>, transform_indices = @transform_22, window_bounds = array<i64: 3, 8, 20>}, {pipeline_mode = #tpu.pipeline_mode<synchronous>, transform_indices = @transform_23, window_bounds = array<i64: 3, 8, 20>}, {pipeline_mode = #tpu.pipeline_mode<synchronous>, transform_indices = @transform_24, window_bounds = array<i64: 3, 8, 20>}]} {
    %dma_start3A = arith.constant 0 : i32
    %dma_start3A_0 = arith.constant 0 : i32
    %dma_start3A_1 = arith.constant 0 : i32
    %dma_start3A_2 = arith.constant 0 : i32
    %dma_start3A_3 = arith.constant 0 : i32
    %dma_start3A_4 = tpu.memref_slice %arg11[%dma_start3A_1, %dma_start3A_0, %dma_start3A_2, %dma_start3A_3] : memref<13x2x8x128xf32, #tpu.memory_space<vmem>> -> memref<13x1x8x128xf32, #tpu.memory_space<vmem>>
    %dma_start3A_5 = tpu.memref_squeeze %dma_start3A_4 : memref<13x1x8x128xf32, #tpu.memory_space<vmem>> -> memref<13x8x128xf32, #tpu.memory_space<vmem>>
    %dma_start3A_6 = arith.constant 0 : i32
    %dma_start3A_7 = arith.constant 0 : i32
    %dma_start3A_8 = arith.constant 0 : i32
    %dma_start3A_9 = tpu.memref_slice %arg1[%dma_start3A, %dma_start3A_6, %dma_start3A_7, %dma_start3A_8] : memref<1x13x8x255xf32, #tpu.memory_space<vmem>> -> memref<1x13x8x128xf32, #tpu.memory_space<vmem>>
    %dma_start3A_10 = tpu.memref_squeeze %dma_start3A_9 : memref<1x13x8x128xf32, #tpu.memory_space<vmem>> -> memref<13x8x128xf32, #tpu.memory_space<vmem>>
    tpu.enqueue_dma source(%dma_start3A_10 : memref<13x8x128xf32, #tpu.memory_space<vmem>>) target(%dma_start3A_5 : memref<13x8x128xf32, #tpu.memory_space<vmem>>) target_semaphore(%arg26 : memref<!tpu.dma_semaphore, #tpu.memory_space<semaphore_mem>>)
    %dma_start3A_11 = arith.constant 0 : i32
    %dma_start3A_12 = arith.constant 0 : i32
    %dma_start3A_13 = arith.constant 0 : i32
    %dma_start3A_14 = arith.constant 0 : i32
    %dma_start3A_15 = arith.constant 0 : i32
    %dma_start3A_16 = tpu.memref_slice %arg12[%dma_start3A_13, %dma_start3A_12, %dma_start3A_14, %dma_start3A_15] : memref<26x2x8x128xf32, #tpu.memory_space<vmem>> -> memref<26x1x8x128xf32, #tpu.memory_space<vmem>>
    %dma_start3A_17 = tpu.memref_squeeze %dma_start3A_16 : memref<26x1x8x128xf32, #tpu.memory_space<vmem>> -> memref<26x8x128xf32, #tpu.memory_space<vmem>>
    %dma_start3A_18 = arith.constant 0 : i32
    %dma_start3A_19 = arith.constant 0 : i32
    %dma_start3A_20 = arith.constant 0 : i32
    %dma_start3A_21 = tpu.memref_slice %arg2[%dma_start3A_11, %dma_start3A_18, %dma_start3A_19, %dma_start3A_20] : memref<1x26x8x255xf32, #tpu.memory_space<vmem>> -> memref<1x26x8x128xf32, #tpu.memory_space<vmem>>
    %dma_start3A_22 = tpu.memref_squeeze %dma_start3A_21 : memref<1x26x8x128xf32, #tpu.memory_space<vmem>> -> memref<26x8x128xf32, #tpu.memory_space<vmem>>
    tpu.enqueue_dma source(%dma_start3A_22 : memref<26x8x128xf32, #tpu.memory_space<vmem>>) target(%dma_start3A_17 : memref<26x8x128xf32, #tpu.memory_space<vmem>>) target_semaphore(%arg27 : memref<!tpu.dma_semaphore, #tpu.memory_space<semaphore_mem>>)
    %dma_start3A_23 = arith.constant 0 : i32
    %dma_start3A_24 = arith.constant 0 : i32
    %dma_start3A_25 = arith.constant 0 : i32
    %dma_start3A_26 = arith.constant 0 : i32
    %dma_start3A_27 = arith.constant 0 : i32
    %dma_start3A_28 = tpu.memref_slice %arg13[%dma_start3A_25, %dma_start3A_24, %dma_start3A_26, %dma_start3A_27] : memref<104x2x8x128xf32, #tpu.memory_space<vmem>> -> memref<52x1x8x128xf32, #tpu.memory_space<vmem>>
    %dma_start3A_29 = tpu.memref_squeeze %dma_start3A_28 : memref<52x1x8x128xf32, #tpu.memory_space<vmem>> -> memref<52x8x128xf32, #tpu.memory_space<vmem>>
    %dma_start3A_30 = arith.constant 0 : i32
    %dma_start3A_31 = arith.constant 0 : i32
    %dma_start3A_32 = arith.constant 0 : i32
    %dma_start3A_33 = tpu.memref_slice %arg3[%dma_start3A_23, %dma_start3A_30, %dma_start3A_31, %dma_start3A_32] : memref<2x52x8x255xf32, #tpu.memory_space<vmem>> -> memref<1x52x8x128xf32, #tpu.memory_space<vmem>>
    %dma_start3A_34 = tpu.memref_squeeze %dma_start3A_33 : memref<1x52x8x128xf32, #tpu.memory_space<vmem>> -> memref<52x8x128xf32, #tpu.memory_space<vmem>>
    tpu.enqueue_dma source(%dma_start3A_34 : memref<52x8x128xf32, #tpu.memory_space<vmem>>) target(%dma_start3A_29 : memref<52x8x128xf32, #tpu.memory_space<vmem>>) target_semaphore(%arg28 : memref<!tpu.dma_semaphore, #tpu.memory_space<semaphore_mem>>)
    %dma_start3A_35 = arith.constant 1 : i32
    %dma_start3A_36 = arith.constant 0 : i32
    %dma_start3A_37 = arith.constant 52 : i32
    %dma_start3A_38 = arith.constant 0 : i32
    %dma_start3A_39 = arith.constant 0 : i32
    %dma_start3A_40 = tpu.memref_slice %arg13[%dma_start3A_37, %dma_start3A_36, %dma_start3A_38, %dma_start3A_39] : memref<104x2x8x128xf32, #tpu.memory_space<vmem>> -> memref<52x1x8x128xf32, #tpu.memory_space<vmem>>
    %dma_start3A_41 = tpu.memref_squeeze %dma_start3A_40 : memref<52x1x8x128xf32, #tpu.memory_space<vmem>> -> memref<52x8x128xf32, #tpu.memory_space<vmem>>
    %dma_start3A_42 = arith.constant 0 : i32
    %dma_start3A_43 = arith.constant 0 : i32
    %dma_start3A_44 = arith.constant 0 : i32
    %dma_start3A_45 = tpu.memref_slice %arg3[%dma_start3A_35, %dma_start3A_42, %dma_start3A_43, %dma_start3A_44] : memref<2x52x8x255xf32, #tpu.memory_space<vmem>> -> memref<1x52x8x128xf32, #tpu.memory_space<vmem>>
    %dma_start3A_46 = tpu.memref_squeeze %dma_start3A_45 : memref<1x52x8x128xf32, #tpu.memory_space<vmem>> -> memref<52x8x128xf32, #tpu.memory_space<vmem>>
    tpu.enqueue_dma source(%dma_start3A_46 : memref<52x8x128xf32, #tpu.memory_space<vmem>>) target(%dma_start3A_41 : memref<52x8x128xf32, #tpu.memory_space<vmem>>) target_semaphore(%arg29 : memref<!tpu.dma_semaphore, #tpu.memory_space<semaphore_mem>>)
    %get3A = arith.constant 0 : index
    %get3A_47 = arith.constant 0 : index
    %get3A_48 = arith.constant 0 : index
    %get3A_49 = arith.constant 128 : index
    %get3A_50 = vector.load %arg1[%get3A, %get3A_47, %get3A_48, %get3A_49] : memref<1x13x8x255xf32, #tpu.memory_space<vmem>>, vector<1x13x8x127xf32>
    %get3A_51 = vector.shape_cast %get3A_50 : vector<1x13x8x127xf32> to vector<13x8x127xf32>
    %swap3A = arith.constant 0 : index
    %swap3A_52 = arith.constant 1 : index
    %swap3A_53 = arith.constant 0 : index
    %swap3A_54 = arith.constant 0 : index
    %swap3A_55 = vector.load %arg11[%swap3A, %swap3A_52, %swap3A_53, %swap3A_54] : memref<13x2x8x128xf32, #tpu.memory_space<vmem>>, vector<13x1x8x127xf32>
    %swap3A_56 = vector.shape_cast %swap3A_55 : vector<13x1x8x127xf32> to vector<13x8x127xf32>
    %swap3A_57 = vector.shape_cast %get3A_51 : vector<13x8x127xf32> to vector<13x1x8x127xf32>
    tpu.vector_store %arg11[%swap3A, %swap3A_52, %swap3A_53, %swap3A_54], %swap3A_57 {strides = array<i32>} : memref<13x2x8x128xf32, #tpu.memory_space<vmem>>, vector<13x1x8x127xf32>,
    %broadcast_in_dim3A = arith.constant 0.000000e+00 : f32
    %broadcast_in_dim3A_58 = vector.broadcast %broadcast_in_dim3A : f32 to vector<13x8x1xf32>
    %swap3A_59 = arith.constant 0 : index
    %swap3A_60 = arith.constant 1 : index
    %swap3A_61 = arith.constant 0 : index
    %swap3A_62 = arith.constant 127 : index
    %swap3A_63 = vector.load %arg11[%swap3A_59, %swap3A_60, %swap3A_61, %swap3A_62] : memref<13x2x8x128xf32, #tpu.memory_space<vmem>>, vector<13x1x8x1xf32>
    %swap3A_64 = vector.shape_cast %swap3A_63 : vector<13x1x8x1xf32> to vector<13x8x1xf32>
    %swap3A_65 = vector.shape_cast %broadcast_in_dim3A_58 : vector<13x8x1xf32> to vector<13x1x8x1xf32>
    tpu.vector_store %arg11[%swap3A_59, %swap3A_60, %swap3A_61, %swap3A_62], %swap3A_65 {strides = array<i32>} : memref<13x2x8x128xf32, #tpu.memory_space<vmem>>, vector<13x1x8x1xf32>,
    %get3A_66 = arith.constant 0 : index
    %get3A_67 = arith.constant 0 : index
    %get3A_68 = arith.constant 0 : index
    %get3A_69 = arith.constant 128 : index
    %get3A_70 = vector.load %arg2[%get3A_66, %get3A_67, %get3A_68, %get3A_69] : memref<1x26x8x255xf32, #tpu.memory_space<vmem>>, vector<1x26x8x127xf32>
    %get3A_71 = vector.shape_cast %get3A_70 : vector<1x26x8x127xf32> to vector<26x8x127xf32>
    %swap3A_72 = arith.constant 0 : index
    %swap3A_73 = arith.constant 1 : index
    %swap3A_74 = arith.constant 0 : index
    %swap3A_75 = arith.constant 0 : index
    %swap3A_76 = vector.load %arg12[%swap3A_72, %swap3A_73, %swap3A_74, %swap3A_75] : memref<26x2x8x128xf32, #tpu.memory_space<vmem>>, vector<26x1x8x127xf32>
    %swap3A_77 = vector.shape_cast %swap3A_76 : vector<26x1x8x127xf32> to vector<26x8x127xf32>
    %swap3A_78 = vector.shape_cast %get3A_71 : vector<26x8x127xf32> to vector<26x1x8x127xf32>
    tpu.vector_store %arg12[%swap3A_72, %swap3A_73, %swap3A_74, %swap3A_75], %swap3A_78 {strides = array<i32>} : memref<26x2x8x128xf32, #tpu.memory_space<vmem>>, vector<26x1x8x127xf32>,
    %broadcast_in_dim3A_79 = arith.constant 0.000000e+00 : f32
    %broadcast_in_dim3A_80 = vector.broadcast %broadcast_in_dim3A_79 : f32 to vector<26x8x1xf32>
    %swap3A_81 = arith.constant 0 : index
    %swap3A_82 = arith.constant 1 : index
    %swap3A_83 = arith.constant 0 : index
    %swap3A_84 = arith.constant 127 : index
    %swap3A_85 = vector.load %arg12[%swap3A_81, %swap3A_82, %swap3A_83, %swap3A_84] : memref<26x2x8x128xf32, #tpu.memory_space<vmem>>, vector<26x1x8x1xf32>
    %swap3A_86 = vector.shape_cast %swap3A_85 : vector<26x1x8x1xf32> to vector<26x8x1xf32>
    %swap3A_87 = vector.shape_cast %broadcast_in_dim3A_80 : vector<26x8x1xf32> to vector<26x1x8x1xf32>
    tpu.vector_store %arg12[%swap3A_81, %swap3A_82, %swap3A_83, %swap3A_84], %swap3A_87 {strides = array<i32>} : memref<26x2x8x128xf32, #tpu.memory_space<vmem>>, vector<26x1x8x1xf32>,
    %get3A_88 = arith.constant 0 : index
    %get3A_89 = arith.constant 0 : index
    %get3A_90 = arith.constant 0 : index
    %get3A_91 = arith.constant 128 : index
    %get3A_92 = vector.load %arg3[%get3A_88, %get3A_89, %get3A_90, %get3A_91] : memref<2x52x8x255xf32, #tpu.memory_space<vmem>>, vector<1x52x8x127xf32>
    %get3A_93 = vector.shape_cast %get3A_92 : vector<1x52x8x127xf32> to vector<52x8x127xf32>
    %swap3A_94 = arith.constant 0 : index
    %swap3A_95 = arith.constant 1 : index
    %swap3A_96 = arith.constant 0 : index
    %swap3A_97 = arith.constant 0 : index
    %swap3A_98 = vector.load %arg13[%swap3A_94, %swap3A_95, %swap3A_96, %swap3A_97] : memref<104x2x8x128xf32, #tpu.memory_space<vmem>>, vector<52x1x8x127xf32>
    %swap3A_99 = vector.shape_cast %swap3A_98 : vector<52x1x8x127xf32> to vector<52x8x127xf32>
    %swap3A_100 = vector.shape_cast %get3A_93 : vector<52x8x127xf32> to vector<52x1x8x127xf32>
    tpu.vector_store %arg13[%swap3A_94, %swap3A_95, %swap3A_96, %swap3A_97], %swap3A_100 {strides = array<i32>} : memref<104x2x8x128xf32, #tpu.memory_space<vmem>>, vector<52x1x8x127xf32>,
    %broadcast_in_dim3A_101 = arith.constant 0.000000e+00 : f32
    %broadcast_in_dim3A_102 = vector.broadcast %broadcast_in_dim3A_101 : f32 to vector<52x8x1xf32>
    %swap3A_103 = arith.constant 0 : index
    %swap3A_104 = arith.constant 1 : index
    %swap3A_105 = arith.constant 0 : index
    %swap3A_106 = arith.constant 127 : index
    %swap3A_107 = vector.load %arg13[%swap3A_103, %swap3A_104, %swap3A_105, %swap3A_106] : memref<104x2x8x128xf32, #tpu.memory_space<vmem>>, vector<52x1x8x1xf32>
    %swap3A_108 = vector.shape_cast %swap3A_107 : vector<52x1x8x1xf32> to vector<52x8x1xf32>
    %swap3A_109 = vector.shape_cast %broadcast_in_dim3A_102 : vector<52x8x1xf32> to vector<52x1x8x1xf32>
    tpu.vector_store %arg13[%swap3A_103, %swap3A_104, %swap3A_105, %swap3A_106], %swap3A_109 {strides = array<i32>} : memref<104x2x8x128xf32, #tpu.memory_space<vmem>>, vector<52x1x8x1xf32>,
    %get3A_110 = arith.constant 1 : index
    %get3A_111 = arith.constant 0 : index
    %get3A_112 = arith.constant 0 : index
    %get3A_113 = arith.constant 128 : index
    %get3A_114 = vector.load %arg3[%get3A_110, %get3A_111, %get3A_112, %get3A_113] : memref<2x52x8x255xf32, #tpu.memory_space<vmem>>, vector<1x52x8x127xf32>
    %get3A_115 = vector.shape_cast %get3A_114 : vector<1x52x8x127xf32> to vector<52x8x127xf32>
    %swap3A_116 = arith.constant 52 : index
    %swap3A_117 = arith.constant 1 : index
    %swap3A_118 = arith.constant 0 : index
    %swap3A_119 = arith.constant 0 : index
    %swap3A_120 = vector.load %arg13[%swap3A_116, %swap3A_117, %swap3A_118, %swap3A_119] : memref<104x2x8x128xf32, #tpu.memory_space<vmem>>, vector<52x1x8x127xf32>
    %swap3A_121 = vector.shape_cast %swap3A_120 : vector<52x1x8x127xf32> to vector<52x8x127xf32>
    %swap3A_122 = vector.shape_cast %get3A_115 : vector<52x8x127xf32> to vector<52x1x8x127xf32>
    tpu.vector_store %arg13[%swap3A_116, %swap3A_117, %swap3A_118, %swap3A_119], %swap3A_122 {strides = array<i32>} : memref<104x2x8x128xf32, #tpu.memory_space<vmem>>, vector<52x1x8x127xf32>,
    %broadcast_in_dim3A_123 = arith.constant 0.000000e+00 : f32
    %broadcast_in_dim3A_124 = vector.broadcast %broadcast_in_dim3A_123 : f32 to vector<52x8x1xf32>
    %swap3A_125 = arith.constant 52 : index
    %swap3A_126 = arith.constant 1 : index
    %swap3A_127 = arith.constant 0 : index
    %swap3A_128 = arith.constant 127 : index
    %swap3A_129 = vector.load %arg13[%swap3A_125, %swap3A_126, %swap3A_127, %swap3A_128] : memref<104x2x8x128xf32, #tpu.memory_space<vmem>>, vector<52x1x8x1xf32>
    %swap3A_130 = vector.shape_cast %swap3A_129 : vector<52x1x8x1xf32> to vector<52x8x1xf32>
    %swap3A_131 = vector.shape_cast %broadcast_in_dim3A_124 : vector<52x8x1xf32> to vector<52x1x8x1xf32>
    tpu.vector_store %arg13[%swap3A_125, %swap3A_126, %swap3A_127, %swap3A_128], %swap3A_131 {strides = array<i32>} : memref<104x2x8x128xf32, #tpu.memory_space<vmem>>, vector<52x1x8x1xf32>,
    %get3A_132 = arith.constant 0 : index
    %get3A_133 = arith.constant 0 : index
    %get3A_134 = arith.constant 0 : index
    %get3A_135 = arith.constant 4 : index
    %get3A_136 = vector.load %arg2[%get3A_132, %get3A_133, %get3A_134, %get3A_135] : memref<1x26x8x255xf32, #tpu.memory_space<vmem>>, vector<1x26x8x1xf32>
    %get3A_137 = vector.shape_cast %get3A_136 : vector<1x26x8x1xf32> to vector<26x8xf32>
    %max3A = arith.constant 0.000000e+00 : f32
    %max3A_138 = vector.broadcast %max3A : f32 to vector<26x8xf32>
    %max3A_139 = arith.maximumf %get3A_137, %max3A_138 : vector<26x8xf32>
    %abs3A = math.absf %get3A_137 : vector<26x8xf32>
    %neg3A = arith.constant 0.000000e+00 : f32
    %neg3A_140 = vector.broadcast %neg3A : f32 to vector<26x8xf32>
    %neg3A_141 = arith.subf %neg3A_140, %abs3A : vector<26x8xf32>
    %exp3A = math.exp %neg3A_141 : vector<26x8xf32>
    %log1p3A = math.log1p %exp3A : vector<26x8xf32>
    %add3A = arith.addf %max3A_139, %log1p3A : vector<26x8xf32>
    %reduce_sum3A = vector.shape_cast %add3A : vector<26x8xf32> to vector<1x26x8xf32>
    %reduce_sum3A_142 = arith.constant dense<0.000000e+00> : vector<1xf32>
    %reduce_sum3A_143 = vector.multi_reduction <add>, %reduce_sum3A, %reduce_sum3A_142 [1, 2] : vector<1x26x8xf32> to vector<1xf32>
    %reduce_sum3A_144 = vector.shape_cast %reduce_sum3A_143 : vector<1xf32> to vector<1x1x1xf32>
    %reduce_sum3A_145 = vector.extract %reduce_sum3A_144[0, 0, 0] : f32 from vector<1x1x1xf32>
    %add3A_146 = arith.constant 0.000000e+00 : f32
    %add3A_147 = arith.addf %add3A_146, %reduce_sum3A_145 : f32
    %get3A_148 = arith.constant 0 : index
    %get3A_149 = arith.constant 0 : index
    %get3A_150 = arith.constant 0 : index
    %get3A_151 = arith.constant 4 : index
    %get3A_152 = vector.load %arg3[%get3A_148, %get3A_149, %get3A_150, %get3A_151] : memref<2x52x8x255xf32, #tpu.memory_space<vmem>>, vector<2x52x8x1xf32>
    %get3A_153 = vector.shape_cast %get3A_152 : vector<2x52x8x1xf32> to vector<2x52x8xf32>
    %max3A_154 = arith.constant 0.000000e+00 : f32
    %max3A_155 = vector.broadcast %max3A_154 : f32 to vector<2x52x8xf32>
    %max3A_156 = arith.maximumf %get3A_153, %max3A_155 : vector<2x52x8xf32>
    %abs3A_157 = math.absf %get3A_153 : vector<2x52x8xf32>
    %neg3A_158 = arith.constant 0.000000e+00 : f32
    %neg3A_159 = vector.broadcast %neg3A_158 : f32 to vector<2x52x8xf32>
    %neg3A_160 = arith.subf %neg3A_159, %abs3A_157 : vector<2x52x8xf32>
    %exp3A_161 = math.exp %neg3A_160 : vector<2x52x8xf32>
    %log1p3A_162 = math.log1p %exp3A_161 : vector<2x52x8xf32>
    %add3A_163 = arith.addf %max3A_156, %log1p3A_162 : vector<2x52x8xf32>
    %reduce_sum3A_164 = vector.shape_cast %add3A_163 : vector<2x52x8xf32> to vector<1x2x52x8xf32>
    %reduce_sum3A_165 = arith.constant dense<0.000000e+00> : vector<1xf32>
    %reduce_sum3A_166 = vector.multi_reduction <add>, %reduce_sum3A_164, %reduce_sum3A_165 [1, 2, 3] : vector<1x2x52x8xf32> to vector<1xf32>
    %reduce_sum3A_167 = vector.shape_cast %reduce_sum3A_166 : vector<1xf32> to vector<1x1x1x1xf32>
    %reduce_sum3A_168 = vector.extract %reduce_sum3A_167[0, 0, 0, 0] : f32 from vector<1x1x1x1xf32>
    %add3A_169 = arith.addf %add3A_147, %reduce_sum3A_168 : f32
    %get3A_170 = arith.constant 0 : index
    %get3A_171 = arith.constant 0 : index
    %get3A_172 = arith.constant 0 : index
    %get3A_173 = arith.constant 4 : index
    %get3A_174 = vector.load %arg1[%get3A_170, %get3A_171, %get3A_172, %get3A_173] : memref<1x13x8x255xf32, #tpu.memory_space<vmem>>, vector<1x13x8x1xf32>
    %get3A_175 = vector.shape_cast %get3A_174 : vector<1x13x8x1xf32> to vector<13x8xf32>
    %max3A_176 = arith.constant 0.000000e+00 : f32
    %max3A_177 = vector.broadcast %max3A_176 : f32 to vector<13x8xf32>
    %max3A_178 = arith.maximumf %get3A_175, %max3A_177 : vector<13x8xf32>
    %abs3A_179 = math.absf %get3A_175 : vector<13x8xf32>
    %neg3A_180 = arith.constant 0.000000e+00 : f32
    %neg3A_181 = vector.broadcast %neg3A_180 : f32 to vector<13x8xf32>
    %neg3A_182 = arith.subf %neg3A_181, %abs3A_179 : vector<13x8xf32>
    %exp3A_183 = math.exp %neg3A_182 : vector<13x8xf32>
    %log1p3A_184 = math.log1p %exp3A_183 : vector<13x8xf32>
    %add3A_185 = arith.addf %max3A_178, %log1p3A_184 : vector<13x8xf32>
    %reduce_sum3A_186 = vector.shape_cast %add3A_185 : vector<13x8xf32> to vector<1x13x8xf32>
    %reduce_sum3A_187 = arith.constant dense<0.000000e+00> : vector<1xf32>
    %reduce_sum3A_188 = vector.multi_reduction <add>, %reduce_sum3A_186, %reduce_sum3A_187 [1, 2] : vector<1x13x8xf32> to vector<1xf32>
    %reduce_sum3A_189 = vector.shape_cast %reduce_sum3A_188 : vector<1xf32> to vector<1x1x1xf32>
    %reduce_sum3A_190 = vector.extract %reduce_sum3A_189[0, 0, 0] : f32 from vector<1x1x1xf32>
    %add3A_191 = arith.constant 0.000000e+00 : f32
    %add3A_192 = arith.addf %add3A_191, %reduce_sum3A_190 : f32
    %get3A_193 = arith.constant 0 : index
    %get3A_194 = arith.constant 0 : index
    %get3A_195 = arith.constant 0 : index
    %get3A_196 = arith.constant 89 : index
    %get3A_197 = vector.load %arg2[%get3A_193, %get3A_194, %get3A_195, %get3A_196] : memref<1x26x8x255xf32, #tpu.memory_space<vmem>>, vector<1x26x8x1xf32>
    %get3A_198 = vector.shape_cast %get3A_197 : vector<1x26x8x1xf32> to vector<26x8xf32>
    %max3A_199 = arith.constant 0.000000e+00 : f32
    %max3A_200 = vector.broadcast %max3A_199 : f32 to vector<26x8xf32>
    %max3A_201 = arith.maximumf %get3A_198, %max3A_200 : vector<26x8xf32>
    %abs3A_202 = math.absf %get3A_198 : vector<26x8xf32>
    %neg3A_203 = arith.constant 0.000000e+00 : f32
    %neg3A_204 = vector.broadcast %neg3A_203 : f32 to vector<26x8xf32>
    %neg3A_205 = arith.subf %neg3A_204, %abs3A_202 : vector<26x8xf32>
    %exp3A_206 = math.exp %neg3A_205 : vector<26x8xf32>
    %log1p3A_207 = math.log1p %exp3A_206 : vector<26x8xf32>
    %add3A_208 = arith.addf %max3A_201, %log1p3A_207 : vector<26x8xf32>
    %reduce_sum3A_209 = vector.shape_cast %add3A_208 : vector<26x8xf32> to vector<1x26x8xf32>
    %reduce_sum3A_210 = arith.constant dense<0.000000e+00> : vector<1xf32>
    %reduce_sum3A_211 = vector.multi_reduction <add>, %reduce_sum3A_209, %reduce_sum3A_210 [1, 2] : vector<1x26x8xf32> to vector<1xf32>
    %reduce_sum3A_212 = vector.shape_cast %reduce_sum3A_211 : vector<1xf32> to vector<1x1x1xf32>
    %reduce_sum3A_213 = vector.extract %reduce_sum3A_212[0, 0, 0] : f32 from vector<1x1x1xf32>
    %add3A_214 = arith.addf %add3A_169, %reduce_sum3A_213 : f32
    %get3A_215 = arith.constant 0 : index
    %get3A_216 = arith.constant 0 : index
    %get3A_217 = arith.constant 0 : index
    %get3A_218 = arith.constant 89 : index
    %get3A_219 = vector.load %arg3[%get3A_215, %get3A_216, %get3A_217, %get3A_218] : memref<2x52x8x255xf32, #tpu.memory_space<vmem>>, vector<2x52x8x1xf32>
    %get3A_220 = vector.shape_cast %get3A_219 : vector<2x52x8x1xf32> to vector<2x52x8xf32>
    %max3A_221 = arith.constant 0.000000e+00 : f32
    %max3A_222 = vector.broadcast %max3A_221 : f32 to vector<2x52x8xf32>
    %max3A_223 = arith.maximumf %get3A_220, %max3A_222 : vector<2x52x8xf32>
    %abs3A_224 = math.absf %get3A_220 : vector<2x52x8xf32>
    %neg3A_225 = arith.constant 0.000000e+00 : f32
    %neg3A_226 = vector.broadcast %neg3A_225 : f32 to vector<2x52x8xf32>
    %neg3A_227 = arith.subf %neg3A_226, %abs3A_224 : vector<2x52x8xf32>
    %exp3A_228 = math.exp %neg3A_227 : vector<2x52x8xf32>
    %log1p3A_229 = math.log1p %exp3A_228 : vector<2x52x8xf32>
    %add3A_230 = arith.addf %max3A_223, %log1p3A_229 : vector<2x52x8xf32>
    %reduce_sum3A_231 = vector.shape_cast %add3A_230 : vector<2x52x8xf32> to vector<1x2x52x8xf32>
    %reduce_sum3A_232 = arith.constant dense<0.000000e+00> : vector<1xf32>
    %reduce_sum3A_233 = vector.multi_reduction <add>, %reduce_sum3A_231, %reduce_sum3A_232 [1, 2, 3] : vector<1x2x52x8xf32> to vector<1xf32>
    %reduce_sum3A_234 = vector.shape_cast %reduce_sum3A_233 : vector<1xf32> to vector<1x1x1x1xf32>
    %reduce_sum3A_235 = vector.extract %reduce_sum3A_234[0, 0, 0, 0] : f32 from vector<1x1x1x1xf32>
    %add3A_236 = arith.addf %add3A_214, %reduce_sum3A_235 : f32
    %get3A_237 = arith.constant 0 : index
    %get3A_238 = arith.constant 0 : index
    %get3A_239 = arith.constant 0 : index
    %get3A_240 = arith.constant 89 : index
    %get3A_241 = vector.load %arg1[%get3A_237, %get3A_238, %get3A_239, %get3A_240] : memref<1x13x8x255xf32, #tpu.memory_space<vmem>>, vector<1x13x8x1xf32>
    %get3A_242 = vector.shape_cast %get3A_241 : vector<1x13x8x1xf32> to vector<13x8xf32>
    %max3A_243 = arith.constant 0.000000e+00 : f32
    %max3A_244 = vector.broadcast %max3A_243 : f32 to vector<13x8xf32>
    %max3A_245 = arith.maximumf %get3A_242, %max3A_244 : vector<13x8xf32>
    %abs3A_246 = math.absf %get3A_242 : vector<13x8xf32>
    %neg3A_247 = arith.constant 0.000000e+00 : f32
    %neg3A_248 = vector.broadcast %neg3A_247 : f32 to vector<13x8xf32>
    %neg3A_249 = arith.subf %neg3A_248, %abs3A_246 : vector<13x8xf32>
    %exp3A_250 = math.exp %neg3A_249 : vector<13x8xf32>
    %log1p3A_251 = math.log1p %exp3A_250 : vector<13x8xf32>
    %add3A_252 = arith.addf %max3A_245, %log1p3A_251 : vector<13x8xf32>
    %reduce_sum3A_253 = vector.shape_cast %add3A_252 : vector<13x8xf32> to vector<1x13x8xf32>
    %reduce_sum3A_254 = arith.constant dense<0.000000e+00> : vector<1xf32>
    %reduce_sum3A_255 = vector.multi_reduction <add>, %reduce_sum3A_253, %reduce_sum3A_254 [1, 2] : vector<1x13x8xf32> to vector<1xf32>
    %reduce_sum3A_256 = vector.shape_cast %reduce_sum3A_255 : vector<1xf32> to vector<1x1x1xf32>
    %reduce_sum3A_257 = vector.extract %reduce_sum3A_256[0, 0, 0] : f32 from vector<1x1x1xf32>
    %add3A_258 = arith.addf %add3A_192, %reduce_sum3A_257 : f32
    %get3A_259 = arith.constant 0 : index
    %get3A_260 = arith.constant 0 : index
    %get3A_261 = arith.constant 0 : index
    %get3A_262 = arith.constant 174 : index
    %get3A_263 = vector.load %arg2[%get3A_259, %get3A_260, %get3A_261, %get3A_262] : memref<1x26x8x255xf32, #tpu.memory_space<vmem>>, vector<1x26x8x1xf32>
    %get3A_264 = vector.shape_cast %get3A_263 : vector<1x26x8x1xf32> to vector<26x8xf32>
    %max3A_265 = arith.constant 0.000000e+00 : f32
    %max3A_266 = vector.broadcast %max3A_265 : f32 to vector<26x8xf32>
    %max3A_267 = arith.maximumf %get3A_264, %max3A_266 : vector<26x8xf32>
    %abs3A_268 = math.absf %get3A_264 : vector<26x8xf32>
    %neg3A_269 = arith.constant 0.000000e+00 : f32
    %neg3A_270 = vector.broadcast %neg3A_269 : f32 to vector<26x8xf32>
    %neg3A_271 = arith.subf %neg3A_270, %abs3A_268 : vector<26x8xf32>
    %exp3A_272 = math.exp %neg3A_271 : vector<26x8xf32>
    %log1p3A_273 = math.log1p %exp3A_272 : vector<26x8xf32>
    %add3A_274 = arith.addf %max3A_267, %log1p3A_273 : vector<26x8xf32>
    %reduce_sum3A_275 = vector.shape_cast %add3A_274 : vector<26x8xf32> to vector<1x26x8xf32>
    %reduce_sum3A_276 = arith.constant dense<0.000000e+00> : vector<1xf32>
    %reduce_sum3A_277 = vector.multi_reduction <add>, %reduce_sum3A_275, %reduce_sum3A_276 [1, 2] : vector<1x26x8xf32> to vector<1xf32>
    %reduce_sum3A_278 = vector.shape_cast %reduce_sum3A_277 : vector<1xf32> to vector<1x1x1xf32>
    %reduce_sum3A_279 = vector.extract %reduce_sum3A_278[0, 0, 0] : f32 from vector<1x1x1xf32>
    %add3A_280 = arith.addf %add3A_236, %reduce_sum3A_279 : f32
    %get3A_281 = arith.constant 0 : index
    %get3A_282 = arith.constant 0 : index
    %get3A_283 = arith.constant 0 : index
    %get3A_284 = arith.constant 174 : index
    %get3A_285 = vector.load %arg3[%get3A_281, %get3A_282, %get3A_283, %get3A_284] : memref<2x52x8x255xf32, #tpu.memory_space<vmem>>, vector<2x52x8x1xf32>
    %get3A_286 = vector.shape_cast %get3A_285 : vector<2x52x8x1xf32> to vector<2x52x8xf32>
    %max3A_287 = arith.constant 0.000000e+00 : f32
    %max3A_288 = vector.broadcast %max3A_287 : f32 to vector<2x52x8xf32>
    %max3A_289 = arith.maximumf %get3A_286, %max3A_288 : vector<2x52x8xf32>
    %abs3A_290 = math.absf %get3A_286 : vector<2x52x8xf32>
    %neg3A_291 = arith.constant 0.000000e+00 : f32
    %neg3A_292 = vector.broadcast %neg3A_291 : f32 to vector<2x52x8xf32>
    %neg3A_293 = arith.subf %neg3A_292, %abs3A_290 : vector<2x52x8xf32>
    %exp3A_294 = math.exp %neg3A_293 : vector<2x52x8xf32>
    %log1p3A_295 = math.log1p %exp3A_294 : vector<2x52x8xf32>
    %add3A_296 = arith.addf %max3A_289, %log1p3A_295 : vector<2x52x8xf32>
    %reduce_sum3A_297 = vector.shape_cast %add3A_296 : vector<2x52x8xf32> to vector<1x2x52x8xf32>
    %reduce_sum3A_298 = arith.constant dense<0.000000e+00> : vector<1xf32>
    %reduce_sum3A_299 = vector.multi_reduction <add>, %reduce_sum3A_297, %reduce_sum3A_298 [1, 2, 3] : vector<1x2x52x8xf32> to vector<1xf32>
    %reduce_sum3A_300 = vector.shape_cast %reduce_sum3A_299 : vector<1xf32> to vector<1x1x1x1xf32>
    %reduce_sum3A_301 = vector.extract %reduce_sum3A_300[0, 0, 0, 0] : f32 from vector<1x1x1x1xf32>
    %add3A_302 = arith.addf %add3A_280, %reduce_sum3A_301 : f32
    %get3A_303 = arith.constant 0 : index
    %get3A_304 = arith.constant 0 : index
    %get3A_305 = arith.constant 0 : index
    %get3A_306 = arith.constant 174 : index
    %get3A_307 = vector.load %arg1[%get3A_303, %get3A_304, %get3A_305, %get3A_306] : memref<1x13x8x255xf32, #tpu.memory_space<vmem>>, vector<1x13x8x1xf32>
    %get3A_308 = vector.shape_cast %get3A_307 : vector<1x13x8x1xf32> to vector<13x8xf32>
    %max3A_309 = arith.constant 0.000000e+00 : f32
    %max3A_310 = vector.broadcast %max3A_309 : f32 to vector<13x8xf32>
    %max3A_311 = arith.maximumf %get3A_308, %max3A_310 : vector<13x8xf32>
    %abs3A_312 = math.absf %get3A_308 : vector<13x8xf32>
    %neg3A_313 = arith.constant 0.000000e+00 : f32
    %neg3A_314 = vector.broadcast %neg3A_313 : f32 to vector<13x8xf32>
    %neg3A_315 = arith.subf %neg3A_314, %abs3A_312 : vector<13x8xf32>
    %exp3A_316 = math.exp %neg3A_315 : vector<13x8xf32>
    %log1p3A_317 = math.log1p %exp3A_316 : vector<13x8xf32>
    %add3A_318 = arith.addf %max3A_311, %log1p3A_317 : vector<13x8xf32>
    %reduce_sum3A_319 = vector.shape_cast %add3A_318 : vector<13x8xf32> to vector<1x13x8xf32>
    %reduce_sum3A_320 = arith.constant dense<0.000000e+00> : vector<1xf32>
    %reduce_sum3A_321 = vector.multi_reduction <add>, %reduce_sum3A_319, %reduce_sum3A_320 [1, 2] : vector<1x13x8xf32> to vector<1xf32>
    %reduce_sum3A_322 = vector.shape_cast %reduce_sum3A_321 : vector<1xf32> to vector<1x1x1xf32>
    %reduce_sum3A_323 = vector.extract %reduce_sum3A_322[0, 0, 0] : f32 from vector<1x1x1xf32>
    %add3A_324 = arith.addf %add3A_258, %reduce_sum3A_323 : f32
    %dma_wait3A = arith.constant 0 : i32
    %dma_wait3A_325 = arith.constant 0 : i32
    %dma_wait3A_326 = arith.constant 0 : i32
    %dma_wait3A_327 = arith.constant 0 : i32
    %dma_wait3A_328 = arith.constant 0 : i32
    %dma_wait3A_329 = tpu.memref_slice %arg11[%dma_wait3A_326, %dma_wait3A_325, %dma_wait3A_327, %dma_wait3A_328] : memref<13x2x8x128xf32, #tpu.memory_space<vmem>> -> memref<13x1x8x128xf32, #tpu.memory_space<vmem>>
    %dma_wait3A_330 = tpu.memref_squeeze %dma_wait3A_329 : memref<13x1x8x128xf32, #tpu.memory_space<vmem>> -> memref<13x8x128xf32, #tpu.memory_space<vmem>>
    %dma_wait3A_331 = arith.constant 0 : i32
    %dma_wait3A_332 = arith.constant 0 : i32
    %dma_wait3A_333 = arith.constant 0 : i32
    %dma_wait3A_334 = tpu.memref_slice %arg1[%dma_wait3A, %dma_wait3A_331, %dma_wait3A_332, %dma_wait3A_333] : memref<1x13x8x255xf32, #tpu.memory_space<vmem>> -> memref<1x13x8x128xf32, #tpu.memory_space<vmem>>
    %dma_wait3A_335 = tpu.memref_squeeze %dma_wait3A_334 : memref<1x13x8x128xf32, #tpu.memory_space<vmem>> -> memref<13x8x128xf32, #tpu.memory_space<vmem>>
    tpu.wait_dma2 semaphore(%arg26 : memref<!tpu.dma_semaphore, #tpu.memory_space<semaphore_mem>>) src(%dma_wait3A_335 : memref<13x8x128xf32, #tpu.memory_space<vmem>>) dst(%dma_wait3A_330 : memref<13x8x128xf32, #tpu.memory_space<vmem>>)
    %dma_wait3A_336 = arith.constant 0 : i32
    %dma_wait3A_337 = arith.constant 0 : i32
    %dma_wait3A_338 = arith.constant 0 : i32
    %dma_wait3A_339 = arith.constant 0 : i32
    %dma_wait3A_340 = arith.constant 0 : i32
    %dma_wait3A_341 = tpu.memref_slice %arg12[%dma_wait3A_338, %dma_wait3A_337, %dma_wait3A_339, %dma_wait3A_340] : memref<26x2x8x128xf32, #tpu.memory_space<vmem>> -> memref<26x1x8x128xf32, #tpu.memory_space<vmem>>
    %dma_wait3A_342 = tpu.memref_squeeze %dma_wait3A_341 : memref<26x1x8x128xf32, #tpu.memory_space<vmem>> -> memref<26x8x128xf32, #tpu.memory_space<vmem>>
    %dma_wait3A_343 = arith.constant 0 : i32
    %dma_wait3A_344 = arith.constant 0 : i32
    %dma_wait3A_345 = arith.constant 0 : i32
    %dma_wait3A_346 = tpu.memref_slice %arg2[%dma_wait3A_336, %dma_wait3A_343, %dma_wait3A_344, %dma_wait3A_345] : memref<1x26x8x255xf32, #tpu.memory_space<vmem>> -> memref<1x26x8x128xf32, #tpu.memory_space<vmem>>
    %dma_wait3A_347 = tpu.memref_squeeze %dma_wait3A_346 : memref<1x26x8x128xf32, #tpu.memory_space<vmem>> -> memref<26x8x128xf32, #tpu.memory_space<vmem>>
    tpu.wait_dma2 semaphore(%arg27 : memref<!tpu.dma_semaphore, #tpu.memory_space<semaphore_mem>>) src(%dma_wait3A_347 : memref<26x8x128xf32, #tpu.memory_space<vmem>>) dst(%dma_wait3A_342 : memref<26x8x128xf32, #tpu.memory_space<vmem>>)
    %dma_wait3A_348 = arith.constant 0 : i32
    %dma_wait3A_349 = arith.constant 0 : i32
    %dma_wait3A_350 = arith.constant 0 : i32
    %dma_wait3A_351 = arith.constant 0 : i32
    %dma_wait3A_352 = arith.constant 0 : i32
    %dma_wait3A_353 = tpu.memref_slice %arg13[%dma_wait3A_350, %dma_wait3A_349, %dma_wait3A_351, %dma_wait3A_352] : memref<104x2x8x128xf32, #tpu.memory_space<vmem>> -> memref<52x1x8x128xf32, #tpu.memory_space<vmem>>
    %dma_wait3A_354 = tpu.memref_squeeze %dma_wait3A_353 : memref<52x1x8x128xf32, #tpu.memory_space<vmem>> -> memref<52x8x128xf32, #tpu.memory_space<vmem>>
    %dma_wait3A_355 = arith.constant 0 : i32
    %dma_wait3A_356 = arith.constant 0 : i32
    %dma_wait3A_357 = arith.constant 0 : i32
    %dma_wait3A_358 = tpu.memref_slice %arg3[%dma_wait3A_348, %dma_wait3A_355, %dma_wait3A_356, %dma_wait3A_357] : memref<2x52x8x255xf32, #tpu.memory_space<vmem>> -> memref<1x52x8x128xf32, #tpu.memory_space<vmem>>
    %dma_wait3A_359 = tpu.memref_squeeze %dma_wait3A_358 : memref<1x52x8x128xf32, #tpu.memory_space<vmem>> -> memref<52x8x128xf32, #tpu.memory_space<vmem>>
    tpu.wait_dma2 semaphore(%arg28 : memref<!tpu.dma_semaphore, #tpu.memory_space<semaphore_mem>>) src(%dma_wait3A_359 : memref<52x8x128xf32, #tpu.memory_space<vmem>>) dst(%dma_wait3A_354 : memref<52x8x128xf32, #tpu.memory_space<vmem>>)
    %dma_wait3A_360 = arith.constant 1 : i32
    %dma_wait3A_361 = arith.constant 0 : i32
    %dma_wait3A_362 = arith.constant 52 : i32
    %dma_wait3A_363 = arith.constant 0 : i32
    %dma_wait3A_364 = arith.constant 0 : i32
    %dma_wait3A_365 = tpu.memref_slice %arg13[%dma_wait3A_362, %dma_wait3A_361, %dma_wait3A_363, %dma_wait3A_364] : memref<104x2x8x128xf32, #tpu.memory_space<vmem>> -> memref<52x1x8x128xf32, #tpu.memory_space<vmem>>
    %dma_wait3A_366 = tpu.memref_squeeze %dma_wait3A_365 : memref<52x1x8x128xf32, #tpu.memory_space<vmem>> -> memref<52x8x128xf32, #tpu.memory_space<vmem>>
    %dma_wait3A_367 = arith.constant 0 : i32
    %dma_wait3A_368 = arith.constant 0 : i32
    %dma_wait3A_369 = arith.constant 0 : i32
    %dma_wait3A_370 = tpu.memref_slice %arg3[%dma_wait3A_360, %dma_wait3A_367, %dma_wait3A_368, %dma_wait3A_369] : memref<2x52x8x255xf32, #tpu.memory_space<vmem>> -> memref<1x52x8x128xf32, #tpu.memory_space<vmem>>
    %dma_wait3A_371 = tpu.memref_squeeze %dma_wait3A_370 : memref<1x52x8x128xf32, #tpu.memory_space<vmem>> -> memref<52x8x128xf32, #tpu.memory_space<vmem>>
    tpu.wait_dma2 semaphore(%arg29 : memref<!tpu.dma_semaphore, #tpu.memory_space<semaphore_mem>>) src(%dma_wait3A_371 : memref<52x8x128xf32, #tpu.memory_space<vmem>>) dst(%dma_wait3A_366 : memref<52x8x128xf32, #tpu.memory_space<vmem>>)
    %eq3A = arith.constant 0 : i32
    %eq3A_372 = arith.cmpi eq, %arg0, %eq3A : i32
    %convert_element_type3A = arith.extui %eq3A_372 : i1 to i32
    %cond3A = arith.constant 0 : i32
    %cond3A_373 = arith.cmpi ne, %convert_element_type3A, %cond3A : i32
    scf.if %cond3A_373 {
      %broadcast_in_dim3A_392 = arith.constant 0.000000e+00 : f32
      %broadcast_in_dim3A_393 = vector.broadcast %broadcast_in_dim3A_392 : f32 to vector<1x1xf32>
      %swap3A_394 = arith.constant 0 : index
      %swap3A_395 = arith.constant 0 : index
      %swap3A_396 = vector.load %arg10[%swap3A_394, %swap3A_395] : memref<1x1xf32, #tpu.memory_space<vmem>>, vector<1x1xf32>
      tpu.vector_store %arg10[%swap3A_394, %swap3A_395], %broadcast_in_dim3A_393 {strides = array<i32>} : memref<1x1xf32, #tpu.memory_space<vmem>>, vector<1x1xf32>,
    } else {
    }
    %get3A_374 = arith.constant 0 : index
    %get3A_375 = arith.constant 0 : index
    %get3A_376 = vector.load %arg10[%get3A_374, %get3A_375] : memref<1x1xf32, #tpu.memory_space<vmem>>, vector<1x1xf32>
    %mul3A = arith.constant 5.000000e-01 : f32
    %mul3A_377 = arith.mulf %mul3A, %add3A_302 : f32
    %broadcast_in_dim3A_378 = vector.broadcast %mul3A_377 : f32 to vector<1x1xf32>
    %add3A_379 = arith.addf %get3A_376, %broadcast_in_dim3A_378 : vector<1x1xf32>
    %swap3A_380 = arith.constant 0 : index
    %swap3A_381 = arith.constant 0 : index
    %swap3A_382 = vector.load %arg10[%swap3A_380, %swap3A_381] : memref<1x1xf32, #tpu.memory_space<vmem>>, vector<1x1xf32>
    tpu.vector_store %arg10[%swap3A_380, %swap3A_381], %add3A_379 {strides = array<i32>} : memref<1x1xf32, #tpu.memory_space<vmem>>, vector<1x1xf32>,
    %lt3A = arith.constant 13 : i32
    %lt3A_383 = arith.cmpi slt, %arg0, %lt3A : i32
    %convert_element_type3A_384 = arith.extui %lt3A_383 : i1 to i32
    %cond3A_385 = arith.constant 0 : i32
    %cond3A_386 = arith.cmpi ne, %convert_element_type3A_384, %cond3A_385 : i32
    scf.if %cond3A_386 {
      %get3A_392 = arith.constant 0 : index
      %get3A_393 = arith.constant 0 : index
      %get3A_394 = vector.load %arg10[%get3A_392, %get3A_393] : memref<1x1xf32, #tpu.memory_space<vmem>>, vector<1x1xf32>
      %mul3A_395 = arith.constant 5.000000e-01 : f32
      %mul3A_396 = arith.mulf %mul3A_395, %add3A_324 : f32
      %broadcast_in_dim3A_397 = vector.broadcast %mul3A_396 : f32 to vector<1x1xf32>
      %add3A_398 = arith.addf %get3A_394, %broadcast_in_dim3A_397 : vector<1x1xf32>
      %swap3A_399 = arith.constant 0 : index
      %swap3A_400 = arith.constant 0 : index
      %swap3A_401 = vector.load %arg10[%swap3A_399, %swap3A_400] : memref<1x1xf32, #tpu.memory_space<vmem>>, vector<1x1xf32>
      tpu.vector_store %arg10[%swap3A_399, %swap3A_400], %add3A_398 {strides = array<i32>} : memref<1x1xf32, #tpu.memory_space<vmem>>, vector<1x1xf32>,
    } else {
    }
    %eq3A_387 = arith.constant 0 : i32
    %eq3A_388 = arith.cmpi eq, %arg0, %eq3A_387 : i32
    %convert_element_type3A_389 = arith.extui %eq3A_388 : i1 to i32
    %cond3A_390 = arith.constant 0 : i32
    %cond3A_391 = arith.cmpi ne, %convert_element_type3A_389, %cond3A_390 : i32
    scf.if %cond3A_391 {
      %get3A_392 = arith.constant 0 : index
      %get3A_393 = arith.constant 0 : index
      %get3A_394 = vector.load %arg4[%get3A_392, %get3A_393] : memref<8x20xf32, #tpu.memory_space<vmem>>, vector<8x20xf32>
      %get3A_395 = arith.constant 0 : index
      %get3A_396 = arith.constant 0 : index
      %get3A_397 = vector.load %arg5[%get3A_395, %get3A_396] : memref<8x20xf32, #tpu.memory_space<vmem>>, vector<8x20xf32>
      %get3A_398 = arith.constant 0 : index
      %get3A_399 = arith.constant 0 : index
      %get3A_400 = vector.load %arg6[%get3A_398, %get3A_399] : memref<8x20xf32, #tpu.memory_space<vmem>>, vector<8x20xf32>
      %get3A_401 = arith.constant 0 : index
      %get3A_402 = arith.constant 0 : index
      %get3A_403 = vector.load %arg7[%get3A_401, %get3A_402] : memref<8x20xf32, #tpu.memory_space<vmem>>, vector<8x20xf32>
      %get3A_404 = arith.constant 0 : index
      %get3A_405 = arith.constant 0 : index
      %get3A_406 = vector.load %arg8[%get3A_404, %get3A_405] : memref<8x20xi32, #tpu.memory_space<vmem>>, vector<8x20xi32>
      %iota3A = tpu.iota {dimensions = array<i32: 0>} : vector<8x20xi32>
      %iota3A_407 = tpu.iota {dimensions = array<i32: 1>} : vector<8x20x20xi32>
      %iota3A_408 = tpu.iota {dimensions = array<i32: 2>} : vector<8x20x20xi32>
      %lt3A_409 = arith.cmpi slt, %iota3A_407, %iota3A_408 : vector<8x20x20xi32>
      %broadcast_in_dim3A_410 = vector.shape_cast %get3A_406 : vector<8x20xi32> to vector<8x20x1xi32>
      %broadcast_in_dim3A_411 = vector.shape_cast %get3A_406 : vector<8x20xi32> to vector<8x1x20xi32>
      %eq3A_412 = vector.broadcast %broadcast_in_dim3A_410 : vector<8x20x1xi32> to vector<8x20x20xi32>
      %eq3A_413 = vector.broadcast %broadcast_in_dim3A_411 : vector<8x1x20xi32> to vector<8x20x20xi32>
      %eq3A_414 = arith.cmpi eq, %eq3A_412, %eq3A_413 : vector<8x20x20xi32>
      %get3A_415 = arith.constant 0 : index
      %get3A_416 = arith.constant 0 : index
      %get3A_417 = arith.constant 0 : index
      %get3A_418 = arith.constant 0 : index
      %get3A_419 = vector.load %arg9[%get3A_415, %get3A_416, %get3A_417, %get3A_418] : memref<3x3x8x20xf32, #tpu.memory_space<vmem>>, vector<1x1x8x20xf32>
      %get3A_420 = vector.shape_cast %get3A_419 : vector<1x1x8x20xf32> to vector<8x20xf32>
      %get3A_421 = arith.constant 0 : index
      %get3A_422 = arith.constant 1 : index
      %get3A_423 = arith.constant 0 : index
      %get3A_424 = arith.constant 0 : index
      %get3A_425 = vector.load %arg9[%get3A_421, %get3A_422, %get3A_423, %get3A_424] : memref<3x3x8x20xf32, #tpu.memory_space<vmem>>, vector<1x1x8x20xf32>
      %get3A_426 = vector.shape_cast %get3A_425 : vector<1x1x8x20xf32> to vector<8x20xf32>
      %get3A_427 = arith.constant 0 : index
      %get3A_428 = arith.constant 2 : index
      %get3A_429 = arith.constant 0 : index
      %get3A_430 = arith.constant 0 : index
      %get3A_431 = vector.load %arg9[%get3A_427, %get3A_428, %get3A_429, %get3A_430] : memref<3x3x8x20xf32, #tpu.memory_space<vmem>>, vector<1x1x8x20xf32>
      %get3A_432 = vector.shape_cast %get3A_431 : vector<1x1x8x20xf32> to vector<8x20xf32>
      %broadcast_in_dim3A_433 = arith.constant 0 : i32
      %broadcast_in_dim3A_434 = vector.broadcast %broadcast_in_dim3A_433 : i32 to vector<8x20xi32>
      %gt3A = arith.cmpf ogt, %get3A_426, %get3A_420 : vector<8x20xf32>
      %jit3A = arith.constant 1 : i32
      %broadcast_in_dim3A_435 = vector.broadcast %jit3A : i32 to vector<8x20xi32>
      %select_n3A = arith.select %gt3A, %broadcast_in_dim3A_435, %broadcast_in_dim3A_434 : vector<8x20xi1>, vector<8x20xi32>
      %max3A_436 = arith.maximumf %get3A_420, %get3A_426 : vector<8x20xf32>
      %gt3A_437 = arith.cmpf ogt, %get3A_432, %max3A_436 : vector<8x20xf32>
      %jit3A_438 = arith.constant 2 : i32
      %broadcast_in_dim3A_439 = vector.broadcast %jit3A_438 : i32 to vector<8x20xi32>
      %select_n3A_440 = arith.select %gt3A_437, %broadcast_in_dim3A_439, %select_n3A : vector<8x20xi1>, vector<8x20xi32>
      %mul3A_441 = arith.constant 1.300000e+01 : f32
      %mul3A_442 = vector.broadcast %mul3A_441 : f32 to vector<8x20xf32>
      %mul3A_443 = arith.mulf %get3A_394, %mul3A_442 : vector<8x20xf32>
      %convert_element_type3A_444 = arith.fptosi %mul3A_443 : vector<8x20xf32> to vector<8x20xi32>
      %min3A = arith.constant 12 : i32
      %min3A_445 = vector.broadcast %min3A : i32 to vector<8x20xi32>
      %min3A_446 = arith.minsi %convert_element_type3A_444, %min3A_445 : vector<8x20xi32>
      %mul3A_447 = arith.constant 1.300000e+01 : f32
      %mul3A_448 = vector.broadcast %mul3A_447 : f32 to vector<8x20xf32>
      %mul3A_449 = arith.mulf %get3A_397, %mul3A_448 : vector<8x20xf32>
      %convert_element_type3A_450 = arith.fptosi %mul3A_449 : vector<8x20xf32> to vector<8x20xi32>
      %min3A_451 = arith.constant 12 : i32
      %min3A_452 = vector.broadcast %min3A_451 : i32 to vector<8x20xi32>
      %min3A_453 = arith.minsi %convert_element_type3A_450, %min3A_452 : vector<8x20xi32>
      %mul3A_454 = arith.constant 13 : i32
      %mul3A_455 = vector.broadcast %mul3A_454 : i32 to vector<8x20xi32>
      %mul3A_456 = arith.muli %min3A_453, %mul3A_455 : vector<8x20xi32>
      %add3A_457 = arith.addi %mul3A_456, %min3A_446 : vector<8x20xi32>
      %mul3A_458 = arith.constant 169 : i32
      %mul3A_459 = vector.broadcast %mul3A_458 : i32 to vector<8x20xi32>
      %mul3A_460 = arith.muli %select_n3A_440, %mul3A_459 : vector<8x20xi32>
      %add3A_461 = arith.addi %mul3A_460, %add3A_457 : vector<8x20xi32>
      %broadcast_in_dim3A_462 = vector.shape_cast %add3A_461 : vector<8x20xi32> to vector<8x20x1xi32>
      %broadcast_in_dim3A_463 = vector.shape_cast %add3A_461 : vector<8x20xi32> to vector<8x1x20xi32>
      %eq3A_464 = vector.broadcast %broadcast_in_dim3A_462 : vector<8x20x1xi32> to vector<8x20x20xi32>
      %eq3A_465 = vector.broadcast %broadcast_in_dim3A_463 : vector<8x1x20xi32> to vector<8x20x20xi32>
      %eq3A_466 = arith.cmpi eq, %eq3A_464, %eq3A_465 : vector<8x20x20xi32>
      %and3A = arith.andi %eq3A_466, %lt3A_409 : vector<8x20x20xi1>
      %reduce_or3A = arith.constant 1.000000e+00 : f32
      %reduce_or3A_467 = arith.constant 0.000000e+00 : f32
      %reduce_or3A_468 = vector.broadcast %reduce_or3A : f32 to vector<8x20x20xf32>
      %reduce_or3A_469 = vector.broadcast %reduce_or3A_467 : f32 to vector<8x20x20xf32>
      %reduce_or3A_470 = arith.select %and3A, %reduce_or3A_468, %reduce_or3A_469 : vector<8x20x20xi1>, vector<8x20x20xf32>
      %reduce_or3A_471 = arith.constant dense<0xFF800000> : vector<8x20xf32>
      %reduce_or3A_472 = vector.multi_reduction <maximumf>, %reduce_or3A_470, %reduce_or3A_471 [2] : vector<8x20x20xf32> to vector<8x20xf32>
      %reduce_or3A_473 = arith.constant 0.000000e+00 : f32
      %reduce_or3A_474 = vector.broadcast %reduce_or3A_473 : f32 to vector<8x20xf32>
      %reduce_or3A_475 = arith.cmpf ogt, %reduce_or3A_472, %reduce_or3A_474 : vector<8x20xf32>
      %not3A = arith.constant dense<true> : vector<8x20xi1>
      %not3A_476 = arith.xori %reduce_or3A_475, %not3A : vector<8x20xi1>
      %and3A_477 = arith.andi %eq3A_466, %eq3A_414 : vector<8x20x20xi1>
      %and3A_478 = arith.andi %and3A_477, %lt3A_409 : vector<8x20x20xi1>
      %reduce_or3A_479 = arith.constant 1.000000e+00 : f32
      %reduce_or3A_480 = arith.constant 0.000000e+00 : f32
      %reduce_or3A_481 = vector.broadcast %reduce_or3A_479 : f32 to vector<8x20x20xf32>
      %reduce_or3A_482 = vector.broadcast %reduce_or3A_480 : f32 to vector<8x20x20xf32>
      %reduce_or3A_483 = arith.select %and3A_478, %reduce_or3A_481, %reduce_or3A_482 : vector<8x20x20xi1>, vector<8x20x20xf32>
      %reduce_or3A_484 = arith.constant dense<0xFF800000> : vector<8x20xf32>
      %reduce_or3A_485 = vector.multi_reduction <maximumf>, %reduce_or3A_483, %reduce_or3A_484 [2] : vector<8x20x20xf32> to vector<8x20xf32>
      %reduce_or3A_486 = arith.constant 0.000000e+00 : f32
      %reduce_or3A_487 = vector.broadcast %reduce_or3A_486 : f32 to vector<8x20xf32>
      %reduce_or3A_488 = arith.cmpf ogt, %reduce_or3A_485, %reduce_or3A_487 : vector<8x20xf32>
      %not3A_489 = arith.constant dense<true> : vector<8x20xi1>
      %not3A_490 = arith.xori %reduce_or3A_488, %not3A_489 : vector<8x20xi1>
      %broadcast_in_dim3A_491 = vector.shape_cast %add3A_457 : vector<8x20xi32> to vector<8x20x1xi32>
      %broadcast_in_dim3A_492 = vector.shape_cast %add3A_457 : vector<8x20xi32> to vector<8x1x20xi32>
      %eq3A_493 = vector.broadcast %broadcast_in_dim3A_491 : vector<8x20x1xi32> to vector<8x20x20xi32>
      %eq3A_494 = vector.broadcast %broadcast_in_dim3A_492 : vector<8x1x20xi32> to vector<8x20x20xi32>
      %eq3A_495 = arith.cmpi eq, %eq3A_493, %eq3A_494 : vector<8x20x20xi32>
      %eq3A_496 = arith.constant 1 : i32
      %eq3A_497 = vector.broadcast %eq3A_496 : i32 to vector<8x20xi32>
      %eq3A_498 = arith.cmpi eq, %select_n3A_440, %eq3A_497 : vector<8x20xi32>
      %jit3A_499 = arith.constant 0.519230783 : f32
      %jit3A_500 = arith.constant 5.625000e-01 : f32
      %broadcast_in_dim3A_501 = vector.broadcast %jit3A_499 : f32 to vector<8x20xf32>
      %broadcast_in_dim3A_502 = vector.broadcast %jit3A_500 : f32 to vector<8x20xf32>
      %select_n3A_503 = arith.select %eq3A_498, %broadcast_in_dim3A_501, %broadcast_in_dim3A_502 : vector<8x20xi1>, vector<8x20xf32>
      %eq3A_504 = arith.constant 2 : i32
      %eq3A_505 = vector.broadcast %eq3A_504 : i32 to vector<8x20xi32>
      %eq3A_506 = arith.cmpi eq, %select_n3A_440, %eq3A_505 : vector<8x20xi32>
      %jit3A_507 = arith.constant 0.901442289 : f32
      %broadcast_in_dim3A_508 = vector.broadcast %jit3A_507 : f32 to vector<8x20xf32>
      %select_n3A_509 = arith.select %eq3A_506, %broadcast_in_dim3A_508, %select_n3A_503 : vector<8x20xi1>, vector<8x20xf32>
      %eq3A_510 = arith.constant 1 : i32
      %eq3A_511 = vector.broadcast %eq3A_510 : i32 to vector<8x20xi32>
      %eq3A_512 = arith.cmpi eq, %select_n3A_440, %eq3A_511 : vector<8x20xi32>
      %jit3A_513 = arith.constant 0.716346145 : f32
      %jit3A_514 = arith.constant 0.362980783 : f32
      %broadcast_in_dim3A_515 = vector.broadcast %jit3A_513 : f32 to vector<8x20xf32>
      %broadcast_in_dim3A_516 = vector.broadcast %jit3A_514 : f32 to vector<8x20xf32>
      %select_n3A_517 = arith.select %eq3A_512, %broadcast_in_dim3A_515, %broadcast_in_dim3A_516 : vector<8x20xi1>, vector<8x20xf32>
      %eq3A_518 = arith.constant 2 : i32
      %eq3A_519 = vector.broadcast %eq3A_518 : i32 to vector<8x20xi32>
      %eq3A_520 = arith.cmpi eq, %select_n3A_440, %eq3A_519 : vector<8x20xi32>
      %jit3A_521 = arith.constant 0.870192289 : f32
      %broadcast_in_dim3A_522 = vector.broadcast %jit3A_521 : f32 to vector<8x20xf32>
      %select_n3A_523 = arith.select %eq3A_520, %broadcast_in_dim3A_522, %select_n3A_517 : vector<8x20xi1>, vector<8x20xf32>
      %mul3A_524 = arith.constant 1.300000e+01 : f32
      %mul3A_525 = vector.broadcast %mul3A_524 : f32 to vector<8x20xf32>
      %mul3A_526 = arith.mulf %get3A_394, %mul3A_525 : vector<8x20xf32>
      %convert_element_type3A_527 = arith.sitofp %min3A_446 : vector<8x20xi32> to vector<8x20xf32>
      %sub3A = arith.subf %mul3A_526, %convert_element_type3A_527 : vector<8x20xf32>
      %swap3A_528 = arith.constant 0 : index
      %swap3A_529 = arith.constant 0 : index
      %swap3A_530 = arith.constant 0 : index
      %swap3A_531 = vector.load %arg22[%swap3A_528, %swap3A_529, %swap3A_530] : memref<3x8x20xf32, #tpu.memory_space<vmem>>, vector<1x8x20xf32>
      %swap3A_532 = vector.shape_cast %swap3A_531 : vector<1x8x20xf32> to vector<8x20xf32>
      %swap3A_533 = vector.shape_cast %sub3A : vector<8x20xf32> to vector<1x8x20xf32>
      tpu.vector_store %arg22[%swap3A_528, %swap3A_529, %swap3A_530], %swap3A_533 {strides = array<i32>} : memref<3x8x20xf32, #tpu.memory_space<vmem>>, vector<1x8x20xf32>,
      %mul3A_534 = arith.constant 1.300000e+01 : f32
      %mul3A_535 = vector.broadcast %mul3A_534 : f32 to vector<8x20xf32>
      %mul3A_536 = arith.mulf %get3A_397, %mul3A_535 : vector<8x20xf32>
      %convert_element_type3A_537 = arith.sitofp %min3A_453 : vector<8x20xi32> to vector<8x20xf32>
      %sub3A_538 = arith.subf %mul3A_536, %convert_element_type3A_537 : vector<8x20xf32>
      %swap3A_539 = arith.constant 0 : index
      %swap3A_540 = arith.constant 0 : index
      %swap3A_541 = arith.constant 0 : index
      %swap3A_542 = vector.load %arg23[%swap3A_539, %swap3A_540, %swap3A_541] : memref<3x8x20xf32, #tpu.memory_space<vmem>>, vector<1x8x20xf32>
      %swap3A_543 = vector.shape_cast %swap3A_542 : vector<1x8x20xf32> to vector<8x20xf32>
      %swap3A_544 = vector.shape_cast %sub3A_538 : vector<8x20xf32> to vector<1x8x20xf32>
      tpu.vector_store %arg23[%swap3A_539, %swap3A_540, %swap3A_541], %swap3A_544 {strides = array<i32>} : memref<3x8x20xf32, #tpu.memory_space<vmem>>, vector<1x8x20xf32>,
      %div3A = arith.divf %get3A_400, %select_n3A_509 : vector<8x20xf32>
      %log3A = math.log %div3A : vector<8x20xf32>
      %swap3A_545 = arith.constant 0 : index
      %swap3A_546 = arith.constant 0 : index
      %swap3A_547 = arith.constant 0 : index
      %swap3A_548 = vector.load %arg24[%swap3A_545, %swap3A_546, %swap3A_547] : memref<3x8x20xf32, #tpu.memory_space<vmem>>, vector<1x8x20xf32>
      %swap3A_549 = vector.shape_cast %swap3A_548 : vector<1x8x20xf32> to vector<8x20xf32>
      %swap3A_550 = vector.shape_cast %log3A : vector<8x20xf32> to vector<1x8x20xf32>
      tpu.vector_store %arg24[%swap3A_545, %swap3A_546, %swap3A_547], %swap3A_550 {strides = array<i32>} : memref<3x8x20xf32, #tpu.memory_space<vmem>>, vector<1x8x20xf32>,
      %div3A_551 = arith.divf %get3A_403, %select_n3A_523 : vector<8x20xf32>
      %log3A_552 = math.log %div3A_551 : vector<8x20xf32>
      %swap3A_553 = arith.constant 0 : index
      %swap3A_554 = arith.constant 0 : index
      %swap3A_555 = arith.constant 0 : index
      %swap3A_556 = vector.load %arg25[%swap3A_553, %swap3A_554, %swap3A_555] : memref<3x8x20xf32, #tpu.memory_space<vmem>>, vector<1x8x20xf32>
      %swap3A_557 = vector.shape_cast %swap3A_556 : vector<1x8x20xf32> to vector<8x20xf32>
      %swap3A_558 = vector.shape_cast %log3A_552 : vector<8x20xf32> to vector<1x8x20xf32>
      tpu.vector_store %arg25[%swap3A_553, %swap3A_554, %swap3A_555], %swap3A_558 {strides = array<i32>} : memref<3x8x20xf32, #tpu.memory_space<vmem>>, vector<1x8x20xf32>,
      %convert_element_type3A_559 = arith.extui %not3A_476 : vector<8x20xi1> to vector<8x20xi32>
      %convert_element_type3A_560 = arith.sitofp %convert_element_type3A_559 : vector<8x20xi32> to vector<8x20xf32>
      %swap3A_561 = arith.constant 0 : index
      %swap3A_562 = arith.constant 0 : index
      %swap3A_563 = arith.constant 0 : index
      %swap3A_564 = vector.load %arg17[%swap3A_561, %swap3A_562, %swap3A_563] : memref<3x8x20xf32, #tpu.memory_space<vmem>>, vector<1x8x20xf32>
      %swap3A_565 = vector.shape_cast %swap3A_564 : vector<1x8x20xf32> to vector<8x20xf32>
      %swap3A_566 = vector.shape_cast %convert_element_type3A_560 : vector<8x20xf32> to vector<1x8x20xf32>
      tpu.vector_store %arg17[%swap3A_561, %swap3A_562, %swap3A_563], %swap3A_566 {strides = array<i32>} : memref<3x8x20xf32, #tpu.memory_space<vmem>>, vector<1x8x20xf32>,
      %convert_element_type3A_567 = arith.extui %not3A_490 : vector<8x20xi1> to vector<8x20xi32>
      %convert_element_type3A_568 = arith.sitofp %convert_element_type3A_567 : vector<8x20xi32> to vector<8x20xf32>
      %swap3A_569 = arith.constant 0 : index
      %swap3A_570 = arith.constant 0 : index
      %swap3A_571 = arith.constant 0 : index
      %swap3A_572 = vector.load %arg18[%swap3A_569, %swap3A_570, %swap3A_571] : memref<3x8x20xf32, #tpu.memory_space<vmem>>, vector<1x8x20xf32>
      %swap3A_573 = vector.shape_cast %swap3A_572 : vector<1x8x20xf32> to vector<8x20xf32>
      %swap3A_574 = vector.shape_cast %convert_element_type3A_568 : vector<8x20xf32> to vector<1x8x20xf32>
      tpu.vector_store %arg18[%swap3A_569, %swap3A_570, %swap3A_571], %swap3A_574 {strides = array<i32>} : memref<3x8x20xf32, #tpu.memory_space<vmem>>, vector<1x8x20xf32>,
      %swap3A_575 = arith.constant 0 : index
      %swap3A_576 = arith.constant 0 : index
      %swap3A_577 = arith.constant 0 : index
      %swap3A_578 = vector.load %arg20[%swap3A_575, %swap3A_576, %swap3A_577] : memref<3x8x20xi32, #tpu.memory_space<vmem>>, vector<1x8x20xi32>
      %swap3A_579 = vector.shape_cast %swap3A_578 : vector<1x8x20xi32> to vector<8x20xi32>
      %swap3A_580 = vector.shape_cast %select_n3A_440 : vector<8x20xi32> to vector<1x8x20xi32>
      tpu.vector_store %arg20[%swap3A_575, %swap3A_576, %swap3A_577], %swap3A_580 {strides = array<i32>} : memref<3x8x20xi32, #tpu.memory_space<vmem>>, vector<1x8x20xi32>,
      %mul3A_581 = arith.constant 16 : i32
      %mul3A_582 = vector.broadcast %mul3A_581 : i32 to vector<8x20xi32>
      %mul3A_583 = arith.muli %add3A_457, %mul3A_582 : vector<8x20xi32>
      %add3A_584 = arith.addi %mul3A_583, %iota3A : vector<8x20xi32>
      %swap3A_585 = arith.constant 0 : index
      %swap3A_586 = arith.constant 0 : index
      %swap3A_587 = arith.constant 0 : index
      %swap3A_588 = vector.load %arg14[%swap3A_585, %swap3A_586, %swap3A_587] : memref<3x8x20xi32, #tpu.memory_space<vmem>>, vector<1x8x20xi32>
      %swap3A_589 = vector.shape_cast %swap3A_588 : vector<1x8x20xi32> to vector<8x20xi32>
      %swap3A_590 = vector.shape_cast %add3A_584 : vector<8x20xi32> to vector<1x8x20xi32>
      tpu.vector_store %arg14[%swap3A_585, %swap3A_586, %swap3A_587], %swap3A_590 {strides = array<i32>} : memref<3x8x20xi32, #tpu.memory_space<vmem>>, vector<1x8x20xi32>,
      %mul3A_591 = arith.constant 85 : i32
      %mul3A_592 = vector.broadcast %mul3A_591 : i32 to vector<8x20xi32>
      %mul3A_593 = arith.muli %mul3A_592, %select_n3A_440 : vector<8x20xi32>
      %add3A_594 = arith.constant 5 : i32
      %add3A_595 = vector.broadcast %add3A_594 : i32 to vector<8x20xi32>
      %add3A_596 = arith.addi %mul3A_593, %add3A_595 : vector<8x20xi32>
      %add3A_597 = arith.addi %add3A_596, %get3A_406 : vector<8x20xi32>
      %jit3A_598 = arith.constant 128 : i32
      %div3A_599 = vector.broadcast %jit3A_598 : i32 to vector<8x20xi32>
      %div3A_600 = arith.divsi %add3A_597, %div3A_599 : vector<8x20xi32>
      %sign3A = arith.constant 0 : i32
      %sign3A_601 = vector.broadcast %sign3A : i32 to vector<8x20xi32>
      %sign3A_602 = arith.cmpi sgt, %add3A_597, %sign3A_601 : vector<8x20xi32>
      %sign3A_603 = arith.extui %sign3A_602 : vector<8x20xi1> to vector<8x20xi32>
      %sign3A_604 = arith.constant 0 : i32
      %sign3A_605 = vector.broadcast %sign3A_604 : i32 to vector<8x20xi32>
      %sign3A_606 = arith.cmpi slt, %add3A_597, %sign3A_605 : vector<8x20xi32>
      %sign3A_607 = arith.extui %sign3A_606 : vector<8x20xi1> to vector<8x20xi32>
      %sign3A_608 = arith.subi %sign3A_603, %sign3A_607 : vector<8x20xi32>
      %sign3A_609 = arith.constant 0 : i32
      %sign3A_610 = arith.cmpi sgt, %jit3A_598, %sign3A_609 : i32
      %sign3A_611 = arith.extui %sign3A_610 : i1 to i32
      %sign3A_612 = arith.constant 0 : i32
      %sign3A_613 = arith.cmpi slt, %jit3A_598, %sign3A_612 : i32
      %sign3A_614 = arith.extui %sign3A_613 : i1 to i32
      %sign3A_615 = arith.subi %sign3A_611, %sign3A_614 : i32
      %ne3A = vector.broadcast %sign3A_615 : i32 to vector<8x20xi32>
      %ne3A_616 = arith.cmpi ne, %sign3A_608, %ne3A : vector<8x20xi32>
      %rem3A = vector.broadcast %jit3A_598 : i32 to vector<8x20xi32>
      %rem3A_617 = arith.remsi %add3A_597, %rem3A : vector<8x20xi32>
      %ne3A_618 = arith.constant 0 : i32
      %ne3A_619 = vector.broadcast %ne3A_618 : i32 to vector<8x20xi32>
      %ne3A_620 = arith.cmpi ne, %rem3A_617, %ne3A_619 : vector<8x20xi32>
      %and3A_621 = arith.andi %ne3A_616, %ne3A_620 : vector<8x20xi1>
      %sub3A_622 = arith.constant 1 : i32
      %sub3A_623 = vector.broadcast %sub3A_622 : i32 to vector<8x20xi32>
      %sub3A_624 = arith.subi %div3A_600, %sub3A_623 : vector<8x20xi32>
      %select_n3A_625 = arith.select %and3A_621, %sub3A_624, %div3A_600 : vector<8x20xi1>, vector<8x20xi32>
      %mul3A_626 = arith.constant 8 : i32
      %mul3A_627 = vector.broadcast %mul3A_626 : i32 to vector<8x20xi32>
      %mul3A_628 = arith.muli %mul3A_627, %select_n3A_625 : vector<8x20xi32>
      %add3A_629 = arith.addi %add3A_584, %mul3A_628 : vector<8x20xi32>
      %swap3A_630 = arith.constant 0 : index
      %swap3A_631 = arith.constant 0 : index
      %swap3A_632 = arith.constant 0 : index
      %swap3A_633 = vector.load %arg16[%swap3A_630, %swap3A_631, %swap3A_632] : memref<3x8x20xi32, #tpu.memory_space<vmem>>, vector<1x8x20xi32>
      %swap3A_634 = vector.shape_cast %swap3A_633 : vector<1x8x20xi32> to vector<8x20xi32>
      %swap3A_635 = vector.shape_cast %add3A_629 : vector<8x20xi32> to vector<1x8x20xi32>
      tpu.vector_store %arg16[%swap3A_630, %swap3A_631, %swap3A_632], %swap3A_635 {strides = array<i32>} : memref<3x8x20xi32, #tpu.memory_space<vmem>>, vector<1x8x20xi32>,
      %jit3A_636 = arith.constant 128 : i32
      %eq3A_637 = arith.constant 0 : i32
      %eq3A_638 = arith.cmpi eq, %jit3A_636, %eq3A_637 : i32
      %jit3A_639 = arith.constant 1 : i32
      %select_n3A_640 = arith.select %eq3A_638, %jit3A_639, %jit3A_636 : i32
      %rem3A_641 = vector.broadcast %select_n3A_640 : i32 to vector<8x20xi32>
      %rem3A_642 = arith.remsi %add3A_597, %rem3A_641 : vector<8x20xi32>
      %ne3A_643 = arith.constant 0 : i32
      %ne3A_644 = vector.broadcast %ne3A_643 : i32 to vector<8x20xi32>
      %ne3A_645 = arith.cmpi ne, %rem3A_642, %ne3A_644 : vector<8x20xi32>
      %lt3A_646 = arith.constant 0 : i32
      %lt3A_647 = vector.broadcast %lt3A_646 : i32 to vector<8x20xi32>
      %lt3A_648 = arith.cmpi slt, %rem3A_642, %lt3A_647 : vector<8x20xi32>
      %lt3A_649 = arith.constant 0 : i32
      %lt3A_650 = arith.cmpi slt, %select_n3A_640, %lt3A_649 : i32
      %ne3A_651 = vector.broadcast %lt3A_650 : i1 to vector<8x20xi1>
      %ne3A_652 = vector.broadcast %ne3A_651 : vector<8x20xi1> to vector<8x20xi1>
      %ne3A_653 = arith.xori %lt3A_648, %ne3A_652 : vector<8x20xi1>
      %and3A_654 = arith.andi %ne3A_653, %ne3A_645 : vector<8x20xi1>
      %add3A_655 = vector.broadcast %select_n3A_640 : i32 to vector<8x20xi32>
      %add3A_656 = arith.addi %rem3A_642, %add3A_655 : vector<8x20xi32>
      %select_n3A_657 = arith.select %and3A_654, %add3A_656, %rem3A_642 : vector<8x20xi1>, vector<8x20xi32>
      %swap3A_658 = arith.constant 0 : index
      %swap3A_659 = arith.constant 0 : index
      %swap3A_660 = arith.constant 0 : index
      %swap3A_661 = vector.load %arg21[%swap3A_658, %swap3A_659, %swap3A_660] : memref<3x8x20xi32, #tpu.memory_space<vmem>>, vector<1x8x20xi32>
      %swap3A_662 = vector.shape_cast %swap3A_661 : vector<1x8x20xi32> to vector<8x20xi32>
      %swap3A_663 = vector.shape_cast %select_n3A_657 : vector<8x20xi32> to vector<1x8x20xi32>
      tpu.vector_store %arg21[%swap3A_658, %swap3A_659, %swap3A_660], %swap3A_663 {strides = array<i32>} : memref<3x8x20xi32, #tpu.memory_space<vmem>>, vector<1x8x20xi32>,
      %gt3A_664 = arith.constant 5.000000e-01 : f32
      %gt3A_665 = vector.broadcast %gt3A_664 : f32 to vector<8x20xf32>
      %gt3A_666 = arith.cmpf ogt, %get3A_420, %gt3A_665 : vector<8x20xf32>
      %and3A_667 = arith.andi %eq3A_495, %lt3A_409 : vector<8x20x20xi1>
      %broadcast_in_dim3A_668 = vector.shape_cast %gt3A_666 : vector<8x20xi1> to vector<8x1x20xi1>
      %and3A_669 = vector.broadcast %broadcast_in_dim3A_668 : vector<8x1x20xi1> to vector<8x20x20xi1>
      %and3A_670 = arith.andi %and3A_667, %and3A_669 : vector<8x20x20xi1>
      %reduce_or3A_671 = arith.constant 1.000000e+00 : f32
      %reduce_or3A_672 = arith.constant 0.000000e+00 : f32
      %reduce_or3A_673 = vector.broadcast %reduce_or3A_671 : f32 to vector<8x20x20xf32>
      %reduce_or3A_674 = vector.broadcast %reduce_or3A_672 : f32 to vector<8x20x20xf32>
      %reduce_or3A_675 = arith.select %and3A_670, %reduce_or3A_673, %reduce_or3A_674 : vector<8x20x20xi1>, vector<8x20x20xf32>
      %reduce_or3A_676 = arith.constant dense<0xFF800000> : vector<8x20xf32>
      %reduce_or3A_677 = vector.multi_reduction <maximumf>, %reduce_or3A_675, %reduce_or3A_676 [2] : vector<8x20x20xf32> to vector<8x20xf32>
      %reduce_or3A_678 = arith.constant 0.000000e+00 : f32
      %reduce_or3A_679 = vector.broadcast %reduce_or3A_678 : f32 to vector<8x20xf32>
      %reduce_or3A_680 = arith.cmpf ogt, %reduce_or3A_677, %reduce_or3A_679 : vector<8x20xf32>
      %broadcast_in_dim3A_681 = vector.shape_cast %select_n3A_440 : vector<8x20xi32> to vector<8x1x20xi32>
      %eq3A_682 = arith.constant 0 : i32
      %eq3A_683 = vector.broadcast %eq3A_682 : i32 to vector<8x1x20xi32>
      %eq3A_684 = arith.cmpi eq, %broadcast_in_dim3A_681, %eq3A_683 : vector<8x1x20xi32>
      %and3A_685 = vector.broadcast %eq3A_684 : vector<8x1x20xi1> to vector<8x20x20xi1>
      %and3A_686 = arith.andi %eq3A_495, %and3A_685 : vector<8x20x20xi1>
      %reduce_or3A_687 = arith.constant 1.000000e+00 : f32
      %reduce_or3A_688 = arith.constant 0.000000e+00 : f32
      %reduce_or3A_689 = vector.broadcast %reduce_or3A_687 : f32 to vector<8x20x20xf32>
      %reduce_or3A_690 = vector.broadcast %reduce_or3A_688 : f32 to vector<8x20x20xf32>
      %reduce_or3A_691 = arith.select %and3A_686, %reduce_or3A_689, %reduce_or3A_690 : vector<8x20x20xi1>, vector<8x20x20xf32>
      %reduce_or3A_692 = arith.constant dense<0xFF800000> : vector<8x20xf32>
      %reduce_or3A_693 = vector.multi_reduction <maximumf>, %reduce_or3A_691, %reduce_or3A_692 [2] : vector<8x20x20xf32> to vector<8x20xf32>
      %reduce_or3A_694 = arith.constant 0.000000e+00 : f32
      %reduce_or3A_695 = vector.broadcast %reduce_or3A_694 : f32 to vector<8x20xf32>
      %reduce_or3A_696 = arith.cmpf ogt, %reduce_or3A_693, %reduce_or3A_695 : vector<8x20xf32>
      %not3A_697 = arith.constant dense<true> : vector<8x20xi1>
      %not3A_698 = arith.xori %reduce_or3A_680, %not3A_697 : vector<8x20xi1>
      %and3A_699 = arith.andi %gt3A_666, %not3A_698 : vector<8x20xi1>
      %not3A_700 = arith.constant dense<true> : vector<8x20xi1>
      %not3A_701 = arith.xori %reduce_or3A_696, %not3A_700 : vector<8x20xi1>
      %and3A_702 = arith.andi %and3A_699, %not3A_701 : vector<8x20xi1>
      %convert_element_type3A_703 = arith.extui %and3A_702 : vector<8x20xi1> to vector<8x20xi32>
      %convert_element_type3A_704 = arith.sitofp %convert_element_type3A_703 : vector<8x20xi32> to vector<8x20xf32>
      %swap3A_705 = arith.constant 0 : index
      %swap3A_706 = arith.constant 0 : index
      %swap3A_707 = arith.constant 0 : index
      %swap3A_708 = arith.constant 0 : index
      %swap3A_709 = vector.load %arg19[%swap3A_705, %swap3A_706, %swap3A_707, %swap3A_708] : memref<3x3x8x20xf32, #tpu.memory_space<vmem>>, vector<1x1x8x20xf32>
      %swap3A_710 = vector.shape_cast %swap3A_709 : vector<1x1x8x20xf32> to vector<8x20xf32>
      %swap3A_711 = vector.shape_cast %convert_element_type3A_704 : vector<8x20xf32> to vector<1x1x8x20xf32>
      tpu.vector_store %arg19[%swap3A_705, %swap3A_706, %swap3A_707, %swap3A_708], %swap3A_711 {strides = array<i32>} : memref<3x3x8x20xf32, #tpu.memory_space<vmem>>, vector<1x1x8x20xf32>,
      %add3A_712 = arith.constant 0 : i32
      %add3A_713 = vector.broadcast %add3A_712 : i32 to vector<8x20xi32>
      %add3A_714 = arith.addi %add3A_584, %add3A_713 : vector<8x20xi32>
      %swap3A_715 = arith.constant 0 : index
      %swap3A_716 = arith.constant 0 : index
      %swap3A_717 = arith.constant 0 : index
      %swap3A_718 = arith.constant 0 : index
      %swap3A_719 = vector.load %arg15[%swap3A_715, %swap3A_716, %swap3A_717, %swap3A_718] : memref<3x3x8x20xi32, #tpu.memory_space<vmem>>, vector<1x1x8x20xi32>
      %swap3A_720 = vector.shape_cast %swap3A_719 : vector<1x1x8x20xi32> to vector<8x20xi32>
      %swap3A_721 = vector.shape_cast %add3A_714 : vector<8x20xi32> to vector<1x1x8x20xi32>
      tpu.vector_store %arg15[%swap3A_715, %swap3A_716, %swap3A_717, %swap3A_718], %swap3A_721 {strides = array<i32>} : memref<3x3x8x20xi32, #tpu.memory_space<vmem>>, vector<1x1x8x20xi32>,
      %gt3A_722 = arith.constant 5.000000e-01 : f32
      %gt3A_723 = vector.broadcast %gt3A_722 : f32 to vector<8x20xf32>
      %gt3A_724 = arith.cmpf ogt, %get3A_426, %gt3A_723 : vector<8x20xf32>
      %and3A_725 = arith.andi %eq3A_495, %lt3A_409 : vector<8x20x20xi1>
      %broadcast_in_dim3A_726 = vector.shape_cast %gt3A_724 : vector<8x20xi1> to vector<8x1x20xi1>
      %and3A_727 = vector.broadcast %broadcast_in_dim3A_726 : vector<8x1x20xi1> to vector<8x20x20xi1>
      %and3A_728 = arith.andi %and3A_725, %and3A_727 : vector<8x20x20xi1>
      %reduce_or3A_729 = arith.constant 1.000000e+00 : f32
      %reduce_or3A_730 = arith.constant 0.000000e+00 : f32
      %reduce_or3A_731 = vector.broadcast %reduce_or3A_729 : f32 to vector<8x20x20xf32>
      %reduce_or3A_732 = vector.broadcast %reduce_or3A_730 : f32 to vector<8x20x20xf32>
      %reduce_or3A_733 = arith.select %and3A_728, %reduce_or3A_731, %reduce_or3A_732 : vector<8x20x20xi1>, vector<8x20x20xf32>
      %reduce_or3A_734 = arith.constant dense<0xFF800000> : vector<8x20xf32>
      %reduce_or3A_735 = vector.multi_reduction <maximumf>, %reduce_or3A_733, %reduce_or3A_734 [2] : vector<8x20x20xf32> to vector<8x20xf32>
      %reduce_or3A_736 = arith.constant 0.000000e+00 : f32
      %reduce_or3A_737 = vector.broadcast %reduce_or3A_736 : f32 to vector<8x20xf32>
      %reduce_or3A_738 = arith.cmpf ogt, %reduce_or3A_735, %reduce_or3A_737 : vector<8x20xf32>
      %broadcast_in_dim3A_739 = vector.shape_cast %select_n3A_440 : vector<8x20xi32> to vector<8x1x20xi32>
      %eq3A_740 = arith.constant 1 : i32
      %eq3A_741 = vector.broadcast %eq3A_740 : i32 to vector<8x1x20xi32>
      %eq3A_742 = arith.cmpi eq, %broadcast_in_dim3A_739, %eq3A_741 : vector<8x1x20xi32>
      %and3A_743 = vector.broadcast %eq3A_742 : vector<8x1x20xi1> to vector<8x20x20xi1>
      %and3A_744 = arith.andi %eq3A_495, %and3A_743 : vector<8x20x20xi1>
      %reduce_or3A_745 = arith.constant 1.000000e+00 : f32
      %reduce_or3A_746 = arith.constant 0.000000e+00 : f32
      %reduce_or3A_747 = vector.broadcast %reduce_or3A_745 : f32 to vector<8x20x20xf32>
      %reduce_or3A_748 = vector.broadcast %reduce_or3A_746 : f32 to vector<8x20x20xf32>
      %reduce_or3A_749 = arith.select %and3A_744, %reduce_or3A_747, %reduce_or3A_748 : vector<8x20x20xi1>, vector<8x20x20xf32>
      %reduce_or3A_750 = arith.constant dense<0xFF800000> : vector<8x20xf32>
      %reduce_or3A_751 = vector.multi_reduction <maximumf>, %reduce_or3A_749, %reduce_or3A_750 [2] : vector<8x20x20xf32> to vector<8x20xf32>
      %reduce_or3A_752 = arith.constant 0.000000e+00 : f32
      %reduce_or3A_753 = vector.broadcast %reduce_or3A_752 : f32 to vector<8x20xf32>
      %reduce_or3A_754 = arith.cmpf ogt, %reduce_or3A_751, %reduce_or3A_753 : vector<8x20xf32>
      %not3A_755 = arith.constant dense<true> : vector<8x20xi1>
      %not3A_756 = arith.xori %reduce_or3A_738, %not3A_755 : vector<8x20xi1>
      %and3A_757 = arith.andi %gt3A_724, %not3A_756 : vector<8x20xi1>
      %not3A_758 = arith.constant dense<true> : vector<8x20xi1>
      %not3A_759 = arith.xori %reduce_or3A_754, %not3A_758 : vector<8x20xi1>
      %and3A_760 = arith.andi %and3A_757, %not3A_759 : vector<8x20xi1>
      %convert_element_type3A_761 = arith.extui %and3A_760 : vector<8x20xi1> to vector<8x20xi32>
      %convert_element_type3A_762 = arith.sitofp %convert_element_type3A_761 : vector<8x20xi32> to vector<8x20xf32>
      %swap3A_763 = arith.constant 0 : index
      %swap3A_764 = arith.constant 1 : index
      %swap3A_765 = arith.constant 0 : index
      %swap3A_766 = arith.constant 0 : index
      %swap3A_767 = vector.load %arg19[%swap3A_763, %swap3A_764, %swap3A_765, %swap3A_766] : memref<3x3x8x20xf32, #tpu.memory_space<vmem>>, vector<1x1x8x20xf32>
      %swap3A_768 = vector.shape_cast %swap3A_767 : vector<1x1x8x20xf32> to vector<8x20xf32>
      %swap3A_769 = vector.shape_cast %convert_element_type3A_762 : vector<8x20xf32> to vector<1x1x8x20xf32>
      tpu.vector_store %arg19[%swap3A_763, %swap3A_764, %swap3A_765, %swap3A_766], %swap3A_769 {strides = array<i32>} : memref<3x3x8x20xf32, #tpu.memory_space<vmem>>, vector<1x1x8x20xf32>,
      %add3A_770 = arith.constant 0 : i32
      %add3A_771 = vector.broadcast %add3A_770 : i32 to vector<8x20xi32>
      %add3A_772 = arith.addi %add3A_584, %add3A_771 : vector<8x20xi32>
      %swap3A_773 = arith.constant 0 : index
      %swap3A_774 = arith.constant 1 : index
      %swap3A_775 = arith.constant 0 : index
      %swap3A_776 = arith.constant 0 : index
      %swap3A_777 = vector.load %arg15[%swap3A_773, %swap3A_774, %swap3A_775, %swap3A_776] : memref<3x3x8x20xi32, #tpu.memory_space<vmem>>, vector<1x1x8x20xi32>
      %swap3A_778 = vector.shape_cast %swap3A_777 : vector<1x1x8x20xi32> to vector<8x20xi32>
      %swap3A_779 = vector.shape_cast %add3A_772 : vector<8x20xi32> to vector<1x1x8x20xi32>
      tpu.vector_store %arg15[%swap3A_773, %swap3A_774, %swap3A_775, %swap3A_776], %swap3A_779 {strides = array<i32>} : memref<3x3x8x20xi32, #tpu.memory_space<vmem>>, vector<1x1x8x20xi32>,
      %gt3A_780 = arith.constant 5.000000e-01 : f32
      %gt3A_781 = vector.broadcast %gt3A_780 : f32 to vector<8x20xf32>
      %gt3A_782 = arith.cmpf ogt, %get3A_432, %gt3A_781 : vector<8x20xf32>
      %and3A_783 = arith.andi %eq3A_495, %lt3A_409 : vector<8x20x20xi1>
      %broadcast_in_dim3A_784 = vector.shape_cast %gt3A_782 : vector<8x20xi1> to vector<8x1x20xi1>
      %and3A_785 = vector.broadcast %broadcast_in_dim3A_784 : vector<8x1x20xi1> to vector<8x20x20xi1>
      %and3A_786 = arith.andi %and3A_783, %and3A_785 : vector<8x20x20xi1>
      %reduce_or3A_787 = arith.constant 1.000000e+00 : f32
      %reduce_or3A_788 = arith.constant 0.000000e+00 : f32
      %reduce_or3A_789 = vector.broadcast %reduce_or3A_787 : f32 to vector<8x20x20xf32>
      %reduce_or3A_790 = vector.broadcast %reduce_or3A_788 : f32 to vector<8x20x20xf32>
      %reduce_or3A_791 = arith.select %and3A_786, %reduce_or3A_789, %reduce_or3A_790 : vector<8x20x20xi1>, vector<8x20x20xf32>
      %reduce_or3A_792 = arith.constant dense<0xFF800000> : vector<8x20xf32>
      %reduce_or3A_793 = vector.multi_reduction <maximumf>, %reduce_or3A_791, %reduce_or3A_792 [2] : vector<8x20x20xf32> to vector<8x20xf32>
      %reduce_or3A_794 = arith.constant 0.000000e+00 : f32
      %reduce_or3A_795 = vector.broadcast %reduce_or3A_794 : f32 to vector<8x20xf32>
      %reduce_or3A_796 = arith.cmpf ogt, %reduce_or3A_793, %reduce_or3A_795 : vector<8x20xf32>
      %broadcast_in_dim3A_797 = vector.shape_cast %select_n3A_440 : vector<8x20xi32> to vector<8x1x20xi32>
      %eq3A_798 = arith.constant 2 : i32
      %eq3A_799 = vector.broadcast %eq3A_798 : i32 to vector<8x1x20xi32>
      %eq3A_800 = arith.cmpi eq, %broadcast_in_dim3A_797, %eq3A_799 : vector<8x1x20xi32>
      %and3A_801 = vector.broadcast %eq3A_800 : vector<8x1x20xi1> to vector<8x20x20xi1>
      %and3A_802 = arith.andi %eq3A_495, %and3A_801 : vector<8x20x20xi1>
      %reduce_or3A_803 = arith.constant 1.000000e+00 : f32
      %reduce_or3A_804 = arith.constant 0.000000e+00 : f32
      %reduce_or3A_805 = vector.broadcast %reduce_or3A_803 : f32 to vector<8x20x20xf32>
      %reduce_or3A_806 = vector.broadcast %reduce_or3A_804 : f32 to vector<8x20x20xf32>
      %reduce_or3A_807 = arith.select %and3A_802, %reduce_or3A_805, %reduce_or3A_806 : vector<8x20x20xi1>, vector<8x20x20xf32>
      %reduce_or3A_808 = arith.constant dense<0xFF800000> : vector<8x20xf32>
      %reduce_or3A_809 = vector.multi_reduction <maximumf>, %reduce_or3A_807, %reduce_or3A_808 [2] : vector<8x20x20xf32> to vector<8x20xf32>
      %reduce_or3A_810 = arith.constant 0.000000e+00 : f32
      %reduce_or3A_811 = vector.broadcast %reduce_or3A_810 : f32 to vector<8x20xf32>
      %reduce_or3A_812 = arith.cmpf ogt, %reduce_or3A_809, %reduce_or3A_811 : vector<8x20xf32>
      %not3A_813 = arith.constant dense<true> : vector<8x20xi1>
      %not3A_814 = arith.xori %reduce_or3A_796, %not3A_813 : vector<8x20xi1>
      %and3A_815 = arith.andi %gt3A_782, %not3A_814 : vector<8x20xi1>
      %not3A_816 = arith.constant dense<true> : vector<8x20xi1>
      %not3A_817 = arith.xori %reduce_or3A_812, %not3A_816 : vector<8x20xi1>
      %and3A_818 = arith.andi %and3A_815, %not3A_817 : vector<8x20xi1>
      %convert_element_type3A_819 = arith.extui %and3A_818 : vector<8x20xi1> to vector<8x20xi32>
      %convert_element_type3A_820 = arith.sitofp %convert_element_type3A_819 : vector<8x20xi32> to vector<8x20xf32>
      %swap3A_821 = arith.constant 0 : index
      %swap3A_822 = arith.constant 2 : index
      %swap3A_823 = arith.constant 0 : index
      %swap3A_824 = arith.constant 0 : index
      %swap3A_825 = vector.load %arg19[%swap3A_821, %swap3A_822, %swap3A_823, %swap3A_824] : memref<3x3x8x20xf32, #tpu.memory_space<vmem>>, vector<1x1x8x20xf32>
      %swap3A_826 = vector.shape_cast %swap3A_825 : vector<1x1x8x20xf32> to vector<8x20xf32>
      %swap3A_827 = vector.shape_cast %convert_element_type3A_820 : vector<8x20xf32> to vector<1x1x8x20xf32>
      tpu.vector_store %arg19[%swap3A_821, %swap3A_822, %swap3A_823, %swap3A_824], %swap3A_827 {strides = array<i32>} : memref<3x3x8x20xf32, #tpu.memory_space<vmem>>, vector<1x1x8x20xf32>,
      %add3A_828 = arith.constant 8 : i32
      %add3A_829 = vector.broadcast %add3A_828 : i32 to vector<8x20xi32>
      %add3A_830 = arith.addi %add3A_584, %add3A_829 : vector<8x20xi32>
      %swap3A_831 = arith.constant 0 : index
      %swap3A_832 = arith.constant 2 : index
      %swap3A_833 = arith.constant 0 : index
      %swap3A_834 = arith.constant 0 : index
      %swap3A_835 = vector.load %arg15[%swap3A_831, %swap3A_832, %swap3A_833, %swap3A_834] : memref<3x3x8x20xi32, #tpu.memory_space<vmem>>, vector<1x1x8x20xi32>
      %swap3A_836 = vector.shape_cast %swap3A_835 : vector<1x1x8x20xi32> to vector<8x20xi32>
      %swap3A_837 = vector.shape_cast %add3A_830 : vector<8x20xi32> to vector<1x1x8x20xi32>
      tpu.vector_store %arg15[%swap3A_831, %swap3A_832, %swap3A_833, %swap3A_834], %swap3A_837 {strides = array<i32>} : memref<3x3x8x20xi32, #tpu.memory_space<vmem>>, vector<1x1x8x20xi32>,
      %get3A_838 = arith.constant 1 : index
      %get3A_839 = arith.constant 0 : index
      %get3A_840 = arith.constant 0 : index
      %get3A_841 = arith.constant 0 : index
      %get3A_842 = vector.load %arg9[%get3A_838, %get3A_839, %get3A_840, %get3A_841] : memref<3x3x8x20xf32, #tpu.memory_space<vmem>>, vector<1x1x8x20xf32>
      %get3A_843 = vector.shape_cast %get3A_842 : vector<1x1x8x20xf32> to vector<8x20xf32>
      %get3A_844 = arith.constant 1 : index
      %get3A_845 = arith.constant 1 : index
      %get3A_846 = arith.constant 0 : index
      %get3A_847 = arith.constant 0 : index
      %get3A_848 = vector.load %arg9[%get3A_844, %get3A_845, %get3A_846, %get3A_847] : memref<3x3x8x20xf32, #tpu.memory_space<vmem>>, vector<1x1x8x20xf32>
      %get3A_849 = vector.shape_cast %get3A_848 : vector<1x1x8x20xf32> to vector<8x20xf32>
      %get3A_850 = arith.constant 1 : index
      %get3A_851 = arith.constant 2 : index
      %get3A_852 = arith.constant 0 : index
      %get3A_853 = arith.constant 0 : index
      %get3A_854 = vector.load %arg9[%get3A_850, %get3A_851, %get3A_852, %get3A_853] : memref<3x3x8x20xf32, #tpu.memory_space<vmem>>, vector<1x1x8x20xf32>
      %get3A_855 = vector.shape_cast %get3A_854 : vector<1x1x8x20xf32> to vector<8x20xf32>
      %broadcast_in_dim3A_856 = arith.constant 0 : i32
      %broadcast_in_dim3A_857 = vector.broadcast %broadcast_in_dim3A_856 : i32 to vector<8x20xi32>
      %gt3A_858 = arith.cmpf ogt, %get3A_849, %get3A_843 : vector<8x20xf32>
      %jit3A_859 = arith.constant 1 : i32
      %broadcast_in_dim3A_860 = vector.broadcast %jit3A_859 : i32 to vector<8x20xi32>
      %select_n3A_861 = arith.select %gt3A_858, %broadcast_in_dim3A_860, %broadcast_in_dim3A_857 : vector<8x20xi1>, vector<8x20xi32>
      %max3A_862 = arith.maximumf %get3A_843, %get3A_849 : vector<8x20xf32>
      %gt3A_863 = arith.cmpf ogt, %get3A_855, %max3A_862 : vector<8x20xf32>
      %jit3A_864 = arith.constant 2 : i32
      %broadcast_in_dim3A_865 = vector.broadcast %jit3A_864 : i32 to vector<8x20xi32>
      %select_n3A_866 = arith.select %gt3A_863, %broadcast_in_dim3A_865, %select_n3A_861 : vector<8x20xi1>, vector<8x20xi32>
      %mul3A_867 = arith.constant 2.600000e+01 : f32
      %mul3A_868 = vector.broadcast %mul3A_867 : f32 to vector<8x20xf32>
      %mul3A_869 = arith.mulf %get3A_394, %mul3A_868 : vector<8x20xf32>
      %convert_element_type3A_870 = arith.fptosi %mul3A_869 : vector<8x20xf32> to vector<8x20xi32>
      %min3A_871 = arith.constant 25 : i32
      %min3A_872 = vector.broadcast %min3A_871 : i32 to vector<8x20xi32>
      %min3A_873 = arith.minsi %convert_element_type3A_870, %min3A_872 : vector<8x20xi32>
      %mul3A_874 = arith.constant 2.600000e+01 : f32
      %mul3A_875 = vector.broadcast %mul3A_874 : f32 to vector<8x20xf32>
      %mul3A_876 = arith.mulf %get3A_397, %mul3A_875 : vector<8x20xf32>
      %convert_element_type3A_877 = arith.fptosi %mul3A_876 : vector<8x20xf32> to vector<8x20xi32>
      %min3A_878 = arith.constant 25 : i32
      %min3A_879 = vector.broadcast %min3A_878 : i32 to vector<8x20xi32>
      %min3A_880 = arith.minsi %convert_element_type3A_877, %min3A_879 : vector<8x20xi32>
      %mul3A_881 = arith.constant 26 : i32
      %mul3A_882 = vector.broadcast %mul3A_881 : i32 to vector<8x20xi32>
      %mul3A_883 = arith.muli %min3A_880, %mul3A_882 : vector<8x20xi32>
      %add3A_884 = arith.addi %mul3A_883, %min3A_873 : vector<8x20xi32>
      %mul3A_885 = arith.constant 676 : i32
      %mul3A_886 = vector.broadcast %mul3A_885 : i32 to vector<8x20xi32>
      %mul3A_887 = arith.muli %select_n3A_866, %mul3A_886 : vector<8x20xi32>
      %add3A_888 = arith.addi %mul3A_887, %add3A_884 : vector<8x20xi32>
      %broadcast_in_dim3A_889 = vector.shape_cast %add3A_888 : vector<8x20xi32> to vector<8x20x1xi32>
      %broadcast_in_dim3A_890 = vector.shape_cast %add3A_888 : vector<8x20xi32> to vector<8x1x20xi32>
      %eq3A_891 = vector.broadcast %broadcast_in_dim3A_889 : vector<8x20x1xi32> to vector<8x20x20xi32>
      %eq3A_892 = vector.broadcast %broadcast_in_dim3A_890 : vector<8x1x20xi32> to vector<8x20x20xi32>
      %eq3A_893 = arith.cmpi eq, %eq3A_891, %eq3A_892 : vector<8x20x20xi32>
      %and3A_894 = arith.andi %eq3A_893, %lt3A_409 : vector<8x20x20xi1>
      %reduce_or3A_895 = arith.constant 1.000000e+00 : f32
      %reduce_or3A_896 = arith.constant 0.000000e+00 : f32
      %reduce_or3A_897 = vector.broadcast %reduce_or3A_895 : f32 to vector<8x20x20xf32>
      %reduce_or3A_898 = vector.broadcast %reduce_or3A_896 : f32 to vector<8x20x20xf32>
      %reduce_or3A_899 = arith.select %and3A_894, %reduce_or3A_897, %reduce_or3A_898 : vector<8x20x20xi1>, vector<8x20x20xf32>
      %reduce_or3A_900 = arith.constant dense<0xFF800000> : vector<8x20xf32>
      %reduce_or3A_901 = vector.multi_reduction <maximumf>, %reduce_or3A_899, %reduce_or3A_900 [2] : vector<8x20x20xf32> to vector<8x20xf32>
      %reduce_or3A_902 = arith.constant 0.000000e+00 : f32
      %reduce_or3A_903 = vector.broadcast %reduce_or3A_902 : f32 to vector<8x20xf32>
      %reduce_or3A_904 = arith.cmpf ogt, %reduce_or3A_901, %reduce_or3A_903 : vector<8x20xf32>
      %not3A_905 = arith.constant dense<true> : vector<8x20xi1>
      %not3A_906 = arith.xori %reduce_or3A_904, %not3A_905 : vector<8x20xi1>
      %and3A_907 = arith.andi %eq3A_893, %eq3A_414 : vector<8x20x20xi1>
      %and3A_908 = arith.andi %and3A_907, %lt3A_409 : vector<8x20x20xi1>
      %reduce_or3A_909 = arith.constant 1.000000e+00 : f32
      %reduce_or3A_910 = arith.constant 0.000000e+00 : f32
      %reduce_or3A_911 = vector.broadcast %reduce_or3A_909 : f32 to vector<8x20x20xf32>
      %reduce_or3A_912 = vector.broadcast %reduce_or3A_910 : f32 to vector<8x20x20xf32>
      %reduce_or3A_913 = arith.select %and3A_908, %reduce_or3A_911, %reduce_or3A_912 : vector<8x20x20xi1>, vector<8x20x20xf32>
      %reduce_or3A_914 = arith.constant dense<0xFF800000> : vector<8x20xf32>
      %reduce_or3A_915 = vector.multi_reduction <maximumf>, %reduce_or3A_913, %reduce_or3A_914 [2] : vector<8x20x20xf32> to vector<8x20xf32>
      %reduce_or3A_916 = arith.constant 0.000000e+00 : f32
      %reduce_or3A_917 = vector.broadcast %reduce_or3A_916 : f32 to vector<8x20xf32>
      %reduce_or3A_918 = arith.cmpf ogt, %reduce_or3A_915, %reduce_or3A_917 : vector<8x20xf32>
      %not3A_919 = arith.constant dense<true> : vector<8x20xi1>
      %not3A_920 = arith.xori %reduce_or3A_918, %not3A_919 : vector<8x20xi1>
      %broadcast_in_dim3A_921 = vector.shape_cast %add3A_884 : vector<8x20xi32> to vector<8x20x1xi32>
      %broadcast_in_dim3A_922 = vector.shape_cast %add3A_884 : vector<8x20xi32> to vector<8x1x20xi32>
      %eq3A_923 = vector.broadcast %broadcast_in_dim3A_921 : vector<8x20x1xi32> to vector<8x20x20xi32>
      %eq3A_924 = vector.broadcast %broadcast_in_dim3A_922 : vector<8x1x20xi32> to vector<8x20x20xi32>
      %eq3A_925 = arith.cmpi eq, %eq3A_923, %eq3A_924 : vector<8x20x20xi32>
      %eq3A_926 = arith.constant 1 : i32
      %eq3A_927 = vector.broadcast %eq3A_926 : i32 to vector<8x20xi32>
      %eq3A_928 = arith.cmpi eq, %select_n3A_866, %eq3A_927 : vector<8x20xi32>
      %jit3A_929 = arith.constant 2.500000e-01 : f32
      %jit3A_930 = arith.constant 0.22115384 : f32
      %broadcast_in_dim3A_931 = vector.broadcast %jit3A_929 : f32 to vector<8x20xf32>
      %broadcast_in_dim3A_932 = vector.broadcast %jit3A_930 : f32 to vector<8x20xf32>
      %select_n3A_933 = arith.select %eq3A_928, %broadcast_in_dim3A_931, %broadcast_in_dim3A_932 : vector<8x20xi1>, vector<8x20xf32>
      %eq3A_934 = arith.constant 2 : i32
      %eq3A_935 = vector.broadcast %eq3A_934 : i32 to vector<8x20xi32>
      %eq3A_936 = arith.cmpi eq, %select_n3A_866, %eq3A_935 : vector<8x20xi32>
      %jit3A_937 = arith.constant 0.302884609 : f32
      %broadcast_in_dim3A_938 = vector.broadcast %jit3A_937 : f32 to vector<8x20xf32>
      %select_n3A_939 = arith.select %eq3A_936, %broadcast_in_dim3A_938, %select_n3A_933 : vector<8x20xi1>, vector<8x20xf32>
      %eq3A_940 = arith.constant 1 : i32
      %eq3A_941 = vector.broadcast %eq3A_940 : i32 to vector<8x20xi32>
      %eq3A_942 = arith.cmpi eq, %select_n3A_866, %eq3A_941 : vector<8x20xi32>
      %jit3A_943 = arith.constant 0.300480783 : f32
      %jit3A_944 = arith.constant 0.134615391 : f32
      %broadcast_in_dim3A_945 = vector.broadcast %jit3A_943 : f32 to vector<8x20xf32>
      %broadcast_in_dim3A_946 = vector.broadcast %jit3A_944 : f32 to vector<8x20xf32>
      %select_n3A_947 = arith.select %eq3A_942, %broadcast_in_dim3A_945, %broadcast_in_dim3A_946 : vector<8x20xi1>, vector<8x20xf32>
      %eq3A_948 = arith.constant 2 : i32
      %eq3A_949 = vector.broadcast %eq3A_948 : i32 to vector<8x20xi32>
      %eq3A_950 = arith.cmpi eq, %select_n3A_866, %eq3A_949 : vector<8x20xi32>
      %jit3A_951 = arith.constant 0.543269217 : f32
      %broadcast_in_dim3A_952 = vector.broadcast %jit3A_951 : f32 to vector<8x20xf32>
      %select_n3A_953 = arith.select %eq3A_950, %broadcast_in_dim3A_952, %select_n3A_947 : vector<8x20xi1>, vector<8x20xf32>
      %mul3A_954 = arith.constant 2.600000e+01 : f32
      %mul3A_955 = vector.broadcast %mul3A_954 : f32 to vector<8x20xf32>
      %mul3A_956 = arith.mulf %get3A_394, %mul3A_955 : vector<8x20xf32>
      %convert_element_type3A_957 = arith.sitofp %min3A_873 : vector<8x20xi32> to vector<8x20xf32>
      %sub3A_958 = arith.subf %mul3A_956, %convert_element_type3A_957 : vector<8x20xf32>
      %swap3A_959 = arith.constant 1 : index
      %swap3A_960 = arith.constant 0 : index
      %swap3A_961 = arith.constant 0 : index
      %swap3A_962 = vector.load %arg22[%swap3A_959, %swap3A_960, %swap3A_961] : memref<3x8x20xf32, #tpu.memory_space<vmem>>, vector<1x8x20xf32>
      %swap3A_963 = vector.shape_cast %swap3A_962 : vector<1x8x20xf32> to vector<8x20xf32>
      %swap3A_964 = vector.shape_cast %sub3A_958 : vector<8x20xf32> to vector<1x8x20xf32>
      tpu.vector_store %arg22[%swap3A_959, %swap3A_960, %swap3A_961], %swap3A_964 {strides = array<i32>} : memref<3x8x20xf32, #tpu.memory_space<vmem>>, vector<1x8x20xf32>,
      %mul3A_965 = arith.constant 2.600000e+01 : f32
      %mul3A_966 = vector.broadcast %mul3A_965 : f32 to vector<8x20xf32>
      %mul3A_967 = arith.mulf %get3A_397, %mul3A_966 : vector<8x20xf32>
      %convert_element_type3A_968 = arith.sitofp %min3A_880 : vector<8x20xi32> to vector<8x20xf32>
      %sub3A_969 = arith.subf %mul3A_967, %convert_element_type3A_968 : vector<8x20xf32>
      %swap3A_970 = arith.constant 1 : index
      %swap3A_971 = arith.constant 0 : index
      %swap3A_972 = arith.constant 0 : index
      %swap3A_973 = vector.load %arg23[%swap3A_970, %swap3A_971, %swap3A_972] : memref<3x8x20xf32, #tpu.memory_space<vmem>>, vector<1x8x20xf32>
      %swap3A_974 = vector.shape_cast %swap3A_973 : vector<1x8x20xf32> to vector<8x20xf32>
      %swap3A_975 = vector.shape_cast %sub3A_969 : vector<8x20xf32> to vector<1x8x20xf32>
      tpu.vector_store %arg23[%swap3A_970, %swap3A_971, %swap3A_972], %swap3A_975 {strides = array<i32>} : memref<3x8x20xf32, #tpu.memory_space<vmem>>, vector<1x8x20xf32>,
      %div3A_976 = arith.divf %get3A_400, %select_n3A_939 : vector<8x20xf32>
      %log3A_977 = math.log %div3A_976 : vector<8x20xf32>
      %swap3A_978 = arith.constant 1 : index
      %swap3A_979 = arith.constant 0 : index
      %swap3A_980 = arith.constant 0 : index
      %swap3A_981 = vector.load %arg24[%swap3A_978, %swap3A_979, %swap3A_980] : memref<3x8x20xf32, #tpu.memory_space<vmem>>, vector<1x8x20xf32>
      %swap3A_982 = vector.shape_cast %swap3A_981 : vector<1x8x20xf32> to vector<8x20xf32>
      %swap3A_983 = vector.shape_cast %log3A_977 : vector<8x20xf32> to vector<1x8x20xf32>
      tpu.vector_store %arg24[%swap3A_978, %swap3A_979, %swap3A_980], %swap3A_983 {strides = array<i32>} : memref<3x8x20xf32, #tpu.memory_space<vmem>>, vector<1x8x20xf32>,
      %div3A_984 = arith.divf %get3A_403, %select_n3A_953 : vector<8x20xf32>
      %log3A_985 = math.log %div3A_984 : vector<8x20xf32>
      %swap3A_986 = arith.constant 1 : index
      %swap3A_987 = arith.constant 0 : index
      %swap3A_988 = arith.constant 0 : index
      %swap3A_989 = vector.load %arg25[%swap3A_986, %swap3A_987, %swap3A_988] : memref<3x8x20xf32, #tpu.memory_space<vmem>>, vector<1x8x20xf32>
      %swap3A_990 = vector.shape_cast %swap3A_989 : vector<1x8x20xf32> to vector<8x20xf32>
      %swap3A_991 = vector.shape_cast %log3A_985 : vector<8x20xf32> to vector<1x8x20xf32>
      tpu.vector_store %arg25[%swap3A_986, %swap3A_987, %swap3A_988], %swap3A_991 {strides = array<i32>} : memref<3x8x20xf32, #tpu.memory_space<vmem>>, vector<1x8x20xf32>,
      %convert_element_type3A_992 = arith.extui %not3A_906 : vector<8x20xi1> to vector<8x20xi32>
      %convert_element_type3A_993 = arith.sitofp %convert_element_type3A_992 : vector<8x20xi32> to vector<8x20xf32>
      %swap3A_994 = arith.constant 1 : index
      %swap3A_995 = arith.constant 0 : index
      %swap3A_996 = arith.constant 0 : index
      %swap3A_997 = vector.load %arg17[%swap3A_994, %swap3A_995, %swap3A_996] : memref<3x8x20xf32, #tpu.memory_space<vmem>>, vector<1x8x20xf32>
      %swap3A_998 = vector.shape_cast %swap3A_997 : vector<1x8x20xf32> to vector<8x20xf32>
      %swap3A_999 = vector.shape_cast %convert_element_type3A_993 : vector<8x20xf32> to vector<1x8x20xf32>
      tpu.vector_store %arg17[%swap3A_994, %swap3A_995, %swap3A_996], %swap3A_999 {strides = array<i32>} : memref<3x8x20xf32, #tpu.memory_space<vmem>>, vector<1x8x20xf32>,
      %convert_element_type3A_1000 = arith.extui %not3A_920 : vector<8x20xi1> to vector<8x20xi32>
      %convert_element_type3A_1001 = arith.sitofp %convert_element_type3A_1000 : vector<8x20xi32> to vector<8x20xf32>
      %swap3A_1002 = arith.constant 1 : index
      %swap3A_1003 = arith.constant 0 : index
      %swap3A_1004 = arith.constant 0 : index
      %swap3A_1005 = vector.load %arg18[%swap3A_1002, %swap3A_1003, %swap3A_1004] : memref<3x8x20xf32, #tpu.memory_space<vmem>>, vector<1x8x20xf32>
      %swap3A_1006 = vector.shape_cast %swap3A_1005 : vector<1x8x20xf32> to vector<8x20xf32>
      %swap3A_1007 = vector.shape_cast %convert_element_type3A_1001 : vector<8x20xf32> to vector<1x8x20xf32>
      tpu.vector_store %arg18[%swap3A_1002, %swap3A_1003, %swap3A_1004], %swap3A_1007 {strides = array<i32>} : memref<3x8x20xf32, #tpu.memory_space<vmem>>, vector<1x8x20xf32>,
      %swap3A_1008 = arith.constant 1 : index
      %swap3A_1009 = arith.constant 0 : index
      %swap3A_1010 = arith.constant 0 : index
      %swap3A_1011 = vector.load %arg20[%swap3A_1008, %swap3A_1009, %swap3A_1010] : memref<3x8x20xi32, #tpu.memory_space<vmem>>, vector<1x8x20xi32>
      %swap3A_1012 = vector.shape_cast %swap3A_1011 : vector<1x8x20xi32> to vector<8x20xi32>
      %swap3A_1013 = vector.shape_cast %select_n3A_866 : vector<8x20xi32> to vector<1x8x20xi32>
      tpu.vector_store %arg20[%swap3A_1008, %swap3A_1009, %swap3A_1010], %swap3A_1013 {strides = array<i32>} : memref<3x8x20xi32, #tpu.memory_space<vmem>>, vector<1x8x20xi32>,
      %mul3A_1014 = arith.constant 16 : i32
      %mul3A_1015 = vector.broadcast %mul3A_1014 : i32 to vector<8x20xi32>
      %mul3A_1016 = arith.muli %add3A_884, %mul3A_1015 : vector<8x20xi32>
      %add3A_1017 = arith.addi %mul3A_1016, %iota3A : vector<8x20xi32>
      %swap3A_1018 = arith.constant 1 : index
      %swap3A_1019 = arith.constant 0 : index
      %swap3A_1020 = arith.constant 0 : index
      %swap3A_1021 = vector.load %arg14[%swap3A_1018, %swap3A_1019, %swap3A_1020] : memref<3x8x20xi32, #tpu.memory_space<vmem>>, vector<1x8x20xi32>
      %swap3A_1022 = vector.shape_cast %swap3A_1021 : vector<1x8x20xi32> to vector<8x20xi32>
      %swap3A_1023 = vector.shape_cast %add3A_1017 : vector<8x20xi32> to vector<1x8x20xi32>
      tpu.vector_store %arg14[%swap3A_1018, %swap3A_1019, %swap3A_1020], %swap3A_1023 {strides = array<i32>} : memref<3x8x20xi32, #tpu.memory_space<vmem>>, vector<1x8x20xi32>,
      %mul3A_1024 = arith.constant 85 : i32
      %mul3A_1025 = vector.broadcast %mul3A_1024 : i32 to vector<8x20xi32>
      %mul3A_1026 = arith.muli %mul3A_1025, %select_n3A_866 : vector<8x20xi32>
      %add3A_1027 = arith.constant 5 : i32
      %add3A_1028 = vector.broadcast %add3A_1027 : i32 to vector<8x20xi32>
      %add3A_1029 = arith.addi %mul3A_1026, %add3A_1028 : vector<8x20xi32>
      %add3A_1030 = arith.addi %add3A_1029, %get3A_406 : vector<8x20xi32>
      %jit3A_1031 = arith.constant 128 : i32
      %div3A_1032 = vector.broadcast %jit3A_1031 : i32 to vector<8x20xi32>
      %div3A_1033 = arith.divsi %add3A_1030, %div3A_1032 : vector<8x20xi32>
      %sign3A_1034 = arith.constant 0 : i32
      %sign3A_1035 = vector.broadcast %sign3A_1034 : i32 to vector<8x20xi32>
      %sign3A_1036 = arith.cmpi sgt, %add3A_1030, %sign3A_1035 : vector<8x20xi32>
      %sign3A_1037 = arith.extui %sign3A_1036 : vector<8x20xi1> to vector<8x20xi32>
      %sign3A_1038 = arith.constant 0 : i32
      %sign3A_1039 = vector.broadcast %sign3A_1038 : i32 to vector<8x20xi32>
      %sign3A_1040 = arith.cmpi slt, %add3A_1030, %sign3A_1039 : vector<8x20xi32>
      %sign3A_1041 = arith.extui %sign3A_1040 : vector<8x20xi1> to vector<8x20xi32>
      %sign3A_1042 = arith.subi %sign3A_1037, %sign3A_1041 : vector<8x20xi32>
      %sign3A_1043 = arith.constant 0 : i32
      %sign3A_1044 = arith.cmpi sgt, %jit3A_1031, %sign3A_1043 : i32
      %sign3A_1045 = arith.extui %sign3A_1044 : i1 to i32
      %sign3A_1046 = arith.constant 0 : i32
      %sign3A_1047 = arith.cmpi slt, %jit3A_1031, %sign3A_1046 : i32
      %sign3A_1048 = arith.extui %sign3A_1047 : i1 to i32
      %sign3A_1049 = arith.subi %sign3A_1045, %sign3A_1048 : i32
      %ne3A_1050 = vector.broadcast %sign3A_1049 : i32 to vector<8x20xi32>
      %ne3A_1051 = arith.cmpi ne, %sign3A_1042, %ne3A_1050 : vector<8x20xi32>
      %rem3A_1052 = vector.broadcast %jit3A_1031 : i32 to vector<8x20xi32>
      %rem3A_1053 = arith.remsi %add3A_1030, %rem3A_1052 : vector<8x20xi32>
      %ne3A_1054 = arith.constant 0 : i32
      %ne3A_1055 = vector.broadcast %ne3A_1054 : i32 to vector<8x20xi32>
      %ne3A_1056 = arith.cmpi ne, %rem3A_1053, %ne3A_1055 : vector<8x20xi32>
      %and3A_1057 = arith.andi %ne3A_1051, %ne3A_1056 : vector<8x20xi1>
      %sub3A_1058 = arith.constant 1 : i32
      %sub3A_1059 = vector.broadcast %sub3A_1058 : i32 to vector<8x20xi32>
      %sub3A_1060 = arith.subi %div3A_1033, %sub3A_1059 : vector<8x20xi32>
      %select_n3A_1061 = arith.select %and3A_1057, %sub3A_1060, %div3A_1033 : vector<8x20xi1>, vector<8x20xi32>
      %mul3A_1062 = arith.constant 8 : i32
      %mul3A_1063 = vector.broadcast %mul3A_1062 : i32 to vector<8x20xi32>
      %mul3A_1064 = arith.muli %mul3A_1063, %select_n3A_1061 : vector<8x20xi32>
      %add3A_1065 = arith.addi %add3A_1017, %mul3A_1064 : vector<8x20xi32>
      %swap3A_1066 = arith.constant 1 : index
      %swap3A_1067 = arith.constant 0 : index
      %swap3A_1068 = arith.constant 0 : index
      %swap3A_1069 = vector.load %arg16[%swap3A_1066, %swap3A_1067, %swap3A_1068] : memref<3x8x20xi32, #tpu.memory_space<vmem>>, vector<1x8x20xi32>
      %swap3A_1070 = vector.shape_cast %swap3A_1069 : vector<1x8x20xi32> to vector<8x20xi32>
      %swap3A_1071 = vector.shape_cast %add3A_1065 : vector<8x20xi32> to vector<1x8x20xi32>
      tpu.vector_store %arg16[%swap3A_1066, %swap3A_1067, %swap3A_1068], %swap3A_1071 {strides = array<i32>} : memref<3x8x20xi32, #tpu.memory_space<vmem>>, vector<1x8x20xi32>,
      %jit3A_1072 = arith.constant 128 : i32
      %eq3A_1073 = arith.constant 0 : i32
      %eq3A_1074 = arith.cmpi eq, %jit3A_1072, %eq3A_1073 : i32
      %jit3A_1075 = arith.constant 1 : i32
      %select_n3A_1076 = arith.select %eq3A_1074, %jit3A_1075, %jit3A_1072 : i32
      %rem3A_1077 = vector.broadcast %select_n3A_1076 : i32 to vector<8x20xi32>
      %rem3A_1078 = arith.remsi %add3A_1030, %rem3A_1077 : vector<8x20xi32>
      %ne3A_1079 = arith.constant 0 : i32
      %ne3A_1080 = vector.broadcast %ne3A_1079 : i32 to vector<8x20xi32>
      %ne3A_1081 = arith.cmpi ne, %rem3A_1078, %ne3A_1080 : vector<8x20xi32>
      %lt3A_1082 = arith.constant 0 : i32
      %lt3A_1083 = vector.broadcast %lt3A_1082 : i32 to vector<8x20xi32>
      %lt3A_1084 = arith.cmpi slt, %rem3A_1078, %lt3A_1083 : vector<8x20xi32>
      %lt3A_1085 = arith.constant 0 : i32
      %lt3A_1086 = arith.cmpi slt, %select_n3A_1076, %lt3A_1085 : i32
      %ne3A_1087 = vector.broadcast %lt3A_1086 : i1 to vector<8x20xi1>
      %ne3A_1088 = vector.broadcast %ne3A_1087 : vector<8x20xi1> to vector<8x20xi1>
      %ne3A_1089 = arith.xori %lt3A_1084, %ne3A_1088 : vector<8x20xi1>
      %and3A_1090 = arith.andi %ne3A_1089, %ne3A_1081 : vector<8x20xi1>
      %add3A_1091 = vector.broadcast %select_n3A_1076 : i32 to vector<8x20xi32>
      %add3A_1092 = arith.addi %rem3A_1078, %add3A_1091 : vector<8x20xi32>
      %select_n3A_1093 = arith.select %and3A_1090, %add3A_1092, %rem3A_1078 : vector<8x20xi1>, vector<8x20xi32>
      %swap3A_1094 = arith.constant 1 : index
      %swap3A_1095 = arith.constant 0 : index
      %swap3A_1096 = arith.constant 0 : index
      %swap3A_1097 = vector.load %arg21[%swap3A_1094, %swap3A_1095, %swap3A_1096] : memref<3x8x20xi32, #tpu.memory_space<vmem>>, vector<1x8x20xi32>
      %swap3A_1098 = vector.shape_cast %swap3A_1097 : vector<1x8x20xi32> to vector<8x20xi32>
      %swap3A_1099 = vector.shape_cast %select_n3A_1093 : vector<8x20xi32> to vector<1x8x20xi32>
      tpu.vector_store %arg21[%swap3A_1094, %swap3A_1095, %swap3A_1096], %swap3A_1099 {strides = array<i32>} : memref<3x8x20xi32, #tpu.memory_space<vmem>>, vector<1x8x20xi32>,
      %gt3A_1100 = arith.constant 5.000000e-01 : f32
      %gt3A_1101 = vector.broadcast %gt3A_1100 : f32 to vector<8x20xf32>
      %gt3A_1102 = arith.cmpf ogt, %get3A_843, %gt3A_1101 : vector<8x20xf32>
      %and3A_1103 = arith.andi %eq3A_925, %lt3A_409 : vector<8x20x20xi1>
      %broadcast_in_dim3A_1104 = vector.shape_cast %gt3A_1102 : vector<8x20xi1> to vector<8x1x20xi1>
      %and3A_1105 = vector.broadcast %broadcast_in_dim3A_1104 : vector<8x1x20xi1> to vector<8x20x20xi1>
      %and3A_1106 = arith.andi %and3A_1103, %and3A_1105 : vector<8x20x20xi1>
      %reduce_or3A_1107 = arith.constant 1.000000e+00 : f32
      %reduce_or3A_1108 = arith.constant 0.000000e+00 : f32
      %reduce_or3A_1109 = vector.broadcast %reduce_or3A_1107 : f32 to vector<8x20x20xf32>
      %reduce_or3A_1110 = vector.broadcast %reduce_or3A_1108 : f32 to vector<8x20x20xf32>
      %reduce_or3A_1111 = arith.select %and3A_1106, %reduce_or3A_1109, %reduce_or3A_1110 : vector<8x20x20xi1>, vector<8x20x20xf32>
      %reduce_or3A_1112 = arith.constant dense<0xFF800000> : vector<8x20xf32>
      %reduce_or3A_1113 = vector.multi_reduction <maximumf>, %reduce_or3A_1111, %reduce_or3A_1112 [2] : vector<8x20x20xf32> to vector<8x20xf32>
      %reduce_or3A_1114 = arith.constant 0.000000e+00 : f32
      %reduce_or3A_1115 = vector.broadcast %reduce_or3A_1114 : f32 to vector<8x20xf32>
      %reduce_or3A_1116 = arith.cmpf ogt, %reduce_or3A_1113, %reduce_or3A_1115 : vector<8x20xf32>
      %broadcast_in_dim3A_1117 = vector.shape_cast %select_n3A_866 : vector<8x20xi32> to vector<8x1x20xi32>
      %eq3A_1118 = arith.constant 0 : i32
      %eq3A_1119 = vector.broadcast %eq3A_1118 : i32 to vector<8x1x20xi32>
      %eq3A_1120 = arith.cmpi eq, %broadcast_in_dim3A_1117, %eq3A_1119 : vector<8x1x20xi32>
      %and3A_1121 = vector.broadcast %eq3A_1120 : vector<8x1x20xi1> to vector<8x20x20xi1>
      %and3A_1122 = arith.andi %eq3A_925, %and3A_1121 : vector<8x20x20xi1>
      %reduce_or3A_1123 = arith.constant 1.000000e+00 : f32
      %reduce_or3A_1124 = arith.constant 0.000000e+00 : f32
      %reduce_or3A_1125 = vector.broadcast %reduce_or3A_1123 : f32 to vector<8x20x20xf32>
      %reduce_or3A_1126 = vector.broadcast %reduce_or3A_1124 : f32 to vector<8x20x20xf32>
      %reduce_or3A_1127 = arith.select %and3A_1122, %reduce_or3A_1125, %reduce_or3A_1126 : vector<8x20x20xi1>, vector<8x20x20xf32>
      %reduce_or3A_1128 = arith.constant dense<0xFF800000> : vector<8x20xf32>
      %reduce_or3A_1129 = vector.multi_reduction <maximumf>, %reduce_or3A_1127, %reduce_or3A_1128 [2] : vector<8x20x20xf32> to vector<8x20xf32>
      %reduce_or3A_1130 = arith.constant 0.000000e+00 : f32
      %reduce_or3A_1131 = vector.broadcast %reduce_or3A_1130 : f32 to vector<8x20xf32>
      %reduce_or3A_1132 = arith.cmpf ogt, %reduce_or3A_1129, %reduce_or3A_1131 : vector<8x20xf32>
      %not3A_1133 = arith.constant dense<true> : vector<8x20xi1>
      %not3A_1134 = arith.xori %reduce_or3A_1116, %not3A_1133 : vector<8x20xi1>
      %and3A_1135 = arith.andi %gt3A_1102, %not3A_1134 : vector<8x20xi1>
      %not3A_1136 = arith.constant dense<true> : vector<8x20xi1>
      %not3A_1137 = arith.xori %reduce_or3A_1132, %not3A_1136 : vector<8x20xi1>
      %and3A_1138 = arith.andi %and3A_1135, %not3A_1137 : vector<8x20xi1>
      %convert_element_type3A_1139 = arith.extui %and3A_1138 : vector<8x20xi1> to vector<8x20xi32>
      %convert_element_type3A_1140 = arith.sitofp %convert_element_type3A_1139 : vector<8x20xi32> to vector<8x20xf32>
      %swap3A_1141 = arith.constant 1 : index
      %swap3A_1142 = arith.constant 0 : index
      %swap3A_1143 = arith.constant 0 : index
      %swap3A_1144 = arith.constant 0 : index
      %swap3A_1145 = vector.load %arg19[%swap3A_1141, %swap3A_1142, %swap3A_1143, %swap3A_1144] : memref<3x3x8x20xf32, #tpu.memory_space<vmem>>, vector<1x1x8x20xf32>
      %swap3A_1146 = vector.shape_cast %swap3A_1145 : vector<1x1x8x20xf32> to vector<8x20xf32>
      %swap3A_1147 = vector.shape_cast %convert_element_type3A_1140 : vector<8x20xf32> to vector<1x1x8x20xf32>
      tpu.vector_store %arg19[%swap3A_1141, %swap3A_1142, %swap3A_1143, %swap3A_1144], %swap3A_1147 {strides = array<i32>} : memref<3x3x8x20xf32, #tpu.memory_space<vmem>>, vector<1x1x8x20xf32>,
      %add3A_1148 = arith.constant 0 : i32
      %add3A_1149 = vector.broadcast %add3A_1148 : i32 to vector<8x20xi32>
      %add3A_1150 = arith.addi %add3A_1017, %add3A_1149 : vector<8x20xi32>
      %swap3A_1151 = arith.constant 1 : index
      %swap3A_1152 = arith.constant 0 : index
      %swap3A_1153 = arith.constant 0 : index
      %swap3A_1154 = arith.constant 0 : index
      %swap3A_1155 = vector.load %arg15[%swap3A_1151, %swap3A_1152, %swap3A_1153, %swap3A_1154] : memref<3x3x8x20xi32, #tpu.memory_space<vmem>>, vector<1x1x8x20xi32>
      %swap3A_1156 = vector.shape_cast %swap3A_1155 : vector<1x1x8x20xi32> to vector<8x20xi32>
      %swap3A_1157 = vector.shape_cast %add3A_1150 : vector<8x20xi32> to vector<1x1x8x20xi32>
      tpu.vector_store %arg15[%swap3A_1151, %swap3A_1152, %swap3A_1153, %swap3A_1154], %swap3A_1157 {strides = array<i32>} : memref<3x3x8x20xi32, #tpu.memory_space<vmem>>, vector<1x1x8x20xi32>,
      %gt3A_1158 = arith.constant 5.000000e-01 : f32
      %gt3A_1159 = vector.broadcast %gt3A_1158 : f32 to vector<8x20xf32>
      %gt3A_1160 = arith.cmpf ogt, %get3A_849, %gt3A_1159 : vector<8x20xf32>
      %and3A_1161 = arith.andi %eq3A_925, %lt3A_409 : vector<8x20x20xi1>
      %broadcast_in_dim3A_1162 = vector.shape_cast %gt3A_1160 : vector<8x20xi1> to vector<8x1x20xi1>
      %and3A_1163 = vector.broadcast %broadcast_in_dim3A_1162 : vector<8x1x20xi1> to vector<8x20x20xi1>
      %and3A_1164 = arith.andi %and3A_1161, %and3A_1163 : vector<8x20x20xi1>
      %reduce_or3A_1165 = arith.constant 1.000000e+00 : f32
      %reduce_or3A_1166 = arith.constant 0.000000e+00 : f32
      %reduce_or3A_1167 = vector.broadcast %reduce_or3A_1165 : f32 to vector<8x20x20xf32>
      %reduce_or3A_1168 = vector.broadcast %reduce_or3A_1166 : f32 to vector<8x20x20xf32>
      %reduce_or3A_1169 = arith.select %and3A_1164, %reduce_or3A_1167, %reduce_or3A_1168 : vector<8x20x20xi1>, vector<8x20x20xf32>
      %reduce_or3A_1170 = arith.constant dense<0xFF800000> : vector<8x20xf32>
      %reduce_or3A_1171 = vector.multi_reduction <maximumf>, %reduce_or3A_1169, %reduce_or3A_1170 [2] : vector<8x20x20xf32> to vector<8x20xf32>
      %reduce_or3A_1172 = arith.constant 0.000000e+00 : f32
      %reduce_or3A_1173 = vector.broadcast %reduce_or3A_1172 : f32 to vector<8x20xf32>
      %reduce_or3A_1174 = arith.cmpf ogt, %reduce_or3A_1171, %reduce_or3A_1173 : vector<8x20xf32>
      %broadcast_in_dim3A_1175 = vector.shape_cast %select_n3A_866 : vector<8x20xi32> to vector<8x1x20xi32>
      %eq3A_1176 = arith.constant 1 : i32
      %eq3A_1177 = vector.broadcast %eq3A_1176 : i32 to vector<8x1x20xi32>
      %eq3A_1178 = arith.cmpi eq, %broadcast_in_dim3A_1175, %eq3A_1177 : vector<8x1x20xi32>
      %and3A_1179 = vector.broadcast %eq3A_1178 : vector<8x1x20xi1> to vector<8x20x20xi1>
      %and3A_1180 = arith.andi %eq3A_925, %and3A_1179 : vector<8x20x20xi1>
      %reduce_or3A_1181 = arith.constant 1.000000e+00 : f32
      %reduce_or3A_1182 = arith.constant 0.000000e+00 : f32
      %reduce_or3A_1183 = vector.broadcast %reduce_or3A_1181 : f32 to vector<8x20x20xf32>
      %reduce_or3A_1184 = vector.broadcast %reduce_or3A_1182 : f32 to vector<8x20x20xf32>
      %reduce_or3A_1185 = arith.select %and3A_1180, %reduce_or3A_1183, %reduce_or3A_1184 : vector<8x20x20xi1>, vector<8x20x20xf32>
      %reduce_or3A_1186 = arith.constant dense<0xFF800000> : vector<8x20xf32>
      %reduce_or3A_1187 = vector.multi_reduction <maximumf>, %reduce_or3A_1185, %reduce_or3A_1186 [2] : vector<8x20x20xf32> to vector<8x20xf32>
      %reduce_or3A_1188 = arith.constant 0.000000e+00 : f32
      %reduce_or3A_1189 = vector.broadcast %reduce_or3A_1188 : f32 to vector<8x20xf32>
      %reduce_or3A_1190 = arith.cmpf ogt, %reduce_or3A_1187, %reduce_or3A_1189 : vector<8x20xf32>
      %not3A_1191 = arith.constant dense<true> : vector<8x20xi1>
      %not3A_1192 = arith.xori %reduce_or3A_1174, %not3A_1191 : vector<8x20xi1>
      %and3A_1193 = arith.andi %gt3A_1160, %not3A_1192 : vector<8x20xi1>
      %not3A_1194 = arith.constant dense<true> : vector<8x20xi1>
      %not3A_1195 = arith.xori %reduce_or3A_1190, %not3A_1194 : vector<8x20xi1>
      %and3A_1196 = arith.andi %and3A_1193, %not3A_1195 : vector<8x20xi1>
      %convert_element_type3A_1197 = arith.extui %and3A_1196 : vector<8x20xi1> to vector<8x20xi32>
      %convert_element_type3A_1198 = arith.sitofp %convert_element_type3A_1197 : vector<8x20xi32> to vector<8x20xf32>
      %swap3A_1199 = arith.constant 1 : index
      %swap3A_1200 = arith.constant 1 : index
      %swap3A_1201 = arith.constant 0 : index
      %swap3A_1202 = arith.constant 0 : index
      %swap3A_1203 = vector.load %arg19[%swap3A_1199, %swap3A_1200, %swap3A_1201, %swap3A_1202] : memref<3x3x8x20xf32, #tpu.memory_space<vmem>>, vector<1x1x8x20xf32>
      %swap3A_1204 = vector.shape_cast %swap3A_1203 : vector<1x1x8x20xf32> to vector<8x20xf32>
      %swap3A_1205 = vector.shape_cast %convert_element_type3A_1198 : vector<8x20xf32> to vector<1x1x8x20xf32>
      tpu.vector_store %arg19[%swap3A_1199, %swap3A_1200, %swap3A_1201, %swap3A_1202], %swap3A_1205 {strides = array<i32>} : memref<3x3x8x20xf32, #tpu.memory_space<vmem>>, vector<1x1x8x20xf32>,
      %add3A_1206 = arith.constant 0 : i32
      %add3A_1207 = vector.broadcast %add3A_1206 : i32 to vector<8x20xi32>
      %add3A_1208 = arith.addi %add3A_1017, %add3A_1207 : vector<8x20xi32>
      %swap3A_1209 = arith.constant 1 : index
      %swap3A_1210 = arith.constant 1 : index
      %swap3A_1211 = arith.constant 0 : index
      %swap3A_1212 = arith.constant 0 : index
      %swap3A_1213 = vector.load %arg15[%swap3A_1209, %swap3A_1210, %swap3A_1211, %swap3A_1212] : memref<3x3x8x20xi32, #tpu.memory_space<vmem>>, vector<1x1x8x20xi32>
      %swap3A_1214 = vector.shape_cast %swap3A_1213 : vector<1x1x8x20xi32> to vector<8x20xi32>
      %swap3A_1215 = vector.shape_cast %add3A_1208 : vector<8x20xi32> to vector<1x1x8x20xi32>
      tpu.vector_store %arg15[%swap3A_1209, %swap3A_1210, %swap3A_1211, %swap3A_1212], %swap3A_1215 {strides = array<i32>} : memref<3x3x8x20xi32, #tpu.memory_space<vmem>>, vector<1x1x8x20xi32>,
      %gt3A_1216 = arith.constant 5.000000e-01 : f32
      %gt3A_1217 = vector.broadcast %gt3A_1216 : f32 to vector<8x20xf32>
      %gt3A_1218 = arith.cmpf ogt, %get3A_855, %gt3A_1217 : vector<8x20xf32>
      %and3A_1219 = arith.andi %eq3A_925, %lt3A_409 : vector<8x20x20xi1>
      %broadcast_in_dim3A_1220 = vector.shape_cast %gt3A_1218 : vector<8x20xi1> to vector<8x1x20xi1>
      %and3A_1221 = vector.broadcast %broadcast_in_dim3A_1220 : vector<8x1x20xi1> to vector<8x20x20xi1>
      %and3A_1222 = arith.andi %and3A_1219, %and3A_1221 : vector<8x20x20xi1>
      %reduce_or3A_1223 = arith.constant 1.000000e+00 : f32
      %reduce_or3A_1224 = arith.constant 0.000000e+00 : f32
      %reduce_or3A_1225 = vector.broadcast %reduce_or3A_1223 : f32 to vector<8x20x20xf32>
      %reduce_or3A_1226 = vector.broadcast %reduce_or3A_1224 : f32 to vector<8x20x20xf32>
      %reduce_or3A_1227 = arith.select %and3A_1222, %reduce_or3A_1225, %reduce_or3A_1226 : vector<8x20x20xi1>, vector<8x20x20xf32>
      %reduce_or3A_1228 = arith.constant dense<0xFF800000> : vector<8x20xf32>
      %reduce_or3A_1229 = vector.multi_reduction <maximumf>, %reduce_or3A_1227, %reduce_or3A_1228 [2] : vector<8x20x20xf32> to vector<8x20xf32>
      %reduce_or3A_1230 = arith.constant 0.000000e+00 : f32
      %reduce_or3A_1231 = vector.broadcast %reduce_or3A_1230 : f32 to vector<8x20xf32>
      %reduce_or3A_1232 = arith.cmpf ogt, %reduce_or3A_1229, %reduce_or3A_1231 : vector<8x20xf32>
      %broadcast_in_dim3A_1233 = vector.shape_cast %select_n3A_866 : vector<8x20xi32> to vector<8x1x20xi32>
      %eq3A_1234 = arith.constant 2 : i32
      %eq3A_1235 = vector.broadcast %eq3A_1234 : i32 to vector<8x1x20xi32>
      %eq3A_1236 = arith.cmpi eq, %broadcast_in_dim3A_1233, %eq3A_1235 : vector<8x1x20xi32>
      %and3A_1237 = vector.broadcast %eq3A_1236 : vector<8x1x20xi1> to vector<8x20x20xi1>
      %and3A_1238 = arith.andi %eq3A_925, %and3A_1237 : vector<8x20x20xi1>
      %reduce_or3A_1239 = arith.constant 1.000000e+00 : f32
      %reduce_or3A_1240 = arith.constant 0.000000e+00 : f32
      %reduce_or3A_1241 = vector.broadcast %reduce_or3A_1239 : f32 to vector<8x20x20xf32>
      %reduce_or3A_1242 = vector.broadcast %reduce_or3A_1240 : f32 to vector<8x20x20xf32>
      %reduce_or3A_1243 = arith.select %and3A_1238, %reduce_or3A_1241, %reduce_or3A_1242 : vector<8x20x20xi1>, vector<8x20x20xf32>
      %reduce_or3A_1244 = arith.constant dense<0xFF800000> : vector<8x20xf32>
      %reduce_or3A_1245 = vector.multi_reduction <maximumf>, %reduce_or3A_1243, %reduce_or3A_1244 [2] : vector<8x20x20xf32> to vector<8x20xf32>
      %reduce_or3A_1246 = arith.constant 0.000000e+00 : f32
      %reduce_or3A_1247 = vector.broadcast %reduce_or3A_1246 : f32 to vector<8x20xf32>
      %reduce_or3A_1248 = arith.cmpf ogt, %reduce_or3A_1245, %reduce_or3A_1247 : vector<8x20xf32>
      %not3A_1249 = arith.constant dense<true> : vector<8x20xi1>
      %not3A_1250 = arith.xori %reduce_or3A_1232, %not3A_1249 : vector<8x20xi1>
      %and3A_1251 = arith.andi %gt3A_1218, %not3A_1250 : vector<8x20xi1>
      %not3A_1252 = arith.constant dense<true> : vector<8x20xi1>
      %not3A_1253 = arith.xori %reduce_or3A_1248, %not3A_1252 : vector<8x20xi1>
      %and3A_1254 = arith.andi %and3A_1251, %not3A_1253 : vector<8x20xi1>
      %convert_element_type3A_1255 = arith.extui %and3A_1254 : vector<8x20xi1> to vector<8x20xi32>
      %convert_element_type3A_1256 = arith.sitofp %convert_element_type3A_1255 : vector<8x20xi32> to vector<8x20xf32>
      %swap3A_1257 = arith.constant 1 : index
      %swap3A_1258 = arith.constant 2 : index
      %swap3A_1259 = arith.constant 0 : index
      %swap3A_1260 = arith.constant 0 : index
      %swap3A_1261 = vector.load %arg19[%swap3A_1257, %swap3A_1258, %swap3A_1259, %swap3A_1260] : memref<3x3x8x20xf32, #tpu.memory_space<vmem>>, vector<1x1x8x20xf32>
      %swap3A_1262 = vector.shape_cast %swap3A_1261 : vector<1x1x8x20xf32> to vector<8x20xf32>
      %swap3A_1263 = vector.shape_cast %convert_element_type3A_1256 : vector<8x20xf32> to vector<1x1x8x20xf32>
      tpu.vector_store %arg19[%swap3A_1257, %swap3A_1258, %swap3A_1259, %swap3A_1260], %swap3A_1263 {strides = array<i32>} : memref<3x3x8x20xf32, #tpu.memory_space<vmem>>, vector<1x1x8x20xf32>,
      %add3A_1264 = arith.constant 8 : i32
      %add3A_1265 = vector.broadcast %add3A_1264 : i32 to vector<8x20xi32>
      %add3A_1266 = arith.addi %add3A_1017, %add3A_1265 : vector<8x20xi32>
      %swap3A_1267 = arith.constant 1 : index
      %swap3A_1268 = arith.constant 2 : index
      %swap3A_1269 = arith.constant 0 : index
      %swap3A_1270 = arith.constant 0 : index
      %swap3A_1271 = vector.load %arg15[%swap3A_1267, %swap3A_1268, %swap3A_1269, %swap3A_1270] : memref<3x3x8x20xi32, #tpu.memory_space<vmem>>, vector<1x1x8x20xi32>
      %swap3A_1272 = vector.shape_cast %swap3A_1271 : vector<1x1x8x20xi32> to vector<8x20xi32>
      %swap3A_1273 = vector.shape_cast %add3A_1266 : vector<8x20xi32> to vector<1x1x8x20xi32>
      tpu.vector_store %arg15[%swap3A_1267, %swap3A_1268, %swap3A_1269, %swap3A_1270], %swap3A_1273 {strides = array<i32>} : memref<3x3x8x20xi32, #tpu.memory_space<vmem>>, vector<1x1x8x20xi32>,
      %get3A_1274 = arith.constant 2 : index
      %get3A_1275 = arith.constant 0 : index
      %get3A_1276 = arith.constant 0 : index
      %get3A_1277 = arith.constant 0 : index
      %get3A_1278 = vector.load %arg9[%get3A_1274, %get3A_1275, %get3A_1276, %get3A_1277] : memref<3x3x8x20xf32, #tpu.memory_space<vmem>>, vector<1x1x8x20xf32>
      %get3A_1279 = vector.shape_cast %get3A_1278 : vector<1x1x8x20xf32> to vector<8x20xf32>
      %get3A_1280 = arith.constant 2 : index
      %get3A_1281 = arith.constant 1 : index
      %get3A_1282 = arith.constant 0 : index
      %get3A_1283 = arith.constant 0 : index
      %get3A_1284 = vector.load %arg9[%get3A_1280, %get3A_1281, %get3A_1282, %get3A_1283] : memref<3x3x8x20xf32, #tpu.memory_space<vmem>>, vector<1x1x8x20xf32>
      %get3A_1285 = vector.shape_cast %get3A_1284 : vector<1x1x8x20xf32> to vector<8x20xf32>
      %get3A_1286 = arith.constant 2 : index
      %get3A_1287 = arith.constant 2 : index
      %get3A_1288 = arith.constant 0 : index
      %get3A_1289 = arith.constant 0 : index
      %get3A_1290 = vector.load %arg9[%get3A_1286, %get3A_1287, %get3A_1288, %get3A_1289] : memref<3x3x8x20xf32, #tpu.memory_space<vmem>>, vector<1x1x8x20xf32>
      %get3A_1291 = vector.shape_cast %get3A_1290 : vector<1x1x8x20xf32> to vector<8x20xf32>
      %broadcast_in_dim3A_1292 = arith.constant 0 : i32
      %broadcast_in_dim3A_1293 = vector.broadcast %broadcast_in_dim3A_1292 : i32 to vector<8x20xi32>
      %gt3A_1294 = arith.cmpf ogt, %get3A_1285, %get3A_1279 : vector<8x20xf32>
      %jit3A_1295 = arith.constant 1 : i32
      %broadcast_in_dim3A_1296 = vector.broadcast %jit3A_1295 : i32 to vector<8x20xi32>
      %select_n3A_1297 = arith.select %gt3A_1294, %broadcast_in_dim3A_1296, %broadcast_in_dim3A_1293 : vector<8x20xi1>, vector<8x20xi32>
      %max3A_1298 = arith.maximumf %get3A_1279, %get3A_1285 : vector<8x20xf32>
      %gt3A_1299 = arith.cmpf ogt, %get3A_1291, %max3A_1298 : vector<8x20xf32>
      %jit3A_1300 = arith.constant 2 : i32
      %broadcast_in_dim3A_1301 = vector.broadcast %jit3A_1300 : i32 to vector<8x20xi32>
      %select_n3A_1302 = arith.select %gt3A_1299, %broadcast_in_dim3A_1301, %select_n3A_1297 : vector<8x20xi1>, vector<8x20xi32>
      %mul3A_1303 = arith.constant 5.200000e+01 : f32
      %mul3A_1304 = vector.broadcast %mul3A_1303 : f32 to vector<8x20xf32>
      %mul3A_1305 = arith.mulf %get3A_394, %mul3A_1304 : vector<8x20xf32>
      %convert_element_type3A_1306 = arith.fptosi %mul3A_1305 : vector<8x20xf32> to vector<8x20xi32>
      %min3A_1307 = arith.constant 51 : i32
      %min3A_1308 = vector.broadcast %min3A_1307 : i32 to vector<8x20xi32>
      %min3A_1309 = arith.minsi %convert_element_type3A_1306, %min3A_1308 : vector<8x20xi32>
      %mul3A_1310 = arith.constant 5.200000e+01 : f32
      %mul3A_1311 = vector.broadcast %mul3A_1310 : f32 to vector<8x20xf32>
      %mul3A_1312 = arith.mulf %get3A_397, %mul3A_1311 : vector<8x20xf32>
      %convert_element_type3A_1313 = arith.fptosi %mul3A_1312 : vector<8x20xf32> to vector<8x20xi32>
      %min3A_1314 = arith.constant 51 : i32
      %min3A_1315 = vector.broadcast %min3A_1314 : i32 to vector<8x20xi32>
      %min3A_1316 = arith.minsi %convert_element_type3A_1313, %min3A_1315 : vector<8x20xi32>
      %mul3A_1317 = arith.constant 52 : i32
      %mul3A_1318 = vector.broadcast %mul3A_1317 : i32 to vector<8x20xi32>
      %mul3A_1319 = arith.muli %min3A_1316, %mul3A_1318 : vector<8x20xi32>
      %add3A_1320 = arith.addi %mul3A_1319, %min3A_1309 : vector<8x20xi32>
      %mul3A_1321 = arith.constant 2704 : i32
      %mul3A_1322 = vector.broadcast %mul3A_1321 : i32 to vector<8x20xi32>
      %mul3A_1323 = arith.muli %select_n3A_1302, %mul3A_1322 : vector<8x20xi32>
      %add3A_1324 = arith.addi %mul3A_1323, %add3A_1320 : vector<8x20xi32>
      %broadcast_in_dim3A_1325 = vector.shape_cast %add3A_1324 : vector<8x20xi32> to vector<8x20x1xi32>
      %broadcast_in_dim3A_1326 = vector.shape_cast %add3A_1324 : vector<8x20xi32> to vector<8x1x20xi32>
      %eq3A_1327 = vector.broadcast %broadcast_in_dim3A_1325 : vector<8x20x1xi32> to vector<8x20x20xi32>
      %eq3A_1328 = vector.broadcast %broadcast_in_dim3A_1326 : vector<8x1x20xi32> to vector<8x20x20xi32>
      %eq3A_1329 = arith.cmpi eq, %eq3A_1327, %eq3A_1328 : vector<8x20x20xi32>
      %and3A_1330 = arith.andi %eq3A_1329, %lt3A_409 : vector<8x20x20xi1>
      %reduce_or3A_1331 = arith.constant 1.000000e+00 : f32
      %reduce_or3A_1332 = arith.constant 0.000000e+00 : f32
      %reduce_or3A_1333 = vector.broadcast %reduce_or3A_1331 : f32 to vector<8x20x20xf32>
      %reduce_or3A_1334 = vector.broadcast %reduce_or3A_1332 : f32 to vector<8x20x20xf32>
      %reduce_or3A_1335 = arith.select %and3A_1330, %reduce_or3A_1333, %reduce_or3A_1334 : vector<8x20x20xi1>, vector<8x20x20xf32>
      %reduce_or3A_1336 = arith.constant dense<0xFF800000> : vector<8x20xf32>
      %reduce_or3A_1337 = vector.multi_reduction <maximumf>, %reduce_or3A_1335, %reduce_or3A_1336 [2] : vector<8x20x20xf32> to vector<8x20xf32>
      %reduce_or3A_1338 = arith.constant 0.000000e+00 : f32
      %reduce_or3A_1339 = vector.broadcast %reduce_or3A_1338 : f32 to vector<8x20xf32>
      %reduce_or3A_1340 = arith.cmpf ogt, %reduce_or3A_1337, %reduce_or3A_1339 : vector<8x20xf32>
      %not3A_1341 = arith.constant dense<true> : vector<8x20xi1>
      %not3A_1342 = arith.xori %reduce_or3A_1340, %not3A_1341 : vector<8x20xi1>
      %and3A_1343 = arith.andi %eq3A_1329, %eq3A_414 : vector<8x20x20xi1>
      %and3A_1344 = arith.andi %and3A_1343, %lt3A_409 : vector<8x20x20xi1>
      %reduce_or3A_1345 = arith.constant 1.000000e+00 : f32
      %reduce_or3A_1346 = arith.constant 0.000000e+00 : f32
      %reduce_or3A_1347 = vector.broadcast %reduce_or3A_1345 : f32 to vector<8x20x20xf32>
      %reduce_or3A_1348 = vector.broadcast %reduce_or3A_1346 : f32 to vector<8x20x20xf32>
      %reduce_or3A_1349 = arith.select %and3A_1344, %reduce_or3A_1347, %reduce_or3A_1348 : vector<8x20x20xi1>, vector<8x20x20xf32>
      %reduce_or3A_1350 = arith.constant dense<0xFF800000> : vector<8x20xf32>
      %reduce_or3A_1351 = vector.multi_reduction <maximumf>, %reduce_or3A_1349, %reduce_or3A_1350 [2] : vector<8x20x20xf32> to vector<8x20xf32>
      %reduce_or3A_1352 = arith.constant 0.000000e+00 : f32
      %reduce_or3A_1353 = vector.broadcast %reduce_or3A_1352 : f32 to vector<8x20xf32>
      %reduce_or3A_1354 = arith.cmpf ogt, %reduce_or3A_1351, %reduce_or3A_1353 : vector<8x20xf32>
      %not3A_1355 = arith.constant dense<true> : vector<8x20xi1>
      %not3A_1356 = arith.xori %reduce_or3A_1354, %not3A_1355 : vector<8x20xi1>
      %broadcast_in_dim3A_1357 = vector.shape_cast %add3A_1320 : vector<8x20xi32> to vector<8x20x1xi32>
      %broadcast_in_dim3A_1358 = vector.shape_cast %add3A_1320 : vector<8x20xi32> to vector<8x1x20xi32>
      %eq3A_1359 = vector.broadcast %broadcast_in_dim3A_1357 : vector<8x20x1xi32> to vector<8x20x20xi32>
      %eq3A_1360 = vector.broadcast %broadcast_in_dim3A_1358 : vector<8x1x20xi32> to vector<8x20x20xi32>
      %eq3A_1361 = arith.cmpi eq, %eq3A_1359, %eq3A_1360 : vector<8x20x20xi32>
      %eq3A_1362 = arith.constant 1 : i32
      %eq3A_1363 = vector.broadcast %eq3A_1362 : i32 to vector<8x20xi32>
      %eq3A_1364 = arith.cmpi eq, %select_n3A_1302, %eq3A_1363 : vector<8x20xi32>
      %jit3A_1365 = arith.constant 0.0817307681 : f32
      %jit3A_1366 = arith.constant 0.0336538479 : f32
      %broadcast_in_dim3A_1367 = vector.broadcast %jit3A_1365 : f32 to vector<8x20xf32>
      %broadcast_in_dim3A_1368 = vector.broadcast %jit3A_1366 : f32 to vector<8x20xf32>
      %select_n3A_1369 = arith.select %eq3A_1364, %broadcast_in_dim3A_1367, %broadcast_in_dim3A_1368 : vector<8x20xi1>, vector<8x20xf32>
      %eq3A_1370 = arith.constant 2 : i32
      %eq3A_1371 = vector.broadcast %eq3A_1370 : i32 to vector<8x20xi32>
      %eq3A_1372 = arith.cmpi eq, %select_n3A_1302, %eq3A_1371 : vector<8x20xi32>
      %jit3A_1373 = arith.constant 0.12740384 : f32
      %broadcast_in_dim3A_1374 = vector.broadcast %jit3A_1373 : f32 to vector<8x20xf32>
      %select_n3A_1375 = arith.select %eq3A_1372, %broadcast_in_dim3A_1374, %select_n3A_1369 : vector<8x20xi1>, vector<8x20xf32>
      %eq3A_1376 = arith.constant 1 : i32
      %eq3A_1377 = vector.broadcast %eq3A_1376 : i32 to vector<8x20xi32>
      %eq3A_1378 = arith.cmpi eq, %select_n3A_1302, %eq3A_1377 : vector<8x20xi32>
      %jit3A_1379 = arith.constant 0.0985576957 : f32
      %jit3A_1380 = arith.constant 0.0432692319 : f32
      %broadcast_in_dim3A_1381 = vector.broadcast %jit3A_1379 : f32 to vector<8x20xf32>
      %broadcast_in_dim3A_1382 = vector.broadcast %jit3A_1380 : f32 to vector<8x20xf32>
      %select_n3A_1383 = arith.select %eq3A_1378, %broadcast_in_dim3A_1381, %broadcast_in_dim3A_1382 : vector<8x20xi1>, vector<8x20xf32>
      %eq3A_1384 = arith.constant 2 : i32
      %eq3A_1385 = vector.broadcast %eq3A_1384 : i32 to vector<8x20xi32>
      %eq3A_1386 = arith.cmpi eq, %select_n3A_1302, %eq3A_1385 : vector<8x20xi32>
      %jit3A_1387 = arith.constant 0.211538464 : f32
      %broadcast_in_dim3A_1388 = vector.broadcast %jit3A_1387 : f32 to vector<8x20xf32>
      %select_n3A_1389 = arith.select %eq3A_1386, %broadcast_in_dim3A_1388, %select_n3A_1383 : vector<8x20xi1>, vector<8x20xf32>
      %mul3A_1390 = arith.constant 5.200000e+01 : f32
      %mul3A_1391 = vector.broadcast %mul3A_1390 : f32 to vector<8x20xf32>
      %mul3A_1392 = arith.mulf %get3A_394, %mul3A_1391 : vector<8x20xf32>
      %convert_element_type3A_1393 = arith.sitofp %min3A_1309 : vector<8x20xi32> to vector<8x20xf32>
      %sub3A_1394 = arith.subf %mul3A_1392, %convert_element_type3A_1393 : vector<8x20xf32>
      %swap3A_1395 = arith.constant 2 : index
      %swap3A_1396 = arith.constant 0 : index
      %swap3A_1397 = arith.constant 0 : index
      %swap3A_1398 = vector.load %arg22[%swap3A_1395, %swap3A_1396, %swap3A_1397] : memref<3x8x20xf32, #tpu.memory_space<vmem>>, vector<1x8x20xf32>
      %swap3A_1399 = vector.shape_cast %swap3A_1398 : vector<1x8x20xf32> to vector<8x20xf32>
      %swap3A_1400 = vector.shape_cast %sub3A_1394 : vector<8x20xf32> to vector<1x8x20xf32>
      tpu.vector_store %arg22[%swap3A_1395, %swap3A_1396, %swap3A_1397], %swap3A_1400 {strides = array<i32>} : memref<3x8x20xf32, #tpu.memory_space<vmem>>, vector<1x8x20xf32>,
      %mul3A_1401 = arith.constant 5.200000e+01 : f32
      %mul3A_1402 = vector.broadcast %mul3A_1401 : f32 to vector<8x20xf32>
      %mul3A_1403 = arith.mulf %get3A_397, %mul3A_1402 : vector<8x20xf32>
      %convert_element_type3A_1404 = arith.sitofp %min3A_1316 : vector<8x20xi32> to vector<8x20xf32>
      %sub3A_1405 = arith.subf %mul3A_1403, %convert_element_type3A_1404 : vector<8x20xf32>
      %swap3A_1406 = arith.constant 2 : index
      %swap3A_1407 = arith.constant 0 : index
      %swap3A_1408 = arith.constant 0 : index
      %swap3A_1409 = vector.load %arg23[%swap3A_1406, %swap3A_1407, %swap3A_1408] : memref<3x8x20xf32, #tpu.memory_space<vmem>>, vector<1x8x20xf32>
      %swap3A_1410 = vector.shape_cast %swap3A_1409 : vector<1x8x20xf32> to vector<8x20xf32>
      %swap3A_1411 = vector.shape_cast %sub3A_1405 : vector<8x20xf32> to vector<1x8x20xf32>
      tpu.vector_store %arg23[%swap3A_1406, %swap3A_1407, %swap3A_1408], %swap3A_1411 {strides = array<i32>} : memref<3x8x20xf32, #tpu.memory_space<vmem>>, vector<1x8x20xf32>,
      %div3A_1412 = arith.divf %get3A_400, %select_n3A_1375 : vector<8x20xf32>
      %log3A_1413 = math.log %div3A_1412 : vector<8x20xf32>
      %swap3A_1414 = arith.constant 2 : index
      %swap3A_1415 = arith.constant 0 : index
      %swap3A_1416 = arith.constant 0 : index
      %swap3A_1417 = vector.load %arg24[%swap3A_1414, %swap3A_1415, %swap3A_1416] : memref<3x8x20xf32, #tpu.memory_space<vmem>>, vector<1x8x20xf32>
      %swap3A_1418 = vector.shape_cast %swap3A_1417 : vector<1x8x20xf32> to vector<8x20xf32>
      %swap3A_1419 = vector.shape_cast %log3A_1413 : vector<8x20xf32> to vector<1x8x20xf32>
      tpu.vector_store %arg24[%swap3A_1414, %swap3A_1415, %swap3A_1416], %swap3A_1419 {strides = array<i32>} : memref<3x8x20xf32, #tpu.memory_space<vmem>>, vector<1x8x20xf32>,
      %div3A_1420 = arith.divf %get3A_403, %select_n3A_1389 : vector<8x20xf32>
      %log3A_1421 = math.log %div3A_1420 : vector<8x20xf32>
      %swap3A_1422 = arith.constant 2 : index
      %swap3A_1423 = arith.constant 0 : index
      %swap3A_1424 = arith.constant 0 : index
      %swap3A_1425 = vector.load %arg25[%swap3A_1422, %swap3A_1423, %swap3A_1424] : memref<3x8x20xf32, #tpu.memory_space<vmem>>, vector<1x8x20xf32>
      %swap3A_1426 = vector.shape_cast %swap3A_1425 : vector<1x8x20xf32> to vector<8x20xf32>
      %swap3A_1427 = vector.shape_cast %log3A_1421 : vector<8x20xf32> to vector<1x8x20xf32>
      tpu.vector_store %arg25[%swap3A_1422, %swap3A_1423, %swap3A_1424], %swap3A_1427 {strides = array<i32>} : memref<3x8x20xf32, #tpu.memory_space<vmem>>, vector<1x8x20xf32>,
      %convert_element_type3A_1428 = arith.extui %not3A_1342 : vector<8x20xi1> to vector<8x20xi32>
      %convert_element_type3A_1429 = arith.sitofp %convert_element_type3A_1428 : vector<8x20xi32> to vector<8x20xf32>
      %swap3A_1430 = arith.constant 2 : index
      %swap3A_1431 = arith.constant 0 : index
      %swap3A_1432 = arith.constant 0 : index
      %swap3A_1433 = vector.load %arg17[%swap3A_1430, %swap3A_1431, %swap3A_1432] : memref<3x8x20xf32, #tpu.memory_space<vmem>>, vector<1x8x20xf32>
      %swap3A_1434 = vector.shape_cast %swap3A_1433 : vector<1x8x20xf32> to vector<8x20xf32>
      %swap3A_1435 = vector.shape_cast %convert_element_type3A_1429 : vector<8x20xf32> to vector<1x8x20xf32>
      tpu.vector_store %arg17[%swap3A_1430, %swap3A_1431, %swap3A_1432], %swap3A_1435 {strides = array<i32>} : memref<3x8x20xf32, #tpu.memory_space<vmem>>, vector<1x8x20xf32>,
      %convert_element_type3A_1436 = arith.extui %not3A_1356 : vector<8x20xi1> to vector<8x20xi32>
      %convert_element_type3A_1437 = arith.sitofp %convert_element_type3A_1436 : vector<8x20xi32> to vector<8x20xf32>
      %swap3A_1438 = arith.constant 2 : index
      %swap3A_1439 = arith.constant 0 : index
      %swap3A_1440 = arith.constant 0 : index
      %swap3A_1441 = vector.load %arg18[%swap3A_1438, %swap3A_1439, %swap3A_1440] : memref<3x8x20xf32, #tpu.memory_space<vmem>>, vector<1x8x20xf32>
      %swap3A_1442 = vector.shape_cast %swap3A_1441 : vector<1x8x20xf32> to vector<8x20xf32>
      %swap3A_1443 = vector.shape_cast %convert_element_type3A_1437 : vector<8x20xf32> to vector<1x8x20xf32>
      tpu.vector_store %arg18[%swap3A_1438, %swap3A_1439, %swap3A_1440], %swap3A_1443 {strides = array<i32>} : memref<3x8x20xf32, #tpu.memory_space<vmem>>, vector<1x8x20xf32>,
      %swap3A_1444 = arith.constant 2 : index
      %swap3A_1445 = arith.constant 0 : index
      %swap3A_1446 = arith.constant 0 : index
      %swap3A_1447 = vector.load %arg20[%swap3A_1444, %swap3A_1445, %swap3A_1446] : memref<3x8x20xi32, #tpu.memory_space<vmem>>, vector<1x8x20xi32>
      %swap3A_1448 = vector.shape_cast %swap3A_1447 : vector<1x8x20xi32> to vector<8x20xi32>
      %swap3A_1449 = vector.shape_cast %select_n3A_1302 : vector<8x20xi32> to vector<1x8x20xi32>
      tpu.vector_store %arg20[%swap3A_1444, %swap3A_1445, %swap3A_1446], %swap3A_1449 {strides = array<i32>} : memref<3x8x20xi32, #tpu.memory_space<vmem>>, vector<1x8x20xi32>,
      %mul3A_1450 = arith.constant 16 : i32
      %mul3A_1451 = vector.broadcast %mul3A_1450 : i32 to vector<8x20xi32>
      %mul3A_1452 = arith.muli %add3A_1320, %mul3A_1451 : vector<8x20xi32>
      %add3A_1453 = arith.addi %mul3A_1452, %iota3A : vector<8x20xi32>
      %swap3A_1454 = arith.constant 2 : index
      %swap3A_1455 = arith.constant 0 : index
      %swap3A_1456 = arith.constant 0 : index
      %swap3A_1457 = vector.load %arg14[%swap3A_1454, %swap3A_1455, %swap3A_1456] : memref<3x8x20xi32, #tpu.memory_space<vmem>>, vector<1x8x20xi32>
      %swap3A_1458 = vector.shape_cast %swap3A_1457 : vector<1x8x20xi32> to vector<8x20xi32>
      %swap3A_1459 = vector.shape_cast %add3A_1453 : vector<8x20xi32> to vector<1x8x20xi32>
      tpu.vector_store %arg14[%swap3A_1454, %swap3A_1455, %swap3A_1456], %swap3A_1459 {strides = array<i32>} : memref<3x8x20xi32, #tpu.memory_space<vmem>>, vector<1x8x20xi32>,
      %mul3A_1460 = arith.constant 85 : i32
      %mul3A_1461 = vector.broadcast %mul3A_1460 : i32 to vector<8x20xi32>
      %mul3A_1462 = arith.muli %mul3A_1461, %select_n3A_1302 : vector<8x20xi32>
      %add3A_1463 = arith.constant 5 : i32
      %add3A_1464 = vector.broadcast %add3A_1463 : i32 to vector<8x20xi32>
      %add3A_1465 = arith.addi %mul3A_1462, %add3A_1464 : vector<8x20xi32>
      %add3A_1466 = arith.addi %add3A_1465, %get3A_406 : vector<8x20xi32>
      %jit3A_1467 = arith.constant 128 : i32
      %div3A_1468 = vector.broadcast %jit3A_1467 : i32 to vector<8x20xi32>
      %div3A_1469 = arith.divsi %add3A_1466, %div3A_1468 : vector<8x20xi32>
      %sign3A_1470 = arith.constant 0 : i32
      %sign3A_1471 = vector.broadcast %sign3A_1470 : i32 to vector<8x20xi32>
      %sign3A_1472 = arith.cmpi sgt, %add3A_1466, %sign3A_1471 : vector<8x20xi32>
      %sign3A_1473 = arith.extui %sign3A_1472 : vector<8x20xi1> to vector<8x20xi32>
      %sign3A_1474 = arith.constant 0 : i32
      %sign3A_1475 = vector.broadcast %sign3A_1474 : i32 to vector<8x20xi32>
      %sign3A_1476 = arith.cmpi slt, %add3A_1466, %sign3A_1475 : vector<8x20xi32>
      %sign3A_1477 = arith.extui %sign3A_1476 : vector<8x20xi1> to vector<8x20xi32>
      %sign3A_1478 = arith.subi %sign3A_1473, %sign3A_1477 : vector<8x20xi32>
      %sign3A_1479 = arith.constant 0 : i32
      %sign3A_1480 = arith.cmpi sgt, %jit3A_1467, %sign3A_1479 : i32
      %sign3A_1481 = arith.extui %sign3A_1480 : i1 to i32
      %sign3A_1482 = arith.constant 0 : i32
      %sign3A_1483 = arith.cmpi slt, %jit3A_1467, %sign3A_1482 : i32
      %sign3A_1484 = arith.extui %sign3A_1483 : i1 to i32
      %sign3A_1485 = arith.subi %sign3A_1481, %sign3A_1484 : i32
      %ne3A_1486 = vector.broadcast %sign3A_1485 : i32 to vector<8x20xi32>
      %ne3A_1487 = arith.cmpi ne, %sign3A_1478, %ne3A_1486 : vector<8x20xi32>
      %rem3A_1488 = vector.broadcast %jit3A_1467 : i32 to vector<8x20xi32>
      %rem3A_1489 = arith.remsi %add3A_1466, %rem3A_1488 : vector<8x20xi32>
      %ne3A_1490 = arith.constant 0 : i32
      %ne3A_1491 = vector.broadcast %ne3A_1490 : i32 to vector<8x20xi32>
      %ne3A_1492 = arith.cmpi ne, %rem3A_1489, %ne3A_1491 : vector<8x20xi32>
      %and3A_1493 = arith.andi %ne3A_1487, %ne3A_1492 : vector<8x20xi1>
      %sub3A_1494 = arith.constant 1 : i32
      %sub3A_1495 = vector.broadcast %sub3A_1494 : i32 to vector<8x20xi32>
      %sub3A_1496 = arith.subi %div3A_1469, %sub3A_1495 : vector<8x20xi32>
      %select_n3A_1497 = arith.select %and3A_1493, %sub3A_1496, %div3A_1469 : vector<8x20xi1>, vector<8x20xi32>
      %mul3A_1498 = arith.constant 8 : i32
      %mul3A_1499 = vector.broadcast %mul3A_1498 : i32 to vector<8x20xi32>
      %mul3A_1500 = arith.muli %mul3A_1499, %select_n3A_1497 : vector<8x20xi32>
      %add3A_1501 = arith.addi %add3A_1453, %mul3A_1500 : vector<8x20xi32>
      %swap3A_1502 = arith.constant 2 : index
      %swap3A_1503 = arith.constant 0 : index
      %swap3A_1504 = arith.constant 0 : index
      %swap3A_1505 = vector.load %arg16[%swap3A_1502, %swap3A_1503, %swap3A_1504] : memref<3x8x20xi32, #tpu.memory_space<vmem>>, vector<1x8x20xi32>
      %swap3A_1506 = vector.shape_cast %swap3A_1505 : vector<1x8x20xi32> to vector<8x20xi32>
      %swap3A_1507 = vector.shape_cast %add3A_1501 : vector<8x20xi32> to vector<1x8x20xi32>
      tpu.vector_store %arg16[%swap3A_1502, %swap3A_1503, %swap3A_1504], %swap3A_1507 {strides = array<i32>} : memref<3x8x20xi32, #tpu.memory_space<vmem>>, vector<1x8x20xi32>,
      %jit3A_1508 = arith.constant 128 : i32
      %eq3A_1509 = arith.constant 0 : i32
      %eq3A_1510 = arith.cmpi eq, %jit3A_1508, %eq3A_1509 : i32
      %jit3A_1511 = arith.constant 1 : i32
      %select_n3A_1512 = arith.select %eq3A_1510, %jit3A_1511, %jit3A_1508 : i32
      %rem3A_1513 = vector.broadcast %select_n3A_1512 : i32 to vector<8x20xi32>
      %rem3A_1514 = arith.remsi %add3A_1466, %rem3A_1513 : vector<8x20xi32>
      %ne3A_1515 = arith.constant 0 : i32
      %ne3A_1516 = vector.broadcast %ne3A_1515 : i32 to vector<8x20xi32>
      %ne3A_1517 = arith.cmpi ne, %rem3A_1514, %ne3A_1516 : vector<8x20xi32>
      %lt3A_1518 = arith.constant 0 : i32
      %lt3A_1519 = vector.broadcast %lt3A_1518 : i32 to vector<8x20xi32>
      %lt3A_1520 = arith.cmpi slt, %rem3A_1514, %lt3A_1519 : vector<8x20xi32>
      %lt3A_1521 = arith.constant 0 : i32
      %lt3A_1522 = arith.cmpi slt, %select_n3A_1512, %lt3A_1521 : i32
      %ne3A_1523 = vector.broadcast %lt3A_1522 : i1 to vector<8x20xi1>
      %ne3A_1524 = vector.broadcast %ne3A_1523 : vector<8x20xi1> to vector<8x20xi1>
      %ne3A_1525 = arith.xori %lt3A_1520, %ne3A_1524 : vector<8x20xi1>
      %and3A_1526 = arith.andi %ne3A_1525, %ne3A_1517 : vector<8x20xi1>
      %add3A_1527 = vector.broadcast %select_n3A_1512 : i32 to vector<8x20xi32>
      %add3A_1528 = arith.addi %rem3A_1514, %add3A_1527 : vector<8x20xi32>
      %select_n3A_1529 = arith.select %and3A_1526, %add3A_1528, %rem3A_1514 : vector<8x20xi1>, vector<8x20xi32>
      %swap3A_1530 = arith.constant 2 : index
      %swap3A_1531 = arith.constant 0 : index
      %swap3A_1532 = arith.constant 0 : index
      %swap3A_1533 = vector.load %arg21[%swap3A_1530, %swap3A_1531, %swap3A_1532] : memref<3x8x20xi32, #tpu.memory_space<vmem>>, vector<1x8x20xi32>
      %swap3A_1534 = vector.shape_cast %swap3A_1533 : vector<1x8x20xi32> to vector<8x20xi32>
      %swap3A_1535 = vector.shape_cast %select_n3A_1529 : vector<8x20xi32> to vector<1x8x20xi32>
      tpu.vector_store %arg21[%swap3A_1530, %swap3A_1531, %swap3A_1532], %swap3A_1535 {strides = array<i32>} : memref<3x8x20xi32, #tpu.memory_space<vmem>>, vector<1x8x20xi32>,
      %gt3A_1536 = arith.constant 5.000000e-01 : f32
      %gt3A_1537 = vector.broadcast %gt3A_1536 : f32 to vector<8x20xf32>
      %gt3A_1538 = arith.cmpf ogt, %get3A_1279, %gt3A_1537 : vector<8x20xf32>
      %and3A_1539 = arith.andi %eq3A_1361, %lt3A_409 : vector<8x20x20xi1>
      %broadcast_in_dim3A_1540 = vector.shape_cast %gt3A_1538 : vector<8x20xi1> to vector<8x1x20xi1>
      %and3A_1541 = vector.broadcast %broadcast_in_dim3A_1540 : vector<8x1x20xi1> to vector<8x20x20xi1>
      %and3A_1542 = arith.andi %and3A_1539, %and3A_1541 : vector<8x20x20xi1>
      %reduce_or3A_1543 = arith.constant 1.000000e+00 : f32
      %reduce_or3A_1544 = arith.constant 0.000000e+00 : f32
      %reduce_or3A_1545 = vector.broadcast %reduce_or3A_1543 : f32 to vector<8x20x20xf32>
      %reduce_or3A_1546 = vector.broadcast %reduce_or3A_1544 : f32 to vector<8x20x20xf32>
      %reduce_or3A_1547 = arith.select %and3A_1542, %reduce_or3A_1545, %reduce_or3A_1546 : vector<8x20x20xi1>, vector<8x20x20xf32>
      %reduce_or3A_1548 = arith.constant dense<0xFF800000> : vector<8x20xf32>
      %reduce_or3A_1549 = vector.multi_reduction <maximumf>, %reduce_or3A_1547, %reduce_or3A_1548 [2] : vector<8x20x20xf32> to vector<8x20xf32>
      %reduce_or3A_1550 = arith.constant 0.000000e+00 : f32
      %reduce_or3A_1551 = vector.broadcast %reduce_or3A_1550 : f32 to vector<8x20xf32>
      %reduce_or3A_1552 = arith.cmpf ogt, %reduce_or3A_1549, %reduce_or3A_1551 : vector<8x20xf32>
      %broadcast_in_dim3A_1553 = vector.shape_cast %select_n3A_1302 : vector<8x20xi32> to vector<8x1x20xi32>
      %eq3A_1554 = arith.constant 0 : i32
      %eq3A_1555 = vector.broadcast %eq3A_1554 : i32 to vector<8x1x20xi32>
      %eq3A_1556 = arith.cmpi eq, %broadcast_in_dim3A_1553, %eq3A_1555 : vector<8x1x20xi32>
      %and3A_1557 = vector.broadcast %eq3A_1556 : vector<8x1x20xi1> to vector<8x20x20xi1>
      %and3A_1558 = arith.andi %eq3A_1361, %and3A_1557 : vector<8x20x20xi1>
      %reduce_or3A_1559 = arith.constant 1.000000e+00 : f32
      %reduce_or3A_1560 = arith.constant 0.000000e+00 : f32
      %reduce_or3A_1561 = vector.broadcast %reduce_or3A_1559 : f32 to vector<8x20x20xf32>
      %reduce_or3A_1562 = vector.broadcast %reduce_or3A_1560 : f32 to vector<8x20x20xf32>
      %reduce_or3A_1563 = arith.select %and3A_1558, %reduce_or3A_1561, %reduce_or3A_1562 : vector<8x20x20xi1>, vector<8x20x20xf32>
      %reduce_or3A_1564 = arith.constant dense<0xFF800000> : vector<8x20xf32>
      %reduce_or3A_1565 = vector.multi_reduction <maximumf>, %reduce_or3A_1563, %reduce_or3A_1564 [2] : vector<8x20x20xf32> to vector<8x20xf32>
      %reduce_or3A_1566 = arith.constant 0.000000e+00 : f32
      %reduce_or3A_1567 = vector.broadcast %reduce_or3A_1566 : f32 to vector<8x20xf32>
      %reduce_or3A_1568 = arith.cmpf ogt, %reduce_or3A_1565, %reduce_or3A_1567 : vector<8x20xf32>
      %not3A_1569 = arith.constant dense<true> : vector<8x20xi1>
      %not3A_1570 = arith.xori %reduce_or3A_1552, %not3A_1569 : vector<8x20xi1>
      %and3A_1571 = arith.andi %gt3A_1538, %not3A_1570 : vector<8x20xi1>
      %not3A_1572 = arith.constant dense<true> : vector<8x20xi1>
      %not3A_1573 = arith.xori %reduce_or3A_1568, %not3A_1572 : vector<8x20xi1>
      %and3A_1574 = arith.andi %and3A_1571, %not3A_1573 : vector<8x20xi1>
      %convert_element_type3A_1575 = arith.extui %and3A_1574 : vector<8x20xi1> to vector<8x20xi32>
      %convert_element_type3A_1576 = arith.sitofp %convert_element_type3A_1575 : vector<8x20xi32> to vector<8x20xf32>
      %swap3A_1577 = arith.constant 2 : index
      %swap3A_1578 = arith.constant 0 : index
      %swap3A_1579 = arith.constant 0 : index
      %swap3A_1580 = arith.constant 0 : index
      %swap3A_1581 = vector.load %arg19[%swap3A_1577, %swap3A_1578, %swap3A_1579, %swap3A_1580] : memref<3x3x8x20xf32, #tpu.memory_space<vmem>>, vector<1x1x8x20xf32>
      %swap3A_1582 = vector.shape_cast %swap3A_1581 : vector<1x1x8x20xf32> to vector<8x20xf32>
      %swap3A_1583 = vector.shape_cast %convert_element_type3A_1576 : vector<8x20xf32> to vector<1x1x8x20xf32>
      tpu.vector_store %arg19[%swap3A_1577, %swap3A_1578, %swap3A_1579, %swap3A_1580], %swap3A_1583 {strides = array<i32>} : memref<3x3x8x20xf32, #tpu.memory_space<vmem>>, vector<1x1x8x20xf32>,
      %add3A_1584 = arith.constant 0 : i32
      %add3A_1585 = vector.broadcast %add3A_1584 : i32 to vector<8x20xi32>
      %add3A_1586 = arith.addi %add3A_1453, %add3A_1585 : vector<8x20xi32>
      %swap3A_1587 = arith.constant 2 : index
      %swap3A_1588 = arith.constant 0 : index
      %swap3A_1589 = arith.constant 0 : index
      %swap3A_1590 = arith.constant 0 : index
      %swap3A_1591 = vector.load %arg15[%swap3A_1587, %swap3A_1588, %swap3A_1589, %swap3A_1590] : memref<3x3x8x20xi32, #tpu.memory_space<vmem>>, vector<1x1x8x20xi32>
      %swap3A_1592 = vector.shape_cast %swap3A_1591 : vector<1x1x8x20xi32> to vector<8x20xi32>
      %swap3A_1593 = vector.shape_cast %add3A_1586 : vector<8x20xi32> to vector<1x1x8x20xi32>
      tpu.vector_store %arg15[%swap3A_1587, %swap3A_1588, %swap3A_1589, %swap3A_1590], %swap3A_1593 {strides = array<i32>} : memref<3x3x8x20xi32, #tpu.memory_space<vmem>>, vector<1x1x8x20xi32>,
      %gt3A_1594 = arith.constant 5.000000e-01 : f32
      %gt3A_1595 = vector.broadcast %gt3A_1594 : f32 to vector<8x20xf32>
      %gt3A_1596 = arith.cmpf ogt, %get3A_1285, %gt3A_1595 : vector<8x20xf32>
      %and3A_1597 = arith.andi %eq3A_1361, %lt3A_409 : vector<8x20x20xi1>
      %broadcast_in_dim3A_1598 = vector.shape_cast %gt3A_1596 : vector<8x20xi1> to vector<8x1x20xi1>
      %and3A_1599 = vector.broadcast %broadcast_in_dim3A_1598 : vector<8x1x20xi1> to vector<8x20x20xi1>
      %and3A_1600 = arith.andi %and3A_1597, %and3A_1599 : vector<8x20x20xi1>
      %reduce_or3A_1601 = arith.constant 1.000000e+00 : f32
      %reduce_or3A_1602 = arith.constant 0.000000e+00 : f32
      %reduce_or3A_1603 = vector.broadcast %reduce_or3A_1601 : f32 to vector<8x20x20xf32>
      %reduce_or3A_1604 = vector.broadcast %reduce_or3A_1602 : f32 to vector<8x20x20xf32>
      %reduce_or3A_1605 = arith.select %and3A_1600, %reduce_or3A_1603, %reduce_or3A_1604 : vector<8x20x20xi1>, vector<8x20x20xf32>
      %reduce_or3A_1606 = arith.constant dense<0xFF800000> : vector<8x20xf32>
      %reduce_or3A_1607 = vector.multi_reduction <maximumf>, %reduce_or3A_1605, %reduce_or3A_1606 [2] : vector<8x20x20xf32> to vector<8x20xf32>
      %reduce_or3A_1608 = arith.constant 0.000000e+00 : f32
      %reduce_or3A_1609 = vector.broadcast %reduce_or3A_1608 : f32 to vector<8x20xf32>
      %reduce_or3A_1610 = arith.cmpf ogt, %reduce_or3A_1607, %reduce_or3A_1609 : vector<8x20xf32>
      %broadcast_in_dim3A_1611 = vector.shape_cast %select_n3A_1302 : vector<8x20xi32> to vector<8x1x20xi32>
      %eq3A_1612 = arith.constant 1 : i32
      %eq3A_1613 = vector.broadcast %eq3A_1612 : i32 to vector<8x1x20xi32>
      %eq3A_1614 = arith.cmpi eq, %broadcast_in_dim3A_1611, %eq3A_1613 : vector<8x1x20xi32>
      %and3A_1615 = vector.broadcast %eq3A_1614 : vector<8x1x20xi1> to vector<8x20x20xi1>
      %and3A_1616 = arith.andi %eq3A_1361, %and3A_1615 : vector<8x20x20xi1>
      %reduce_or3A_1617 = arith.constant 1.000000e+00 : f32
      %reduce_or3A_1618 = arith.constant 0.000000e+00 : f32
      %reduce_or3A_1619 = vector.broadcast %reduce_or3A_1617 : f32 to vector<8x20x20xf32>
      %reduce_or3A_1620 = vector.broadcast %reduce_or3A_1618 : f32 to vector<8x20x20xf32>
      %reduce_or3A_1621 = arith.select %and3A_1616, %reduce_or3A_1619, %reduce_or3A_1620 : vector<8x20x20xi1>, vector<8x20x20xf32>
      %reduce_or3A_1622 = arith.constant dense<0xFF800000> : vector<8x20xf32>
      %reduce_or3A_1623 = vector.multi_reduction <maximumf>, %reduce_or3A_1621, %reduce_or3A_1622 [2] : vector<8x20x20xf32> to vector<8x20xf32>
      %reduce_or3A_1624 = arith.constant 0.000000e+00 : f32
      %reduce_or3A_1625 = vector.broadcast %reduce_or3A_1624 : f32 to vector<8x20xf32>
      %reduce_or3A_1626 = arith.cmpf ogt, %reduce_or3A_1623, %reduce_or3A_1625 : vector<8x20xf32>
      %not3A_1627 = arith.constant dense<true> : vector<8x20xi1>
      %not3A_1628 = arith.xori %reduce_or3A_1610, %not3A_1627 : vector<8x20xi1>
      %and3A_1629 = arith.andi %gt3A_1596, %not3A_1628 : vector<8x20xi1>
      %not3A_1630 = arith.constant dense<true> : vector<8x20xi1>
      %not3A_1631 = arith.xori %reduce_or3A_1626, %not3A_1630 : vector<8x20xi1>
      %and3A_1632 = arith.andi %and3A_1629, %not3A_1631 : vector<8x20xi1>
      %convert_element_type3A_1633 = arith.extui %and3A_1632 : vector<8x20xi1> to vector<8x20xi32>
      %convert_element_type3A_1634 = arith.sitofp %convert_element_type3A_1633 : vector<8x20xi32> to vector<8x20xf32>
      %swap3A_1635 = arith.constant 2 : index
      %swap3A_1636 = arith.constant 1 : index
      %swap3A_1637 = arith.constant 0 : index
      %swap3A_1638 = arith.constant 0 : index
      %swap3A_1639 = vector.load %arg19[%swap3A_1635, %swap3A_1636, %swap3A_1637, %swap3A_1638] : memref<3x3x8x20xf32, #tpu.memory_space<vmem>>, vector<1x1x8x20xf32>
      %swap3A_1640 = vector.shape_cast %swap3A_1639 : vector<1x1x8x20xf32> to vector<8x20xf32>
      %swap3A_1641 = vector.shape_cast %convert_element_type3A_1634 : vector<8x20xf32> to vector<1x1x8x20xf32>
      tpu.vector_store %arg19[%swap3A_1635, %swap3A_1636, %swap3A_1637, %swap3A_1638], %swap3A_1641 {strides = array<i32>} : memref<3x3x8x20xf32, #tpu.memory_space<vmem>>, vector<1x1x8x20xf32>,
      %add3A_1642 = arith.constant 0 : i32
      %add3A_1643 = vector.broadcast %add3A_1642 : i32 to vector<8x20xi32>
      %add3A_1644 = arith.addi %add3A_1453, %add3A_1643 : vector<8x20xi32>
      %swap3A_1645 = arith.constant 2 : index
      %swap3A_1646 = arith.constant 1 : index
      %swap3A_1647 = arith.constant 0 : index
      %swap3A_1648 = arith.constant 0 : index
      %swap3A_1649 = vector.load %arg15[%swap3A_1645, %swap3A_1646, %swap3A_1647, %swap3A_1648] : memref<3x3x8x20xi32, #tpu.memory_space<vmem>>, vector<1x1x8x20xi32>
      %swap3A_1650 = vector.shape_cast %swap3A_1649 : vector<1x1x8x20xi32> to vector<8x20xi32>
      %swap3A_1651 = vector.shape_cast %add3A_1644 : vector<8x20xi32> to vector<1x1x8x20xi32>
      tpu.vector_store %arg15[%swap3A_1645, %swap3A_1646, %swap3A_1647, %swap3A_1648], %swap3A_1651 {strides = array<i32>} : memref<3x3x8x20xi32, #tpu.memory_space<vmem>>, vector<1x1x8x20xi32>,
      %gt3A_1652 = arith.constant 5.000000e-01 : f32
      %gt3A_1653 = vector.broadcast %gt3A_1652 : f32 to vector<8x20xf32>
      %gt3A_1654 = arith.cmpf ogt, %get3A_1291, %gt3A_1653 : vector<8x20xf32>
      %and3A_1655 = arith.andi %eq3A_1361, %lt3A_409 : vector<8x20x20xi1>
      %broadcast_in_dim3A_1656 = vector.shape_cast %gt3A_1654 : vector<8x20xi1> to vector<8x1x20xi1>
      %and3A_1657 = vector.broadcast %broadcast_in_dim3A_1656 : vector<8x1x20xi1> to vector<8x20x20xi1>
      %and3A_1658 = arith.andi %and3A_1655, %and3A_1657 : vector<8x20x20xi1>
      %reduce_or3A_1659 = arith.constant 1.000000e+00 : f32
      %reduce_or3A_1660 = arith.constant 0.000000e+00 : f32
      %reduce_or3A_1661 = vector.broadcast %reduce_or3A_1659 : f32 to vector<8x20x20xf32>
      %reduce_or3A_1662 = vector.broadcast %reduce_or3A_1660 : f32 to vector<8x20x20xf32>
      %reduce_or3A_1663 = arith.select %and3A_1658, %reduce_or3A_1661, %reduce_or3A_1662 : vector<8x20x20xi1>, vector<8x20x20xf32>
      %reduce_or3A_1664 = arith.constant dense<0xFF800000> : vector<8x20xf32>
      %reduce_or3A_1665 = vector.multi_reduction <maximumf>, %reduce_or3A_1663, %reduce_or3A_1664 [2] : vector<8x20x20xf32> to vector<8x20xf32>
      %reduce_or3A_1666 = arith.constant 0.000000e+00 : f32
      %reduce_or3A_1667 = vector.broadcast %reduce_or3A_1666 : f32 to vector<8x20xf32>
      %reduce_or3A_1668 = arith.cmpf ogt, %reduce_or3A_1665, %reduce_or3A_1667 : vector<8x20xf32>
      %broadcast_in_dim3A_1669 = vector.shape_cast %select_n3A_1302 : vector<8x20xi32> to vector<8x1x20xi32>
      %eq3A_1670 = arith.constant 2 : i32
      %eq3A_1671 = vector.broadcast %eq3A_1670 : i32 to vector<8x1x20xi32>
      %eq3A_1672 = arith.cmpi eq, %broadcast_in_dim3A_1669, %eq3A_1671 : vector<8x1x20xi32>
      %and3A_1673 = vector.broadcast %eq3A_1672 : vector<8x1x20xi1> to vector<8x20x20xi1>
      %and3A_1674 = arith.andi %eq3A_1361, %and3A_1673 : vector<8x20x20xi1>
      %reduce_or3A_1675 = arith.constant 1.000000e+00 : f32
      %reduce_or3A_1676 = arith.constant 0.000000e+00 : f32
      %reduce_or3A_1677 = vector.broadcast %reduce_or3A_1675 : f32 to vector<8x20x20xf32>
      %reduce_or3A_1678 = vector.broadcast %reduce_or3A_1676 : f32 to vector<8x20x20xf32>
      %reduce_or3A_1679 = arith.select %and3A_1674, %reduce_or3A_1677, %reduce_or3A_1678 : vector<8x20x20xi1>, vector<8x20x20xf32>
      %reduce_or3A_1680 = arith.constant dense<0xFF800000> : vector<8x20xf32>
      %reduce_or3A_1681 = vector.multi_reduction <maximumf>, %reduce_or3A_1679, %reduce_or3A_1680 [2] : vector<8x20x20xf32> to vector<8x20xf32>
      %reduce_or3A_1682 = arith.constant 0.000000e+00 : f32
      %reduce_or3A_1683 = vector.broadcast %reduce_or3A_1682 : f32 to vector<8x20xf32>
      %reduce_or3A_1684 = arith.cmpf ogt, %reduce_or3A_1681, %reduce_or3A_1683 : vector<8x20xf32>
      %not3A_1685 = arith.constant dense<true> : vector<8x20xi1>
      %not3A_1686 = arith.xori %reduce_or3A_1668, %not3A_1685 : vector<8x20xi1>
      %and3A_1687 = arith.andi %gt3A_1654, %not3A_1686 : vector<8x20xi1>
      %not3A_1688 = arith.constant dense<true> : vector<8x20xi1>
      %not3A_1689 = arith.xori %reduce_or3A_1684, %not3A_1688 : vector<8x20xi1>
      %and3A_1690 = arith.andi %and3A_1687, %not3A_1689 : vector<8x20xi1>
      %convert_element_type3A_1691 = arith.extui %and3A_1690 : vector<8x20xi1> to vector<8x20xi32>
      %convert_element_type3A_1692 = arith.sitofp %convert_element_type3A_1691 : vector<8x20xi32> to vector<8x20xf32>
      %swap3A_1693 = arith.constant 2 : index
      %swap3A_1694 = arith.constant 2 : index
      %swap3A_1695 = arith.constant 0 : index
      %swap3A_1696 = arith.constant 0 : index
      %swap3A_1697 = vector.load %arg19[%swap3A_1693, %swap3A_1694, %swap3A_1695, %swap3A_1696] : memref<3x3x8x20xf32, #tpu.memory_space<vmem>>, vector<1x1x8x20xf32>
      %swap3A_1698 = vector.shape_cast %swap3A_1697 : vector<1x1x8x20xf32> to vector<8x20xf32>
      %swap3A_1699 = vector.shape_cast %convert_element_type3A_1692 : vector<8x20xf32> to vector<1x1x8x20xf32>
      tpu.vector_store %arg19[%swap3A_1693, %swap3A_1694, %swap3A_1695, %swap3A_1696], %swap3A_1699 {strides = array<i32>} : memref<3x3x8x20xf32, #tpu.memory_space<vmem>>, vector<1x1x8x20xf32>,
      %add3A_1700 = arith.constant 8 : i32
      %add3A_1701 = vector.broadcast %add3A_1700 : i32 to vector<8x20xi32>
      %add3A_1702 = arith.addi %add3A_1453, %add3A_1701 : vector<8x20xi32>
      %swap3A_1703 = arith.constant 2 : index
      %swap3A_1704 = arith.constant 2 : index
      %swap3A_1705 = arith.constant 0 : index
      %swap3A_1706 = arith.constant 0 : index
      %swap3A_1707 = vector.load %arg15[%swap3A_1703, %swap3A_1704, %swap3A_1705, %swap3A_1706] : memref<3x3x8x20xi32, #tpu.memory_space<vmem>>, vector<1x1x8x20xi32>
      %swap3A_1708 = vector.shape_cast %swap3A_1707 : vector<1x1x8x20xi32> to vector<8x20xi32>
      %swap3A_1709 = vector.shape_cast %add3A_1702 : vector<8x20xi32> to vector<1x1x8x20xi32>
      tpu.vector_store %arg15[%swap3A_1703, %swap3A_1704, %swap3A_1705, %swap3A_1706], %swap3A_1709 {strides = array<i32>} : memref<3x3x8x20xi32, #tpu.memory_space<vmem>>, vector<1x1x8x20xi32>,
    } else {
    }
    return
  }
  func.func @transform_0(%arg0: i32) -> (i32, i32, i32, i32) {
    %min3A = arith.constant 12 : i32
    %min3A_0 = arith.minsi %arg0, %min3A : i32
    %c0_i32 = arith.constant 0 : i32
    %c0_i32_1 = arith.constant 0 : i32
    %c0_i32_2 = arith.constant 0 : i32
    %c0_i32_3 = arith.constant 0 : i32
    return %min3A_0, %c0_i32, %c0_i32_1, %c0_i32_2 : i32, i32, i32, i32
  }
  func.func @transform_1(%arg0: i32) -> (i32, i32, i32, i32) {
    %c0_i32 = arith.constant 0 : i32
    %c0_i32_0 = arith.constant 0 : i32
    %c0_i32_1 = arith.constant 0 : i32
    %c0_i32_2 = arith.constant 0 : i32
    return %arg0, %c0_i32, %c0_i32_0, %c0_i32_1 : i32, i32, i32, i32
  }
  func.func @transform_2(%arg0: i32) -> (i32, i32, i32, i32) {
    %c0_i32 = arith.constant 0 : i32
    %c0_i32_0 = arith.constant 0 : i32
    %c0_i32_1 = arith.constant 0 : i32
    %c0_i32_2 = arith.constant 0 : i32
    return %arg0, %c0_i32, %c0_i32_0, %c0_i32_1 : i32, i32, i32, i32
  }
  func.func @transform_3(%arg0: i32) -> (i32, i32) {
    %c0_i32 = arith.constant 0 : i32
    %c0_i32_0 = arith.constant 0 : i32
    %c0_i32_1 = arith.constant 0 : i32
    return %c0_i32, %c0_i32_0 : i32, i32
  }
  func.func @transform_4(%arg0: i32) -> (i32, i32) {
    %c0_i32 = arith.constant 0 : i32
    %c0_i32_0 = arith.constant 0 : i32
    %c0_i32_1 = arith.constant 0 : i32
    return %c0_i32, %c0_i32_0 : i32, i32
  }
  func.func @transform_5(%arg0: i32) -> (i32, i32) {
    %c0_i32 = arith.constant 0 : i32
    %c0_i32_0 = arith.constant 0 : i32
    %c0_i32_1 = arith.constant 0 : i32
    return %c0_i32, %c0_i32_0 : i32, i32
  }
  func.func @transform_6(%arg0: i32) -> (i32, i32) {
    %c0_i32 = arith.constant 0 : i32
    %c0_i32_0 = arith.constant 0 : i32
    %c0_i32_1 = arith.constant 0 : i32
    return %c0_i32, %c0_i32_0 : i32, i32
  }
  func.func @transform_7(%arg0: i32) -> (i32, i32) {
    %c0_i32 = arith.constant 0 : i32
    %c0_i32_0 = arith.constant 0 : i32
    %c0_i32_1 = arith.constant 0 : i32
    return %c0_i32, %c0_i32_0 : i32, i32
  }
  func.func @transform_8(%arg0: i32) -> (i32, i32, i32, i32) {
    %c0_i32 = arith.constant 0 : i32
    %c0_i32_0 = arith.constant 0 : i32
    %c0_i32_1 = arith.constant 0 : i32
    %c0_i32_2 = arith.constant 0 : i32
    %c0_i32_3 = arith.constant 0 : i32
    return %c0_i32, %c0_i32_0, %c0_i32_1, %c0_i32_2 : i32, i32, i32, i32
  }
  func.func @transform_9(%arg0: i32) -> (i32, i32) {
    %c0_i32 = arith.constant 0 : i32
    %c0_i32_0 = arith.constant 0 : i32
    %c0_i32_1 = arith.constant 0 : i32
    return %c0_i32, %c0_i32_0 : i32, i32
  }
  func.func @transform_10(%arg0: i32) -> (i32, i32, i32, i32) {
    %min3A = arith.constant 12 : i32
    %min3A_0 = arith.minsi %arg0, %min3A : i32
    %c0_i32 = arith.constant 0 : i32
    %c0_i32_1 = arith.constant 0 : i32
    %c0_i32_2 = arith.constant 0 : i32
    %c0_i32_3 = arith.constant 0 : i32
    return %min3A_0, %c0_i32, %c0_i32_1, %c0_i32_2 : i32, i32, i32, i32
  }
  func.func @transform_11(%arg0: i32) -> (i32, i32, i32, i32) {
    %c0_i32 = arith.constant 0 : i32
    %c0_i32_0 = arith.constant 0 : i32
    %c0_i32_1 = arith.constant 0 : i32
    %c0_i32_2 = arith.constant 0 : i32
    return %arg0, %c0_i32, %c0_i32_0, %c0_i32_1 : i32, i32, i32, i32
  }
  func.func @transform_12(%arg0: i32) -> (i32, i32, i32, i32) {
    %c0_i32 = arith.constant 0 : i32
    %c0_i32_0 = arith.constant 0 : i32
    %c0_i32_1 = arith.constant 0 : i32
    %c0_i32_2 = arith.constant 0 : i32
    return %arg0, %c0_i32, %c0_i32_0, %c0_i32_1 : i32, i32, i32, i32
  }
  func.func @transform_13(%arg0: i32) -> (i32, i32, i32) {
    %c0_i32 = arith.constant 0 : i32
    %c0_i32_0 = arith.constant 0 : i32
    %c0_i32_1 = arith.constant 0 : i32
    %c0_i32_2 = arith.constant 0 : i32
    return %c0_i32, %c0_i32_0, %c0_i32_1 : i32, i32, i32
  }
  func.func @transform_14(%arg0: i32) -> (i32, i32, i32, i32) {
    %c0_i32 = arith.constant 0 : i32
    %c0_i32_0 = arith.constant 0 : i32
    %c0_i32_1 = arith.constant 0 : i32
    %c0_i32_2 = arith.constant 0 : i32
    %c0_i32_3 = arith.constant 0 : i32
    return %c0_i32, %c0_i32_0, %c0_i32_1, %c0_i32_2 : i32, i32, i32, i32
  }
  func.func @transform_15(%arg0: i32) -> (i32, i32, i32) {
    %c0_i32 = arith.constant 0 : i32
    %c0_i32_0 = arith.constant 0 : i32
    %c0_i32_1 = arith.constant 0 : i32
    %c0_i32_2 = arith.constant 0 : i32
    return %c0_i32, %c0_i32_0, %c0_i32_1 : i32, i32, i32
  }
  func.func @transform_16(%arg0: i32) -> (i32, i32, i32) {
    %c0_i32 = arith.constant 0 : i32
    %c0_i32_0 = arith.constant 0 : i32
    %c0_i32_1 = arith.constant 0 : i32
    %c0_i32_2 = arith.constant 0 : i32
    return %c0_i32, %c0_i32_0, %c0_i32_1 : i32, i32, i32
  }
  func.func @transform_17(%arg0: i32) -> (i32, i32, i32) {
    %c0_i32 = arith.constant 0 : i32
    %c0_i32_0 = arith.constant 0 : i32
    %c0_i32_1 = arith.constant 0 : i32
    %c0_i32_2 = arith.constant 0 : i32
    return %c0_i32, %c0_i32_0, %c0_i32_1 : i32, i32, i32
  }
  func.func @transform_18(%arg0: i32) -> (i32, i32, i32, i32) {
    %c0_i32 = arith.constant 0 : i32
    %c0_i32_0 = arith.constant 0 : i32
    %c0_i32_1 = arith.constant 0 : i32
    %c0_i32_2 = arith.constant 0 : i32
    %c0_i32_3 = arith.constant 0 : i32
    return %c0_i32, %c0_i32_0, %c0_i32_1, %c0_i32_2 : i32, i32, i32, i32
  }
  func.func @transform_19(%arg0: i32) -> (i32, i32, i32) {
    %c0_i32 = arith.constant 0 : i32
    %c0_i32_0 = arith.constant 0 : i32
    %c0_i32_1 = arith.constant 0 : i32
    %c0_i32_2 = arith.constant 0 : i32
    return %c0_i32, %c0_i32_0, %c0_i32_1 : i32, i32, i32
  }
  func.func @transform_20(%arg0: i32) -> (i32, i32, i32) {
    %c0_i32 = arith.constant 0 : i32
    %c0_i32_0 = arith.constant 0 : i32
    %c0_i32_1 = arith.constant 0 : i32
    %c0_i32_2 = arith.constant 0 : i32
    return %c0_i32, %c0_i32_0, %c0_i32_1 : i32, i32, i32
  }
  func.func @transform_21(%arg0: i32) -> (i32, i32, i32) {
    %c0_i32 = arith.constant 0 : i32
    %c0_i32_0 = arith.constant 0 : i32
    %c0_i32_1 = arith.constant 0 : i32
    %c0_i32_2 = arith.constant 0 : i32
    return %c0_i32, %c0_i32_0, %c0_i32_1 : i32, i32, i32
  }
  func.func @transform_22(%arg0: i32) -> (i32, i32, i32) {
    %c0_i32 = arith.constant 0 : i32
    %c0_i32_0 = arith.constant 0 : i32
    %c0_i32_1 = arith.constant 0 : i32
    %c0_i32_2 = arith.constant 0 : i32
    return %c0_i32, %c0_i32_0, %c0_i32_1 : i32, i32, i32
  }
  func.func @transform_23(%arg0: i32) -> (i32, i32, i32) {
    %c0_i32 = arith.constant 0 : i32
    %c0_i32_0 = arith.constant 0 : i32
    %c0_i32_1 = arith.constant 0 : i32
    %c0_i32_2 = arith.constant 0 : i32
    return %c0_i32, %c0_i32_0, %c0_i32_1 : i32, i32, i32
  }
  func.func @transform_24(%arg0: i32) -> (i32, i32, i32) {
    %c0_i32 = arith.constant 0 : i32
    %c0_i32_0 = arith.constant 0 : i32
    %c0_i32_1 = arith.constant 0 : i32
    %c0_i32_2 = arith.constant 0 : i32
    return %c0_i32, %c0_i32_0, %c0_i32_1 : i32, i32, i32
  }
}

module attributes {stable_mosaic.version = 14 : i64} {
  func.func @_combine_body(%arg0: memref<3x8x20x128xf32, #tpu.memory_space<vmem>>, %arg1: memref<3x8x20x128xf32, #tpu.memory_space<vmem>>, %arg2: memref<3x3x8x20x128xf32, #tpu.memory_space<vmem>>, %arg3: memref<3x8x20x128xf32, #tpu.memory_space<vmem>>, %arg4: memref<3x8x20xf32, #tpu.memory_space<vmem>>, %arg5: memref<3x8x20xf32, #tpu.memory_space<vmem>>, %arg6: memref<3x3x8x20xf32, #tpu.memory_space<vmem>>, %arg7: memref<3x8x20x1xi32, #tpu.memory_space<vmem>>, %arg8: memref<3x8x20x1xi32, #tpu.memory_space<vmem>>, %arg9: memref<3x8x20xf32, #tpu.memory_space<vmem>>, %arg10: memref<3x8x20xf32, #tpu.memory_space<vmem>>, %arg11: memref<3x8x20xf32, #tpu.memory_space<vmem>>, %arg12: memref<3x8x20xf32, #tpu.memory_space<vmem>>, %arg13: memref<1x1xf32, #tpu.memory_space<vmem>>, %arg14: memref<1x1xf32, #tpu.memory_space<vmem>>) attributes {dimension_semantics = [], scalar_prefetch = 0 : i64, scratch_operands = 0 : i64, tpu.core_type = #tpu.core_type<tc>} {
    %get3A = arith.constant 0 : index
    %get3A_0 = arith.constant 0 : index
    %get3A_1 = arith.constant 0 : index
    %get3A_2 = arith.constant 0 : index
    %get3A_3 = vector.load %arg0[%get3A, %get3A_0, %get3A_1, %get3A_2] : memref<3x8x20x128xf32, #tpu.memory_space<vmem>>, vector<3x8x20x128xf32>
    %get3A_4 = arith.constant 0 : index
    %get3A_5 = arith.constant 0 : index
    %get3A_6 = arith.constant 0 : index
    %get3A_7 = arith.constant 0 : index
    %get3A_8 = vector.load %arg1[%get3A_4, %get3A_5, %get3A_6, %get3A_7] : memref<3x8x20x128xf32, #tpu.memory_space<vmem>>, vector<3x8x20x128xf32>
    %get3A_9 = arith.constant 0 : index
    %get3A_10 = arith.constant 0 : index
    %get3A_11 = arith.constant 0 : index
    %get3A_12 = arith.constant 0 : index
    %get3A_13 = vector.load %arg7[%get3A_9, %get3A_10, %get3A_11, %get3A_12] : memref<3x8x20x1xi32, #tpu.memory_space<vmem>>, vector<3x8x20x1xi32>
    %get3A_14 = arith.constant 0 : index
    %get3A_15 = arith.constant 0 : index
    %get3A_16 = arith.constant 0 : index
    %get3A_17 = vector.load %arg4[%get3A_14, %get3A_15, %get3A_16] : memref<3x8x20xf32, #tpu.memory_space<vmem>>, vector<3x8x20xf32>
    %slice3A = vector.extract_strided_slice %get3A_3 {offsets = [0, 0, 0, 0], sizes = [3, 8, 20, 85], strides = [1, 1, 1, 1]} : vector<3x8x20x128xf32> to vector<3x8x20x85xf32>
    %slice3A_18 = vector.extract_strided_slice %get3A_3 {offsets = [0, 0, 0, 85], sizes = [3, 8, 20, 43], strides = [1, 1, 1, 1]} : vector<3x8x20x128xf32> to vector<3x8x20x43xf32>
    %slice3A_19 = vector.extract_strided_slice %get3A_8 {offsets = [0, 0, 0, 0], sizes = [3, 8, 20, 42], strides = [1, 1, 1, 1]} : vector<3x8x20x128xf32> to vector<3x8x20x42xf32>
    %concatenate3A = tpu.concatenate %slice3A_18, %slice3A_19 in 3 : vector<3x8x20x43xf32>, vector<3x8x20x42xf32> -> vector<3x8x20x85xf32>
    %slice3A_20 = vector.extract_strided_slice %get3A_8 {offsets = [0, 0, 0, 42], sizes = [3, 8, 20, 85], strides = [1, 1, 1, 1]} : vector<3x8x20x128xf32> to vector<3x8x20x85xf32>
    %eq3A = arith.constant 1 : i32
    %eq3A_21 = vector.broadcast %eq3A : i32 to vector<3x8x20x1xi32>
    %eq3A_22 = arith.cmpi eq, %get3A_13, %eq3A_21 : vector<3x8x20x1xi32>
    %eq3A_23 = arith.constant 2 : i32
    %eq3A_24 = vector.broadcast %eq3A_23 : i32 to vector<3x8x20x1xi32>
    %eq3A_25 = arith.cmpi eq, %get3A_13, %eq3A_24 : vector<3x8x20x1xi32>
    %broadcast_in_dim3A = vector.shape_cast %eq3A_22 : vector<3x8x20x1xi1> to vector<3x8x20x1xi1>
    %broadcast_in_dim3A_26 = vector.broadcast %broadcast_in_dim3A : vector<3x8x20x1xi1> to vector<3x8x20x85xi1>
    %select_n3A = arith.select %broadcast_in_dim3A_26, %concatenate3A, %slice3A : vector<3x8x20x85xi1>, vector<3x8x20x85xf32>
    %broadcast_in_dim3A_27 = vector.shape_cast %eq3A_25 : vector<3x8x20x1xi1> to vector<3x8x20x1xi1>
    %broadcast_in_dim3A_28 = vector.broadcast %broadcast_in_dim3A_27 : vector<3x8x20x1xi1> to vector<3x8x20x85xi1>
    %select_n3A_29 = arith.select %broadcast_in_dim3A_28, %slice3A_20, %select_n3A : vector<3x8x20x85xi1>, vector<3x8x20x85xf32>
    %slice3A_30 = vector.extract_strided_slice %select_n3A_29 {offsets = [0, 0, 0, 0], sizes = [3, 8, 20, 1], strides = [1, 1, 1, 1]} : vector<3x8x20x85xf32> to vector<3x8x20x1xf32>
    %squeeze3A = vector.shape_cast %slice3A_30 : vector<3x8x20x1xf32> to vector<3x8x20xf32>
    %slice3A_31 = vector.extract_strided_slice %select_n3A_29 {offsets = [0, 0, 0, 1], sizes = [3, 8, 20, 1], strides = [1, 1, 1, 1]} : vector<3x8x20x85xf32> to vector<3x8x20x1xf32>
    %squeeze3A_32 = vector.shape_cast %slice3A_31 : vector<3x8x20x1xf32> to vector<3x8x20xf32>
    %slice3A_33 = vector.extract_strided_slice %select_n3A_29 {offsets = [0, 0, 0, 2], sizes = [3, 8, 20, 1], strides = [1, 1, 1, 1]} : vector<3x8x20x85xf32> to vector<3x8x20x1xf32>
    %squeeze3A_34 = vector.shape_cast %slice3A_33 : vector<3x8x20x1xf32> to vector<3x8x20xf32>
    %slice3A_35 = vector.extract_strided_slice %select_n3A_29 {offsets = [0, 0, 0, 3], sizes = [3, 8, 20, 1], strides = [1, 1, 1, 1]} : vector<3x8x20x85xf32> to vector<3x8x20x1xf32>
    %squeeze3A_36 = vector.shape_cast %slice3A_35 : vector<3x8x20x1xf32> to vector<3x8x20xf32>
    %slice3A_37 = vector.extract_strided_slice %select_n3A_29 {offsets = [0, 0, 0, 4], sizes = [3, 8, 20, 1], strides = [1, 1, 1, 1]} : vector<3x8x20x85xf32> to vector<3x8x20x1xf32>
    %squeeze3A_38 = vector.shape_cast %slice3A_37 : vector<3x8x20x1xf32> to vector<3x8x20xf32>
    %slice3A_39 = vector.extract_strided_slice %select_n3A_29 {offsets = [0, 0, 0, 5], sizes = [3, 8, 20, 80], strides = [1, 1, 1, 1]} : vector<3x8x20x85xf32> to vector<3x8x20x80xf32>
    %max3A = arith.constant 0.000000e+00 : f32
    %max3A_40 = vector.broadcast %max3A : f32 to vector<3x8x20x80xf32>
    %max3A_41 = arith.maximumf %slice3A_39, %max3A_40 : vector<3x8x20x80xf32>
    %abs3A = math.absf %slice3A_39 : vector<3x8x20x80xf32>
    %neg3A = arith.constant 0.000000e+00 : f32
    %neg3A_42 = vector.broadcast %neg3A : f32 to vector<3x8x20x80xf32>
    %neg3A_43 = arith.subf %neg3A_42, %abs3A : vector<3x8x20x80xf32>
    %exp3A = math.exp %neg3A_43 : vector<3x8x20x80xf32>
    %log1p3A = math.log1p %exp3A : vector<3x8x20x80xf32>
    %add3A = arith.addf %max3A_41, %log1p3A : vector<3x8x20x80xf32>
    %reduce_sum3A = arith.constant dense<0.000000e+00> : vector<3x8x20xf32>
    %reduce_sum3A_44 = vector.multi_reduction <add>, %add3A, %reduce_sum3A [3] : vector<3x8x20x80xf32> to vector<3x8x20xf32>
    %get3A_45 = arith.constant 0 : index
    %get3A_46 = arith.constant 0 : index
    %get3A_47 = arith.constant 0 : index
    %get3A_48 = vector.load %arg9[%get3A_45, %get3A_46, %get3A_47] : memref<3x8x20xf32, #tpu.memory_space<vmem>>, vector<3x8x20xf32>
    %max3A_49 = arith.constant 0.000000e+00 : f32
    %max3A_50 = vector.broadcast %max3A_49 : f32 to vector<3x8x20xf32>
    %max3A_51 = arith.maximumf %squeeze3A, %max3A_50 : vector<3x8x20xf32>
    %mul3A = arith.mulf %squeeze3A, %get3A_48 : vector<3x8x20xf32>
    %sub3A = arith.subf %max3A_51, %mul3A : vector<3x8x20xf32>
    %abs3A_52 = math.absf %squeeze3A : vector<3x8x20xf32>
    %neg3A_53 = arith.constant 0.000000e+00 : f32
    %neg3A_54 = vector.broadcast %neg3A_53 : f32 to vector<3x8x20xf32>
    %neg3A_55 = arith.subf %neg3A_54, %abs3A_52 : vector<3x8x20xf32>
    %exp3A_56 = math.exp %neg3A_55 : vector<3x8x20xf32>
    %log1p3A_57 = math.log1p %exp3A_56 : vector<3x8x20xf32>
    %add3A_58 = arith.addf %sub3A, %log1p3A_57 : vector<3x8x20xf32>
    %get3A_59 = arith.constant 0 : index
    %get3A_60 = arith.constant 0 : index
    %get3A_61 = arith.constant 0 : index
    %get3A_62 = vector.load %arg10[%get3A_59, %get3A_60, %get3A_61] : memref<3x8x20xf32, #tpu.memory_space<vmem>>, vector<3x8x20xf32>
    %max3A_63 = arith.constant 0.000000e+00 : f32
    %max3A_64 = vector.broadcast %max3A_63 : f32 to vector<3x8x20xf32>
    %max3A_65 = arith.maximumf %squeeze3A_32, %max3A_64 : vector<3x8x20xf32>
    %mul3A_66 = arith.mulf %squeeze3A_32, %get3A_62 : vector<3x8x20xf32>
    %sub3A_67 = arith.subf %max3A_65, %mul3A_66 : vector<3x8x20xf32>
    %abs3A_68 = math.absf %squeeze3A_32 : vector<3x8x20xf32>
    %neg3A_69 = arith.constant 0.000000e+00 : f32
    %neg3A_70 = vector.broadcast %neg3A_69 : f32 to vector<3x8x20xf32>
    %neg3A_71 = arith.subf %neg3A_70, %abs3A_68 : vector<3x8x20xf32>
    %exp3A_72 = math.exp %neg3A_71 : vector<3x8x20xf32>
    %log1p3A_73 = math.log1p %exp3A_72 : vector<3x8x20xf32>
    %add3A_74 = arith.addf %sub3A_67, %log1p3A_73 : vector<3x8x20xf32>
    %add3A_75 = arith.addf %add3A_58, %add3A_74 : vector<3x8x20xf32>
    %get3A_76 = arith.constant 0 : index
    %get3A_77 = arith.constant 0 : index
    %get3A_78 = arith.constant 0 : index
    %get3A_79 = vector.load %arg11[%get3A_76, %get3A_77, %get3A_78] : memref<3x8x20xf32, #tpu.memory_space<vmem>>, vector<3x8x20xf32>
    %sub3A_80 = arith.subf %squeeze3A_34, %get3A_79 : vector<3x8x20xf32>
    %integer_pow3A = arith.mulf %sub3A_80, %sub3A_80 : vector<3x8x20xf32>
    %add3A_81 = arith.addf %add3A_75, %integer_pow3A : vector<3x8x20xf32>
    %get3A_82 = arith.constant 0 : index
    %get3A_83 = arith.constant 0 : index
    %get3A_84 = arith.constant 0 : index
    %get3A_85 = vector.load %arg12[%get3A_82, %get3A_83, %get3A_84] : memref<3x8x20xf32, #tpu.memory_space<vmem>>, vector<3x8x20xf32>
    %sub3A_86 = arith.subf %squeeze3A_36, %get3A_85 : vector<3x8x20xf32>
    %integer_pow3A_87 = arith.mulf %sub3A_86, %sub3A_86 : vector<3x8x20xf32>
    %add3A_88 = arith.addf %add3A_81, %integer_pow3A_87 : vector<3x8x20xf32>
    %mul3A_89 = arith.constant 5.000000e+00 : f32
    %mul3A_90 = vector.broadcast %mul3A_89 : f32 to vector<3x8x20xf32>
    %mul3A_91 = arith.mulf %mul3A_90, %add3A_88 : vector<3x8x20xf32>
    %neg3A_92 = arith.constant 0.000000e+00 : f32
    %neg3A_93 = vector.broadcast %neg3A_92 : f32 to vector<3x8x20xf32>
    %neg3A_94 = arith.subf %neg3A_93, %squeeze3A_38 : vector<3x8x20xf32>
    %max3A_95 = arith.constant 0.000000e+00 : f32
    %max3A_96 = vector.broadcast %max3A_95 : f32 to vector<3x8x20xf32>
    %max3A_97 = arith.maximumf %neg3A_94, %max3A_96 : vector<3x8x20xf32>
    %abs3A_98 = math.absf %neg3A_94 : vector<3x8x20xf32>
    %neg3A_99 = arith.constant 0.000000e+00 : f32
    %neg3A_100 = vector.broadcast %neg3A_99 : f32 to vector<3x8x20xf32>
    %neg3A_101 = arith.subf %neg3A_100, %abs3A_98 : vector<3x8x20xf32>
    %exp3A_102 = math.exp %neg3A_101 : vector<3x8x20xf32>
    %log1p3A_103 = math.log1p %exp3A_102 : vector<3x8x20xf32>
    %add3A_104 = arith.addf %max3A_97, %log1p3A_103 : vector<3x8x20xf32>
    %add3A_105 = arith.addf %mul3A_91, %add3A_104 : vector<3x8x20xf32>
    %max3A_106 = arith.constant 0.000000e+00 : f32
    %max3A_107 = vector.broadcast %max3A_106 : f32 to vector<3x8x20xf32>
    %max3A_108 = arith.maximumf %squeeze3A_38, %max3A_107 : vector<3x8x20xf32>
    %abs3A_109 = math.absf %squeeze3A_38 : vector<3x8x20xf32>
    %neg3A_110 = arith.constant 0.000000e+00 : f32
    %neg3A_111 = vector.broadcast %neg3A_110 : f32 to vector<3x8x20xf32>
    %neg3A_112 = arith.subf %neg3A_111, %abs3A_109 : vector<3x8x20xf32>
    %exp3A_113 = math.exp %neg3A_112 : vector<3x8x20xf32>
    %log1p3A_114 = math.log1p %exp3A_113 : vector<3x8x20xf32>
    %add3A_115 = arith.addf %max3A_108, %log1p3A_114 : vector<3x8x20xf32>
    %mul3A_116 = arith.constant 5.000000e-01 : f32
    %mul3A_117 = vector.broadcast %mul3A_116 : f32 to vector<3x8x20xf32>
    %mul3A_118 = arith.mulf %mul3A_117, %add3A_115 : vector<3x8x20xf32>
    %sub3A_119 = arith.subf %add3A_105, %mul3A_118 : vector<3x8x20xf32>
    %add3A_120 = arith.addf %sub3A_119, %reduce_sum3A_44 : vector<3x8x20xf32>
    %get3A_121 = arith.constant 0 : index
    %get3A_122 = arith.constant 0 : index
    %get3A_123 = arith.constant 0 : index
    %get3A_124 = arith.constant 0 : index
    %get3A_125 = arith.constant 0 : index
    %get3A_126 = vector.load %arg2[%get3A_121, %get3A_122, %get3A_123, %get3A_124, %get3A_125] : memref<3x3x8x20x128xf32, #tpu.memory_space<vmem>>, vector<3x3x8x20x128xf32>
    %get3A_127 = arith.constant 0 : index
    %get3A_128 = arith.constant 0 : index
    %get3A_129 = arith.constant 0 : index
    %get3A_130 = arith.constant 0 : index
    %get3A_131 = vector.load %arg6[%get3A_127, %get3A_128, %get3A_129, %get3A_130] : memref<3x3x8x20xf32, #tpu.memory_space<vmem>>, vector<3x3x8x20xf32>
    %slice3A_132 = vector.extract_strided_slice %get3A_131 {offsets = [0, 0, 0, 0], sizes = [3, 1, 8, 20], strides = [1, 1, 1, 1]} : vector<3x3x8x20xf32> to vector<3x1x8x20xf32>
    %squeeze3A_133 = vector.shape_cast %slice3A_132 : vector<3x1x8x20xf32> to vector<3x8x20xf32>
    %slice3A_134 = vector.extract_strided_slice %get3A_126 {offsets = [0, 0, 0, 0, 4], sizes = [3, 1, 8, 20, 1], strides = [1, 1, 1, 1, 1]} : vector<3x3x8x20x128xf32> to vector<3x1x8x20x1xf32>
    %squeeze3A_135 = vector.shape_cast %slice3A_134 : vector<3x1x8x20x1xf32> to vector<3x8x20xf32>
    %max3A_136 = arith.constant 0.000000e+00 : f32
    %max3A_137 = vector.broadcast %max3A_136 : f32 to vector<3x8x20xf32>
    %max3A_138 = arith.maximumf %squeeze3A_135, %max3A_137 : vector<3x8x20xf32>
    %abs3A_139 = math.absf %squeeze3A_135 : vector<3x8x20xf32>
    %neg3A_140 = arith.constant 0.000000e+00 : f32
    %neg3A_141 = vector.broadcast %neg3A_140 : f32 to vector<3x8x20xf32>
    %neg3A_142 = arith.subf %neg3A_141, %abs3A_139 : vector<3x8x20xf32>
    %exp3A_143 = math.exp %neg3A_142 : vector<3x8x20xf32>
    %log1p3A_144 = math.log1p %exp3A_143 : vector<3x8x20xf32>
    %add3A_145 = arith.addf %max3A_138, %log1p3A_144 : vector<3x8x20xf32>
    %mul3A_146 = arith.mulf %squeeze3A_133, %add3A_145 : vector<3x8x20xf32>
    %reduce_sum3A_147 = vector.shape_cast %mul3A_146 : vector<3x8x20xf32> to vector<1x3x8x20xf32>
    %reduce_sum3A_148 = arith.constant dense<0.000000e+00> : vector<1xf32>
    %reduce_sum3A_149 = vector.multi_reduction <add>, %reduce_sum3A_147, %reduce_sum3A_148 [1, 2, 3] : vector<1x3x8x20xf32> to vector<1xf32>
    %reduce_sum3A_150 = vector.shape_cast %reduce_sum3A_149 : vector<1xf32> to vector<1x1x1x1xf32>
    %reduce_sum3A_151 = vector.extract %reduce_sum3A_150[0, 0, 0, 0] : f32 from vector<1x1x1x1xf32>
    %slice3A_152 = vector.extract_strided_slice %get3A_131 {offsets = [0, 1, 0, 0], sizes = [3, 1, 8, 20], strides = [1, 1, 1, 1]} : vector<3x3x8x20xf32> to vector<3x1x8x20xf32>
    %squeeze3A_153 = vector.shape_cast %slice3A_152 : vector<3x1x8x20xf32> to vector<3x8x20xf32>
    %slice3A_154 = vector.extract_strided_slice %get3A_126 {offsets = [0, 1, 0, 0, 89], sizes = [3, 1, 8, 20, 1], strides = [1, 1, 1, 1, 1]} : vector<3x3x8x20x128xf32> to vector<3x1x8x20x1xf32>
    %squeeze3A_155 = vector.shape_cast %slice3A_154 : vector<3x1x8x20x1xf32> to vector<3x8x20xf32>
    %max3A_156 = arith.constant 0.000000e+00 : f32
    %max3A_157 = vector.broadcast %max3A_156 : f32 to vector<3x8x20xf32>
    %max3A_158 = arith.maximumf %squeeze3A_155, %max3A_157 : vector<3x8x20xf32>
    %abs3A_159 = math.absf %squeeze3A_155 : vector<3x8x20xf32>
    %neg3A_160 = arith.constant 0.000000e+00 : f32
    %neg3A_161 = vector.broadcast %neg3A_160 : f32 to vector<3x8x20xf32>
    %neg3A_162 = arith.subf %neg3A_161, %abs3A_159 : vector<3x8x20xf32>
    %exp3A_163 = math.exp %neg3A_162 : vector<3x8x20xf32>
    %log1p3A_164 = math.log1p %exp3A_163 : vector<3x8x20xf32>
    %add3A_165 = arith.addf %max3A_158, %log1p3A_164 : vector<3x8x20xf32>
    %mul3A_166 = arith.mulf %squeeze3A_153, %add3A_165 : vector<3x8x20xf32>
    %reduce_sum3A_167 = vector.shape_cast %mul3A_166 : vector<3x8x20xf32> to vector<1x3x8x20xf32>
    %reduce_sum3A_168 = arith.constant dense<0.000000e+00> : vector<1xf32>
    %reduce_sum3A_169 = vector.multi_reduction <add>, %reduce_sum3A_167, %reduce_sum3A_168 [1, 2, 3] : vector<1x3x8x20xf32> to vector<1xf32>
    %reduce_sum3A_170 = vector.shape_cast %reduce_sum3A_169 : vector<1xf32> to vector<1x1x1x1xf32>
    %reduce_sum3A_171 = vector.extract %reduce_sum3A_170[0, 0, 0, 0] : f32 from vector<1x1x1x1xf32>
    %add3A_172 = arith.addf %reduce_sum3A_151, %reduce_sum3A_171 : f32
    %slice3A_173 = vector.extract_strided_slice %get3A_131 {offsets = [0, 2, 0, 0], sizes = [3, 1, 8, 20], strides = [1, 1, 1, 1]} : vector<3x3x8x20xf32> to vector<3x1x8x20xf32>
    %squeeze3A_174 = vector.shape_cast %slice3A_173 : vector<3x1x8x20xf32> to vector<3x8x20xf32>
    %slice3A_175 = vector.extract_strided_slice %get3A_126 {offsets = [0, 2, 0, 0, 46], sizes = [3, 1, 8, 20, 1], strides = [1, 1, 1, 1, 1]} : vector<3x3x8x20x128xf32> to vector<3x1x8x20x1xf32>
    %squeeze3A_176 = vector.shape_cast %slice3A_175 : vector<3x1x8x20x1xf32> to vector<3x8x20xf32>
    %max3A_177 = arith.constant 0.000000e+00 : f32
    %max3A_178 = vector.broadcast %max3A_177 : f32 to vector<3x8x20xf32>
    %max3A_179 = arith.maximumf %squeeze3A_176, %max3A_178 : vector<3x8x20xf32>
    %abs3A_180 = math.absf %squeeze3A_176 : vector<3x8x20xf32>
    %neg3A_181 = arith.constant 0.000000e+00 : f32
    %neg3A_182 = vector.broadcast %neg3A_181 : f32 to vector<3x8x20xf32>
    %neg3A_183 = arith.subf %neg3A_182, %abs3A_180 : vector<3x8x20xf32>
    %exp3A_184 = math.exp %neg3A_183 : vector<3x8x20xf32>
    %log1p3A_185 = math.log1p %exp3A_184 : vector<3x8x20xf32>
    %add3A_186 = arith.addf %max3A_179, %log1p3A_185 : vector<3x8x20xf32>
    %mul3A_187 = arith.mulf %squeeze3A_174, %add3A_186 : vector<3x8x20xf32>
    %reduce_sum3A_188 = vector.shape_cast %mul3A_187 : vector<3x8x20xf32> to vector<1x3x8x20xf32>
    %reduce_sum3A_189 = arith.constant dense<0.000000e+00> : vector<1xf32>
    %reduce_sum3A_190 = vector.multi_reduction <add>, %reduce_sum3A_188, %reduce_sum3A_189 [1, 2, 3] : vector<1x3x8x20xf32> to vector<1xf32>
    %reduce_sum3A_191 = vector.shape_cast %reduce_sum3A_190 : vector<1xf32> to vector<1x1x1x1xf32>
    %reduce_sum3A_192 = vector.extract %reduce_sum3A_191[0, 0, 0, 0] : f32 from vector<1x1x1x1xf32>
    %add3A_193 = arith.addf %add3A_172, %reduce_sum3A_192 : f32
    %iota3A = tpu.iota {dimensions = array<i32: 3>} : vector<3x8x20x128xi32>
    %get3A_194 = arith.constant 0 : index
    %get3A_195 = arith.constant 0 : index
    %get3A_196 = arith.constant 0 : index
    %get3A_197 = arith.constant 0 : index
    %get3A_198 = vector.load %arg8[%get3A_194, %get3A_195, %get3A_196, %get3A_197] : memref<3x8x20x1xi32, #tpu.memory_space<vmem>>, vector<3x8x20x1xi32>
    %eq3A_199 = vector.broadcast %get3A_198 : vector<3x8x20x1xi32> to vector<3x8x20x128xi32>
    %eq3A_200 = arith.cmpi eq, %iota3A, %eq3A_199 : vector<3x8x20x128xi32>
    %convert_element_type3A = arith.extui %eq3A_200 : vector<3x8x20x128xi1> to vector<3x8x20x128xi32>
    %convert_element_type3A_201 = arith.sitofp %convert_element_type3A : vector<3x8x20x128xi32> to vector<3x8x20x128xf32>
    %get3A_202 = arith.constant 0 : index
    %get3A_203 = arith.constant 0 : index
    %get3A_204 = arith.constant 0 : index
    %get3A_205 = arith.constant 0 : index
    %get3A_206 = vector.load %arg3[%get3A_202, %get3A_203, %get3A_204, %get3A_205] : memref<3x8x20x128xf32, #tpu.memory_space<vmem>>, vector<3x8x20x128xf32>
    %mul3A_207 = arith.mulf %get3A_206, %convert_element_type3A_201 : vector<3x8x20x128xf32>
    %reduce_sum3A_208 = arith.constant dense<0.000000e+00> : vector<3x8x20xf32>
    %reduce_sum3A_209 = vector.multi_reduction <add>, %mul3A_207, %reduce_sum3A_208 [3] : vector<3x8x20x128xf32> to vector<3x8x20xf32>
    %get3A_210 = arith.constant 0 : index
    %get3A_211 = arith.constant 0 : index
    %get3A_212 = vector.load %arg13[%get3A_210, %get3A_211] : memref<1x1xf32, #tpu.memory_space<vmem>>, vector<1x1xf32>
    %reduce_sum3A_213 = vector.shape_cast %get3A_212 : vector<1x1xf32> to vector<1x1x1xf32>
    %reduce_sum3A_214 = arith.constant dense<0.000000e+00> : vector<1xf32>
    %reduce_sum3A_215 = vector.multi_reduction <add>, %reduce_sum3A_213, %reduce_sum3A_214 [1, 2] : vector<1x1x1xf32> to vector<1xf32>
    %reduce_sum3A_216 = vector.shape_cast %reduce_sum3A_215 : vector<1xf32> to vector<1x1x1xf32>
    %reduce_sum3A_217 = vector.extract %reduce_sum3A_216[0, 0, 0] : f32 from vector<1x1x1xf32>
    %mul3A_218 = arith.mulf %get3A_17, %add3A_120 : vector<3x8x20xf32>
    %reduce_sum3A_219 = vector.shape_cast %mul3A_218 : vector<3x8x20xf32> to vector<1x3x8x20xf32>
    %reduce_sum3A_220 = arith.constant dense<0.000000e+00> : vector<1xf32>
    %reduce_sum3A_221 = vector.multi_reduction <add>, %reduce_sum3A_219, %reduce_sum3A_220 [1, 2, 3] : vector<1x3x8x20xf32> to vector<1xf32>
    %reduce_sum3A_222 = vector.shape_cast %reduce_sum3A_221 : vector<1xf32> to vector<1x1x1x1xf32>
    %reduce_sum3A_223 = vector.extract %reduce_sum3A_222[0, 0, 0, 0] : f32 from vector<1x1x1x1xf32>
    %add3A_224 = arith.addf %reduce_sum3A_217, %reduce_sum3A_223 : f32
    %get3A_225 = arith.constant 0 : index
    %get3A_226 = arith.constant 0 : index
    %get3A_227 = arith.constant 0 : index
    %get3A_228 = vector.load %arg5[%get3A_225, %get3A_226, %get3A_227] : memref<3x8x20xf32, #tpu.memory_space<vmem>>, vector<3x8x20xf32>
    %mul3A_229 = arith.mulf %get3A_228, %reduce_sum3A_209 : vector<3x8x20xf32>
    %reduce_sum3A_230 = vector.shape_cast %mul3A_229 : vector<3x8x20xf32> to vector<1x3x8x20xf32>
    %reduce_sum3A_231 = arith.constant dense<0.000000e+00> : vector<1xf32>
    %reduce_sum3A_232 = vector.multi_reduction <add>, %reduce_sum3A_230, %reduce_sum3A_231 [1, 2, 3] : vector<1x3x8x20xf32> to vector<1xf32>
    %reduce_sum3A_233 = vector.shape_cast %reduce_sum3A_232 : vector<1xf32> to vector<1x1x1x1xf32>
    %reduce_sum3A_234 = vector.extract %reduce_sum3A_233[0, 0, 0, 0] : f32 from vector<1x1x1x1xf32>
    %sub3A_235 = arith.subf %add3A_224, %reduce_sum3A_234 : f32
    %mul3A_236 = arith.constant 5.000000e-01 : f32
    %mul3A_237 = arith.mulf %mul3A_236, %add3A_193 : f32
    %sub3A_238 = arith.subf %sub3A_235, %mul3A_237 : f32
    %reduce_sum3A_239 = vector.shape_cast %get3A_17 : vector<3x8x20xf32> to vector<1x3x8x20xf32>
    %reduce_sum3A_240 = arith.constant dense<0.000000e+00> : vector<1xf32>
    %reduce_sum3A_241 = vector.multi_reduction <add>, %reduce_sum3A_239, %reduce_sum3A_240 [1, 2, 3] : vector<1x3x8x20xf32> to vector<1xf32>
    %reduce_sum3A_242 = vector.shape_cast %reduce_sum3A_241 : vector<1xf32> to vector<1x1x1x1xf32>
    %reduce_sum3A_243 = vector.extract %reduce_sum3A_242[0, 0, 0, 0] : f32 from vector<1x1x1x1xf32>
    %div3A = arith.divf %sub3A_238, %reduce_sum3A_243 : f32
    %broadcast_in_dim3A_244 = vector.broadcast %div3A : f32 to vector<1x1xf32>
    %swap3A = arith.constant 0 : index
    %swap3A_245 = arith.constant 0 : index
    %swap3A_246 = vector.load %arg14[%swap3A, %swap3A_245] : memref<1x1xf32, #tpu.memory_space<vmem>>, vector<1x1xf32>
    tpu.vector_store %arg14[%swap3A, %swap3A_245], %broadcast_in_dim3A_244 {strides = array<i32>} : memref<1x1xf32, #tpu.memory_space<vmem>>, vector<1x1xf32>,
    return
  }
}

</mosaic_0001>

<sc_bundles>
// kernel: kernel.5.cloned.1.call-start
scs
__scs_entry_jumppad:
0x0: {  	(pc) =	sbr.rel $0x88, $3  }
0x1: {  	(tag) =	ssettag $0x0;
	lr =	simm.s32 $0x1  }
0x2: {  	[smem:$0x3F9C] =	sst lr;
	_ =	strace $0xD0000000  }
0x3: {  	_ = 	snop  }
0x4: {  	_ = 	snop  }
0x5: {  	_ = 	snop  }
0x6: {  	_ = 	snop  }
0x7: {  	_ = 	snop  }
__scs_overlays_trampoline_lowered:
0x8: {  	[smem:$0x3FAB] =	sst s0  }
0x9: {  	[smem:$0x3FAC] =	sst s1  }
0xa: {  	[smem:$0x3FAD] =	sst s2  }
0xb: {  	[smem:$0x3FAE] =	sst s3  }
0xc: {  	[smem:$0x3FAF] =	sst s4  }
0xd: {  	[smem:$0x3FB0] =	sst s5  }
0xe: {  	[smem:$0x3FB1] =	sst s6  }
0xf: {  	[smem:$0x3FB2] =	sst s7  }
0x10: {  	[smem:$0x3FB3] =	sst s8  }
0x11: {  	[smem:$0x3FB4] =	sst s9;
	s0 =	simm.s32 @!p0 $0x0  }
0x12: {  	s1 =	sld [smem:$0x3F9A];
	s0 =	simm.s32 @p0 $0x1  }
0x13: {  	[smem:$0x3FB5] =	sst s0;
	s0 =	simm.s32 @!p1 $0x0  }
0x14: {  	s2 =	sld [smem:$0x3F99];
	s0 =	simm.s32 @p1 $0x1  }
0x15: {  	[smem:$0x3FB6] =	sst s0;
	s0 =	simm.s32 @!p2 $0x0  }
0x16: {  	s3 =	sld [smem:$0x3FDB];
	s0 =	simm.s32 @p2 $0x1  }
0x17: {  	s4 =	simm.s32 $0x1BF5;
	[smem:$0x3FB8] =	sst s0  }
0x18: {  	s0 =	sld [smem:$0x3F9B];
	_ =	swait.ge [sflag:s4], $0x0  }
0x19: {  	s7 =	sld [smem:$0x3F9C]  }
0x1a: {  	s8 =	sadd.s32 $0xFFFFE003, lr  }
0x1b: {  	s9 =	sadd.s32 $0xFFFFFEF7, lr;
	s5 =	simm.s32 $0xFFFFFFFF;
	p2 =	slt.u32 s8, $0xFFFFF086  }
0x1c: {  	p1 =	slt.u32 s9, $0xF7A;
	s5 =	simm.s32 @!p2 $0x0  }
0x1d: {  	s5 =	simm.s32 @p1 $0x1;
	p0 =	seq.s32 s7, s2  }
0x1e: {  	s7 =	smul.u32 @!p0 $0xF7A, s2;
	p2 =	seq.s32 @!p0 s5, $0x0  }
0x1f: {  	s9 =	smul.u32 $0xF7A, s1;
	s8 =	simm.s32 @!p0 $0x1BF5;
	p2 =	por !p2, p0  }
0x20: {  	[sflag:s8] =	ssyncset.s32 @!p0 $0xFFFFF086;
	s6 =	sadd.s32 @!p0 s3, s7;
	s7 =	simm.s32 @!p0 $0x108  }
0x21: {  	s3 =	sadd.s32 s3, s9;
	s6 =	sadd.s32 @!p0 $0x88, s6;
	s7 =	simm.s32 @p2 $0x1082  }
0x22: {  	[simem:s7], [sflag:s8] =	dma.local @!p0 [hbm:s6], $0xF7A  }
0x23: {  	s9 =	sor.u32 $0xD0000000, s2;
	s6 =	simm.s32 $0x108;
	_ =	swait.ge @!p0 [sflag:s8], $0x0  }
0x24: {  	s3 =	sadd.s32 $0x88, s3;
	s6 =	simm.s32 @!p1 $0x1082;
	[sflag:s4] =	ssyncset.s32 $0xFFFFF086  }
0x25: {  	[simem:s6], [sflag:s4] =	dma.local [hbm:s3], $0xF7A  }
0x26: {  	[smem:$0x3F9C] =	sst s1;
	(tag) =	ssettag s2;
	_ =	strace s9  }
0x27: {  	s1 =	sld [smem:$0x3FAC]  }
0x28: {  	s2 =	sld [smem:$0x3FAD]  }
0x29: {  	s4 =	sld [smem:$0x3FAF]  }
0x2a: {  	p0 =	seq.s32 s5, $0x0;
	s5 =	sld [smem:$0x3FB0]  }
0x2b: {  	s6 =	sld [smem:$0x3FB1]  }
0x2c: {  	s7 =	sld [smem:$0x3FB2]  }
0x2d: {  	s3 =	simm.s32 $0x108;
	s8 =	sld [smem:$0x3FB3]  }
0x2e: {  	s3 =	simm.s32 @!p0 $0x1082;
	s9 =	sld [smem:$0x3FB4]  }
0x2f: {  	lr =	sadd.s32 s0, s3;
	s0 =	sld [smem:$0x3FAB]  }
0x30: {  	s3 =	sld [smem:$0x3FAE]  }
0x31: {  	[smem:$0x3FB7] =	sst s10  }
0x32: {  	s10 =	sld [smem:$0x3FB5];
	_ =	sdelay $0x3  }
0x33: {  	p0 =	seq.s32 s10, $0x1;
	s10 =	sld [smem:$0x3FB7];
	_ =	sdelay $0x3  }
0x34: {  	[smem:$0x3FB7] =	sst s10  }
0x35: {  	s10 =	sld [smem:$0x3FB6];
	_ =	sdelay $0x3  }
0x36: {  	p1 =	seq.s32 s10, $0x1;
	s10 =	sld [smem:$0x3FB7];
	_ =	sdelay $0x3  }
0x37: {  	[smem:$0x3FB7] =	sst s10  }
0x38: {  	s10 =	sld [smem:$0x3FB8]  }
0x39: {  	_ = 	snop;
	(pc) =	sbr.ind lr, $3  }
0x3a: {  	_ = 	snop  }
0x3b: {  	_ = 	snop  }
0x3c: {  	p2 =	seq.s32 s10, $0x1;
	s10 =	sld [smem:$0x3FB7]  }
0x3d: {  	_ =	shalt  }
0x3e: {  	_ =	shalt  }
0x3f: {  	_ =	shalt  }
0x40: {  	_ =	shalt  }
0x41: {  	_ =	shalt  }
0x42: {  	_ =	shalt  }
0x43: {  	_ =	shalt  }
0x44: {  	_ =	shalt  }
0x45: {  	_ =	shalt  }
0x46: {  	_ =	shalt  }
0x47: {  	_ =	shalt  }
0x48: {  	_ =	shalt  }
0x49: {  	_ =	shalt  }
0x4a: {  	_ =	shalt  }
0x4b: {  	_ =	shalt  }
0x4c: {  	_ =	shalt  }
0x4d: {  	_ =	shalt  }
0x4e: {  	_ =	shalt  }
0x4f: {  	_ =	shalt  }
0x50: {  	_ =	shalt  }
0x51: {  	_ =	shalt  }
0x52: {  	_ =	shalt  }
0x53: {  	_ =	shalt  }
0x54: {  	_ =	shalt  }
0x55: {  	_ =	shalt  }
0x56: {  	_ =	shalt  }
0x57: {  	_ =	shalt  }
0x58: {  	_ =	shalt  }
0x59: {  	_ =	shalt  }
0x5a: {  	_ =	shalt  }
0x5b: {  	_ =	shalt  }
0x5c: {  	_ =	shalt  }
0x5d: {  	_ =	shalt  }
0x5e: {  	_ =	shalt  }
0x5f: {  	_ =	shalt  }
0x60: {  	_ =	shalt  }
0x61: {  	_ =	shalt  }
0x62: {  	_ =	shalt  }
0x63: {  	_ =	shalt  }
0x64: {  	_ =	shalt  }
0x65: {  	_ =	shalt  }
0x66: {  	_ =	shalt  }
0x67: {  	_ =	shalt  }
0x68: {  	_ =	shalt  }
0x69: {  	_ =	shalt  }
0x6a: {  	_ =	shalt  }
0x6b: {  	_ =	shalt  }
0x6c: {  	_ =	shalt  }
0x6d: {  	_ =	shalt  }
0x6e: {  	_ =	shalt  }
0x6f: {  	_ =	shalt  }
0x70: {  	_ =	shalt  }
0x71: {  	_ =	shalt  }
0x72: {  	_ =	shalt  }
0x73: {  	_ =	shalt  }
0x74: {  	_ =	shalt  }
0x75: {  	_ =	shalt  }
0x76: {  	_ =	shalt  }
0x77: {  	_ =	shalt  }
0x78: {  	_ =	shalt  }
0x79: {  	_ =	shalt  }
0x7a: {  	_ =	shalt  }
0x7b: {  	_ =	shalt  }
0x7c: {  	_ =	shalt  }
0x7d: {  	_ =	shalt  }
0x7e: {  	_ =	shalt  }
0x7f: {  	_ =	shalt  }
0x80: {  	_ =	shalt  }
0x81: {  	_ =	shalt  }
0x82: {  	_ =	shalt  }
0x83: {  	_ =	shalt  }
0x84: {  	_ =	shalt  }
0x85: {  	_ =	shalt  }
0x86: {  	_ =	shalt  }
0x87: {  	_ =	shalt  }
.Lfunc_end0:
.L_simem_size_0:
called_computation_lowered:
.L_overlay_start_0:
0x88: {  	s2 =	sld [smem:$0x3FD9]  }
0x89: {  	s3 =	sld [smem:$0x3FFE];
	_ =	sdelay $0x1  }
0x8a: {  	s1 =	srdreg.scid  }
0x8b: {  	s0 =	sand.u32 $0x1, s1  }
0x8c: {  	s16 =	sshll.u32 s0, $0xA;
	s2 =	sadd.s32 s3, s2  }
0x8d: {  	s2 =	sadd.s32 s2, s16  }
0x8e: {  	[smem:$0x3FC3] =	sst s2  }
0x8f: {  	_ = 	snop  }
0x90: {  	(tm) =	ssettm $0x1  }
0x91: {  	s17 =	sld [smem:$0x3FFB];
	_ =	sdelay $0x3  }
0x92: {  	_ =	strace s17  }
0x93: {  	s2 =	sld [smem:$0x3FFC];
	_ =	sdelay $0x3  }
0x94: {  	_ =	strace s2  }
0x95: {  	s2 =	sld [smem:$0x3FFD];
	_ =	sdelay $0x3  }
0x96: {  	_ =	strace s2  }
0x97: {  	_ =	strace $0x8FFFFFFF  }
0x98: {  	s18 =	sld [smem:$0x3FDB];
	_ =	sdelay $0x1  }
0x99: {  	s19 =	simm.s32 $_scs_section_size  }
0x9a: {  	s4 =	simm.s32 $_size__tile_overlayer_lowered;
	s5 =	simm.s32 $_tile_overlayer_lowered  }
0x9b: {  	s22 =	simm.s32 $0x1BFF;
	s21 =	sshll.u32 s5, $0x1;
	s2 =	sadd.s32 s19, s18  }
0x9c: {  	s6 =	simm.s32 $0x0;
	s20 =	sshll.u32 s4, $0x1;
	s4 =	sadd.s32 s21, s2  }
0x9d: {  	[timem:s6], [sflag:s22] =	dma.local [hbm:s4], s20  }
0x9e: {  	_ =	swait.ge [sflag:s22], s20  }
0x9f: {  	s3 =	ssub.s32 $0x0, s20;
	[sflag:s22] =	ssyncset.done $0x0  }
0xa0: {  	[sflag:s22] =	ssyncadd.s32 s3;
	_ =	sdelay $0x1  }
0xa1: {  	s23 =	simm.s32 $0x1B8B  }
0xa2: {  	_ =	swait.ge [sflag:s23], $0x1  }
0xa3: {  	[sflag:s23] =	ssyncset.done $0x0  }
0xa4: {  	s25 =	simm.s32 $0x1B8E;
	s24 =	sld [smem:$0x3FFE];
	[sflag:s23] =	ssyncadd.s32 $0xFFFFFFFF  }
0xa5: {  	s26 =	simm.s32 $execute0_lowered;
	[smem:$0x3FD2] =	sst s25  }
0xa6: {  	s4 =	sshll.u32 s26, $0x1;
	_ =	strace $0x80000046;
	[dreg:$0x1] =	wrdreg $0xFFFFFFFF  }
0xa7: {  	s28 =	simm.s32 $_size_execute0_lowered;
	s2 =	sadd.s32 s2, s4;
	[dreg:$0x0] =	wrdreg $0x0  }
0xa8: {  	s4 =	sshll.u32 s28, $0x1;
	[dreg:$0x2] =	wrdreg s2  }
0xa9: {  	[dreg:$0x3] =	wrdreg s4  }
0xaa: {  	[dreg:$0x4] =	wrdreg $0xC0  }
0xab: {  	_ =	task [dreg:s6], $0x5FFFF  }
0xac: {  	[dreg:$0x1] =	wrdreg $0xFFFFFFFF  }
0xad: {  	[dreg:$0x0] =	wrdreg $0x60  }
0xae: {  	[dreg:$0x2] =	wrdreg s24  }
0xaf: {  	[dreg:$0x3] =	wrdreg $0x9  }
0xb0: {  	_ =	task.clear_ibuf [dreg:s6], $0x4FFFF;
	_ =	strace $0x90000046  }
0xb1: {  	s29 =	simm.s32 $0x9;
	_ =	strace $0x80000048  }
0xb2: {  	_ =	swait.ge [sflag:s29], $0x1  }
0xb3: {  	[sflag:s29] =	ssyncadd.s32 $0xFFFFFFFF  }
0xb4: {  	_ =	strace $0x90000048  }
0xb5: {  	_ =	sfence  }
0xb6: {  	s30 =	sld [smem:$0x0];
	_ =	sdelay $0x2  }
0xb7: {  	s31 =	sshll.u32 s1, $0xD;
	s1 =	sshrl.u32 s1, $0x2  }
0xb8: {  	s3 =	sand.u32 $0x4000, s31;
	s1 =	sadd.s32 s1, s30  }
0xb9: {  	s0 =	sor.u32 s3, s0;
	s1 =	sshll.u32 s1, $0x11  }
0xba: {  	s0 =	sor.u32 s1, s0  }
0xbb: {  	s0 =	sadd.s32 $0x8F2B, s0  }
0xbc: {  	[sflag:s0] =	ssyncadd.remote.s32 $0x1  }
0xbd: {  	_ =	sfence.sel $0xFFFF  }
0xbe: {  	[dreg:$0x0] =	wrdreg $0xFFFFFFFF;
	(pc) =	sbr.abs _section_cstart, $3  }
0xbf: {  	[dreg:$0x1] =	wrdreg $0xFFFFFFFF  }
0xc0: {  	_ =	task.clear_ibuf [dreg:s6], $0x2FFFF;
	_ =	strace $0x9FFFFFFF  }
0xc1: {  	(tm) =	ssettm $0x7FFFFFFF  }
tec
execute0_lowered:
.L_overlay_start_1:
0x0: {  	(tag) =	ssettag $0x1  }
0x1: {  	s1 =	srdreg.scid  }
0x2: {  	s0 =	stileid.u32;
	s15 =	sand.u32 $0x1, s1  }
0x3: {  	s14 =	rddreg [dreg:$0x0];
	s3 =	sshll.u32 s0, $0x6;
	s4 =	sshll.u32 s15, $0x5  }
0x4: {  	s2 =	simm.s32 $0x0;
	s1 =	rddreg [dreg:$0x1];
	s13 =	sor.u32 s4, s3  }
0x5: {  	[smem:$0x7FF] =	sst s2;
	s16 =	sadd.s32 $0xDF600, s14;
	s3 =	sshrl.u32 s13, $0x3  }
0x6: {  	_ =	strace $0x80000047;
	s4 =	sadd.s32 s16, s3;
	s3 =	simm.s32 $0x2  }
0x7: {  	[tilespmem:s2], [sflag:$0x2] =	stream.linear.gather [hbm4b:s4+s2], $0x20, $0x38;
	[tilespmem:$0x1080] =	vst v63  }
0x8: {  	_ =	swait.ge [sflag:s3], $0x20  }
0x9: {  	s6 =	simm.s32 $0x20;
	s7 =	simm.s32 $0x80;
	[sflag:s3] =	ssyncset.done $0x0  }
0xa: {  	s8 =	simm.s32 $0x1;
	s5 =	sadd.s32 $0xD4C00, s14;
	[sflag:s3] =	ssyncadd.s32 $0xFFFFFFE0  }
0xb: {  	[tilespmem:s7], [sflag:$0x1] =	stream.indirect.gather [hbm4b:s5+s6], $0x80, s2, s6, $0xb8;
	[tilespmem:$0x1080] =	vst v63  }
0xc: {  	_ =	swait.ge [sflag:s8], $0x1000  }
0xd: {  	s17 =	sadd.s32 $0xDF800, s14;
	s9 =	sshll.u32 s13, $0x4;
	[sflag:s8] =	ssyncset.done $0x0  }
0xe: {  	s9 =	sadd.s32 s17, s9;
	[sflag:s8] =	ssyncadd.s32 $0xFFFFF000  }
0xf: {  	[hbm4b:s9+s2] =	stream.linear.scatter [tilespmem:s7], [sflag:$0x2], $0x1000, $0x38;
	[tilespmem:$0x1080] =	vst v63  }
0x10: {  	s12 =	sor.u32 $0x400, s13;
	_ =	swait.ge [sflag:s3], $0x1000  }
0x11: {  	s10 =	sshrl.u32 s12, $0x3;
	[sflag:s3] =	ssyncset.done $0x0  }
0x12: {  	s10 =	sadd.s32 s16, s10;
	[sflag:s3] =	ssyncadd.s32 $0xFFFFF000  }
0x13: {  	[tilespmem:s2], [sflag:$0x2] =	stream.linear.gather [hbm4b:s10+s2], $0x20, $0x38;
	[tilespmem:$0x1080] =	vst v63  }
0x14: {  	_ =	swait.ge [sflag:s3], $0x20  }
0x15: {  	[sflag:s3] =	ssyncset.done $0x0  }
0x16: {  	s11 =	sadd.s32 $0xAA800, s14;
	[sflag:s3] =	ssyncadd.s32 $0xFFFFFFE0  }
0x17: {  	[tilespmem:s7], [sflag:$0x1] =	stream.indirect.gather [hbm4b:s11+s6], $0x80, s2, s6, $0xb8;
	[tilespmem:$0x1080] =	vst v63  }
0x18: {  	_ =	swait.ge [sflag:s8], $0x1000  }
0x19: {  	s12 =	sshll.u32 s12, $0x4;
	[sflag:s8] =	ssyncset.done $0x0  }
0x1a: {  	s12 =	sadd.s32 s17, s12;
	[sflag:s8] =	ssyncadd.s32 $0xFFFFF000  }
0x1b: {  	[hbm4b:s12+s2] =	stream.linear.scatter [tilespmem:s7], [sflag:$0x2], $0x1000, $0x38;
	[tilespmem:$0x1080] =	vst v63  }
0x1c: {  	s18 =	sor.u32 $0x800, s13;
	_ =	swait.ge [sflag:s3], $0x1000  }
0x1d: {  	s13 =	sshrl.u32 s18, $0x3;
	[sflag:s3] =	ssyncset.done $0x0  }
0x1e: {  	s15 =	ssub.s32 $0x2, s15;
	s13 =	sadd.s32 s16, s13;
	[sflag:s3] =	ssyncadd.s32 $0xFFFFF000  }
0x1f: {  	[tilespmem:s2], [sflag:$0x2] =	stream.linear.gather [hbm4b:s13+s2], $0x20, $0x38;
	[tilespmem:$0x1080] =	vst v63  }
0x20: {  	s30 =	sshrl.u32 s15, $0x1;
	_ =	swait.ge [sflag:s3], $0x20  }
0x21: {  	s16 =	ssub.s32 s15, s30;
	[sflag:s3] =	ssyncset.done $0x0  }
0x22: {  	s14 =	sadd.s32 $0x1600, s14;
	s16 =	smax.u32 s16, $0x1;
	[sflag:s3] =	ssyncadd.s32 $0xFFFFFFE0  }
0x23: {  	[tilespmem:s7], [sflag:$0x1] =	stream.indirect.gather [hbm4b:s14+s6], $0x80, s2, s6, $0xb8;
	[tilespmem:$0x1080] =	vst v63  }
0x24: {  	p0 =	sne.s32 s16, $0x1;
	_ =	swait.ge [sflag:s8], $0x1000  }
.Ltmp0:
0x25: {  	s31 =	sshll.u32 s18, $0x4;
	[sflag:s8] =	ssyncset.done $0x0;
	(pc) =	sbr.rel @!p0 .LBB2_2-.Ltmp0, $4  }
0x26: {  	s15 =	sadd.s32 s17, s31;
	[sflag:s8] =	ssyncadd.s32 $0xFFFFF000  }
0x27: {  	[hbm4b:s15+s2] =	stream.linear.scatter [tilespmem:s7], [sflag:$0x2], $0x1000, $0x38;
	[tilespmem:$0x1080] =	vst v63  }
0x28: {  	_ =	swait.ge [sflag:s3], $0x1000  }
0x29: {  	s16 =	sadd.s32 $0xFFFFFFFF, s16;
	[sflag:s3] =	ssyncset.done $0x0  }
.LBB2_1:
0x2a: {  	p0 =	sne.s32 s16, $0x1;
	s16 =	sadd.s32 $0xFFFFFFFF, s16;
	[sflag:s3] =	ssyncadd.s32 $0xFFFFF000  }
0x2b: {  	[tilespmem:s2], [sflag:$0x2] =	stream.linear.gather [hbm4b:s4+s2], $0x20, $0x38;
	[tilespmem:$0x1080] =	vst v63  }
0x2c: {  	_ =	swait.ge [sflag:s3], $0x20  }
0x2d: {  	[sflag:s3] =	ssyncset.done $0x0  }
0x2e: {  	[sflag:s3] =	ssyncadd.s32 $0xFFFFFFE0  }
0x2f: {  	[tilespmem:s7], [sflag:$0x1] =	stream.indirect.gather [hbm4b:s5+s6], $0x80, s2, s6, $0xb8;
	[tilespmem:$0x1080] =	vst v63  }
0x30: {  	_ =	swait.ge [sflag:s8], $0x1000  }
0x31: {  	[sflag:s8] =	ssyncset.done $0x0  }
0x32: {  	[sflag:s8] =	ssyncadd.s32 $0xFFFFF000  }
0x33: {  	[hbm4b:s9+s2] =	stream.linear.scatter [tilespmem:s7], [sflag:$0x2], $0x1000, $0x38;
	[tilespmem:$0x1080] =	vst v63  }
0x34: {  	_ =	swait.ge [sflag:s3], $0x1000  }
0x35: {  	[sflag:s3] =	ssyncset.done $0x0  }
0x36: {  	[sflag:s3] =	ssyncadd.s32 $0xFFFFF000  }
0x37: {  	[tilespmem:s2], [sflag:$0x2] =	stream.linear.gather [hbm4b:s10+s2], $0x20, $0x38;
	[tilespmem:$0x1080] =	vst v63  }
0x38: {  	_ =	swait.ge [sflag:s3], $0x20  }
0x39: {  	[sflag:s3] =	ssyncset.done $0x0  }
0x3a: {  	[sflag:s3] =	ssyncadd.s32 $0xFFFFFFE0  }
0x3b: {  	[tilespmem:s7], [sflag:$0x1] =	stream.indirect.gather [hbm4b:s11+s6], $0x80, s2, s6, $0xb8;
	[tilespmem:$0x1080] =	vst v63  }
0x3c: {  	_ =	swait.ge [sflag:s8], $0x1000  }
0x3d: {  	[sflag:s8] =	ssyncset.done $0x0  }
0x3e: {  	[sflag:s8] =	ssyncadd.s32 $0xFFFFF000  }
0x3f: {  	[hbm4b:s12+s2] =	stream.linear.scatter [tilespmem:s7], [sflag:$0x2], $0x1000, $0x38;
	[tilespmem:$0x1080] =	vst v63  }
0x40: {  	_ =	swait.ge [sflag:s3], $0x1000  }
0x41: {  	[sflag:s3] =	ssyncset.done $0x0  }
0x42: {  	[sflag:s3] =	ssyncadd.s32 $0xFFFFF000  }
0x43: {  	[tilespmem:s2], [sflag:$0x2] =	stream.linear.gather [hbm4b:s13+s2], $0x20, $0x38;
	[tilespmem:$0x1080] =	vst v63  }
0x44: {  	_ =	swait.ge [sflag:s3], $0x20  }
0x45: {  	[sflag:s3] =	ssyncset.done $0x0  }
0x46: {  	[sflag:s3] =	ssyncadd.s32 $0xFFFFFFE0  }
0x47: {  	[tilespmem:s7], [sflag:$0x1] =	stream.indirect.gather [hbm4b:s14+s6], $0x80, s2, s6, $0xb8;
	[tilespmem:$0x1080] =	vst v63  }
0x48: {  	_ =	swait.ge [sflag:s8], $0x1000  }
.Ltmp1:
0x49: {  	[sflag:s8] =	ssyncset.done $0x0;
	(pc) =	sbr.rel @p0 .LBB2_1-.Ltmp1, $4  }
0x4a: {  	[sflag:s8] =	ssyncadd.s32 $0xFFFFF000  }
0x4b: {  	[hbm4b:s15+s2] =	stream.linear.scatter [tilespmem:s7], [sflag:$0x2], $0x1000, $0x38;
	[tilespmem:$0x1080] =	vst v63  }
0x4c: {  	_ =	swait.ge [sflag:s3], $0x1000  }
0x4d: {  	[sflag:s3] =	ssyncset.done $0x0  }
.LBB2_2:
0x4e: {  	[sflag:s3] =	ssyncadd.s32 $0xFFFFF000  }
0x4f: {  	_ =	sfence.sel $0x180000  }
0x50: {  	[bflag:$0x0] =	sbarrier.arrive $0xFFFF  }
0x51: {  	p0 =	sne.s32 s0, $0x0;
	_ =	strace $0x90000047  }
0x52: {  	s0 =	sadd.s32 @!p0 $0x100000, s1;
	[bflag:$0x2] =	sbarrier.arrive $0xFFFF  }
0x53: {  	[sflag:s0] =	ssyncadd.tile.s32 @!p0 $0x1;
	_ =	shalt  }
.Lfunc_end2:
_tile_overlayer_lowered:
.L_overlay_start_2:
0x54: {  	(tag) =	ssettag $0x2  }
0x55: {  	s0 =	rddreg [dreg:$0x0];
	s2 =	stileid.u32  }
0x56: {  	s1 =	rddreg [dreg:$0x1];
	p0 =	sne.s32 s2, $0x0  }
0x57: {  	s3 =	rddreg [dreg:$0x2];
	[bflag:$0x3] =	sbarrier.arrive $0xFFFF;
	s2 =	simm.s32 @!p0 $0x1C02  }
0x58: {  	[timem:s3], [sflag:s2] =	dma.local @!p0 [hbm:s0], s1  }
0x59: {  	s0 =	simm.s32 @!p0 $0x2  }
0x5a: {  	_ =	swait.ge @!p0 [sflag:s0], s1  }
0x5b: {  	s1 =	ssub.s32 @!p0 $0x0, s1;
	[sflag:s0] =	ssyncset.done @!p0 $0x0  }
0x5c: {  	[sflag:s0] =	ssyncadd.s32 @!p0 s1  }
0x5d: {  	[bflag:$0x3] =	sbarrier.arrive $0xFFFF  }
0x5e: {  	_ =	shalt  }

</sc_bundles>
